<compile_context>
chip_gen: v7x
topology: tpu7x:2x2x1
jax: 0.10.2.dev20260603
libtpu: 0.0.44.dev20260713+nightly
codegen_flags: <defaults>
</compile_context>

<pallas_src>
import functools

import jax
import jax.numpy as jnp
import numpy as np
from jax.experimental import pallas as pl

T, N, NX, NY = 2048, 2, 32, 32
D = 768
H = 4
DH = D // H
DFF = 4 * D
L = 2
BUCKET = 4
NH = 4
B = N
S = T
NROT = (T // BUCKET) // 2
W = NH * B * H
KB = 256
NBLK = S // KB
SCALE = 1.0 / (DH ** 0.5)
NEG = -1e30


def _pos_emb(seq, d):
    pos = np.arange(seq)[:, None].astype(np.float64)
    i = np.arange(d)[None, :].astype(np.float64)
    angle = pos / np.power(10000.0, (2.0 * (i // 2)) / d)
    pe = np.zeros((seq, d), dtype=np.float32)
    pe[:, 0::2] = np.sin(angle[:, 0::2])
    pe[:, 1::2] = np.cos(angle[:, 1::2])
    return jnp.asarray(pe)


def _ln_rows(x, g, b):
    m = jnp.mean(x, axis=-1, keepdims=True)
    v = jnp.mean((x - m) * (x - m), axis=-1, keepdims=True)
    return (x - m) / jnp.sqrt(v + 1e-5) * g + b


def _front_kernel(xp_ref, cw_ref, pe_ref, o_ref):
    xp = xp_ref[0]
    t0 = jnp.dot(xp[0:S, :], cw_ref[0], preferred_element_type=jnp.float32)
    t1 = jnp.dot(xp[1:S + 1, :], cw_ref[1], preferred_element_type=jnp.float32)
    t2 = jnp.dot(xp[2:S + 2, :], cw_ref[2], preferred_element_type=jnp.float32)
    o_ref[0] = ((t0 + t1) + t2) + pe_ref[...]


def _front(xp, cw_cat, pe):
    return pl.pallas_call(
        _front_kernel,
        grid=(B,),
        in_specs=[
            pl.BlockSpec((1, S + 2, NX), lambda i: (i, 0, 0)),
            pl.BlockSpec((3, NX, D), lambda i: (0, 0, 0)),
            pl.BlockSpec((S, D), lambda i: (0, 0)),
        ],
        out_specs=pl.BlockSpec((1, S, D), lambda i: (i, 0, 0)),
        out_shape=jax.ShapeDtypeStruct((B, S, D), jnp.float32),
    )(xp, cw_cat, pe)


def _qkv_kernel(h_ref, wqk_ref, wv_ref, rot_ref, qkv_ref, bk_ref):
    h = h_ref[0]
    qk = jnp.dot(h, wqk_ref[...], preferred_element_type=jnp.float32)
    v = jnp.dot(h, wv_ref[...], preferred_element_type=jnp.float32)
    for hh in range(H):
        qk_h = qk[:, hh * DH:(hh + 1) * DH]
        qkv_ref[0, hh, :, 0:DH] = qk_h
        qkv_ref[0, hh, :, DH:2 * DH] = v[:, hh * DH:(hh + 1) * DH]
        for r in range(NH):
            rot = jnp.dot(qk_h, rot_ref[r], preferred_element_type=jnp.float32)
            m1 = jnp.max(rot, axis=-1, keepdims=True)
            i1 = jnp.argmax(rot, axis=-1, keepdims=True)
            m2 = -jnp.min(rot, axis=-1, keepdims=True)
            i2 = jnp.argmin(rot, axis=-1, keepdims=True)
            bk_ref[r, 0, hh] = jnp.where(m1 >= m2, i1, i2 + NROT).astype(jnp.int32)


def _qkv_buckets(h, wqk, wv, rot):
    SB = 512
    return pl.pallas_call(
        _qkv_kernel,
        grid=(B, S // SB),
        in_specs=[
            pl.BlockSpec((1, SB, D), lambda i, j: (i, j, 0)),
            pl.BlockSpec((D, D), lambda i, j: (0, 0)),
            pl.BlockSpec((D, D), lambda i, j: (0, 0)),
            pl.BlockSpec((NH, DH, NROT), lambda i, j: (0, 0, 0)),
        ],
        out_specs=[
            pl.BlockSpec((1, H, SB, 2 * DH), lambda i, j: (i, 0, j, 0)),
            pl.BlockSpec((NH, 1, H, SB, 1), lambda i, j: (0, i, 0, j, 0)),
        ],
        out_shape=[
            jax.ShapeDtypeStruct((B, H, S, 2 * DH), jnp.float32),
            jax.ShapeDtypeStruct((NH, B, H, S, 1), jnp.int32),
        ],
    )(h, wqk, wv, rot)


def _attn_kernel(sqkv_ref, tail_ref, o_ref, lse_ref):
    blk = sqkv_ref[0]
    q = blk[:, 0:DH]
    k = blk[:, 0:DH]
    vv = blk[:, DH:2 * DH]
    kn = k / (jnp.sqrt(jnp.sum(k * k, axis=-1, keepdims=True)) + 1e-8)
    tail = tail_ref[0]
    kt = tail[:, 0:DH]
    vt = tail[:, DH:2 * DH]
    knt = kt / (jnp.sqrt(jnp.sum(kt * kt, axis=-1, keepdims=True)) + 1e-8)

    dots = jax.lax.dot_general(q, kn, (((1,), (1,)), ((), ())),
                               preferred_element_type=jnp.float32) / (DH ** 0.5)
    dots_t = jax.lax.dot_general(q, knt, (((1,), (1,)), ((), ())),
                                 preferred_element_type=jnp.float32) / (DH ** 0.5)

    ri = jax.lax.broadcasted_iota(jnp.int32, (KB, KB), 0)
    ci = jax.lax.broadcasted_iota(jnp.int32, (KB, KB), 1)
    band = ((ri // BUCKET) == (ci // BUCKET)) | ((ri // BUCKET) == (ci // BUCKET) + 1)
    dots = jnp.where(ri == ci, -1e5, dots)
    dots = jnp.where(band, dots, NEG)

    rows_t = jax.lax.broadcasted_iota(jnp.int32, (KB, BUCKET), 0)
    dots_t = jnp.where(rows_t < BUCKET, dots_t, NEG)

    m = jnp.maximum(jnp.max(dots, axis=-1, keepdims=True),
                    jnp.max(dots_t, axis=-1, keepdims=True))
    e = jnp.exp(dots - m)
    et = jnp.exp(dots_t - m)
    denom = jnp.sum(e, axis=-1, keepdims=True) + jnp.sum(et, axis=-1, keepdims=True)
    lse = m + jnp.log(denom)
    a = jnp.exp(dots - lse)
    at = jnp.exp(dots_t - lse)
    o = jnp.dot(a, vv, preferred_element_type=jnp.float32)
    o = o + jnp.dot(at, vt, preferred_element_type=jnp.float32)
    o_ref[0] = o
    lse_ref[0] = lse


def _attention(sqkv, tails):
    return pl.pallas_call(
        _attn_kernel,
        grid=(W, NBLK),
        in_specs=[
            pl.BlockSpec((1, KB, 2 * DH), lambda w, j: (w, j, 0)),
            pl.BlockSpec((1, BUCKET, 2 * DH), lambda w, j: (w * NBLK + j, 0, 0)),
        ],
        out_specs=[
            pl.BlockSpec((1, KB, DH), lambda w, j: (w, j, 0)),
            pl.BlockSpec((1, KB, 1), lambda w, j: (w, j, 0)),
        ],
        out_shape=[
            jax.ShapeDtypeStruct((W, S, DH), jnp.float32),
            jax.ShapeDtypeStruct((W, S, 1), jnp.float32),
        ],
    )(sqkv, tails)


def _comb_kernel(outs_ref, lses_ref, h_ref, wo_ref, bo_ref, g_ref, b_ref, xn_ref):
    ls = [lses_ref[r, 0] for r in range(NH)]
    m = ls[0]
    for r in range(1, NH):
        m = jnp.maximum(m, ls[r])
    es = [jnp.exp(ls[r] - m) for r in range(NH)]
    den = es[0]
    for r in range(1, NH):
        den = den + es[r]
    y = jnp.zeros_like(h_ref[0])
    for hh in range(H):
        oh = None
        for r in range(NH):
            wgt = es[r][:, hh:hh + 1] / den[:, hh:hh + 1]
            contrib = wgt * outs_ref[r, 0, hh]
            oh = contrib if oh is None else oh + contrib
        y = y + jnp.dot(oh, wo_ref[hh * DH:(hh + 1) * DH, :],
                        preferred_element_type=jnp.float32)
    x1 = h_ref[0] + y + bo_ref[0, 0]
    xn_ref[0] = _ln_rows(x1, g_ref[0, 0], b_ref[0, 0])


def _combine(outs, lses, h, wo, bo, g, b):
    SB = 512
    return pl.pallas_call(
        _comb_kernel,
        grid=(B, S // SB),
        in_specs=[
            pl.BlockSpec((NH, 1, H, SB, DH), lambda i, j: (0, i, 0, j, 0)),
            pl.BlockSpec((NH, 1, SB, H), lambda i, j: (0, i, j, 0)),
            pl.BlockSpec((1, SB, D), lambda i, j: (i, j, 0)),
            pl.BlockSpec((D, D), lambda i, j: (0, 0)),
            pl.BlockSpec((1, 1, D), lambda i, j: (0, 0, 0)),
            pl.BlockSpec((1, 1, D), lambda i, j: (0, 0, 0)),
            pl.BlockSpec((1, 1, D), lambda i, j: (0, 0, 0)),
        ],
        out_specs=pl.BlockSpec((1, SB, D), lambda i, j: (i, j, 0)),
        out_shape=jax.ShapeDtypeStruct((B, S, D), jnp.float32),
    )(outs, lses, h, wo, bo.reshape(1, 1, D), g.reshape(1, 1, D), b.reshape(1, 1, D))


def _ffn_kernel(xn_ref, w1_ref, b1_ref, w2_ref, b2_ref, g_ref, b_ref, o_ref):
    xn = xn_ref[0]
    y1 = jnp.dot(xn, w1_ref[...], preferred_element_type=jnp.float32) + b1_ref[0, 0]
    y1 = 0.5 * y1 * (1.0 + jax.lax.erf(y1 * (2.0 ** -0.5)))
    y = jnp.dot(y1, w2_ref[...], preferred_element_type=jnp.float32) + b2_ref[0, 0]
    o_ref[0] = _ln_rows(xn + y, g_ref[0, 0], b_ref[0, 0])


def _ffn(xn, w1, b1, w2, b2, g, b):
    SB = 512
    return pl.pallas_call(
        _ffn_kernel,
        grid=(B, S // SB),
        in_specs=[
            pl.BlockSpec((1, SB, D), lambda i, j: (i, j, 0)),
            pl.BlockSpec((D, DFF), lambda i, j: (0, 0)),
            pl.BlockSpec((1, 1, DFF), lambda i, j: (0, 0, 0)),
            pl.BlockSpec((DFF, D), lambda i, j: (0, 0)),
            pl.BlockSpec((1, 1, D), lambda i, j: (0, 0, 0)),
            pl.BlockSpec((1, 1, D), lambda i, j: (0, 0, 0)),
            pl.BlockSpec((1, 1, D), lambda i, j: (0, 0, 0)),
        ],
        out_specs=pl.BlockSpec((1, SB, D), lambda i, j: (i, j, 0)),
        out_shape=jax.ShapeDtypeStruct((B, S, D), jnp.float32),
    )(xn, w1, b1.reshape(1, 1, DFF), w2, b2.reshape(1, 1, D),
      g.reshape(1, 1, D), b.reshape(1, 1, D))


def _final_kernel(h_ref, g_ref, b_ref, w_ref, pb_ref, o_ref):
    xn = _ln_rows(h_ref[0], g_ref[0, 0], b_ref[0, 0])
    o_ref[0] = jnp.dot(xn, w_ref[...], preferred_element_type=jnp.float32) + pb_ref[0, 0]


def _final_proj(h, g, b, w, pb):
    SB = 512
    return pl.pallas_call(
        _final_kernel,
        grid=(B, S // SB),
        in_specs=[
            pl.BlockSpec((1, SB, D), lambda i, j: (i, j, 0)),
            pl.BlockSpec((1, 1, D), lambda i, j: (0, 0, 0)),
            pl.BlockSpec((1, 1, D), lambda i, j: (0, 0, 0)),
            pl.BlockSpec((D, NY), lambda i, j: (0, 0)),
            pl.BlockSpec((1, 1, NY), lambda i, j: (0, 0, 0)),
        ],
        out_specs=pl.BlockSpec((1, SB, NY), lambda i, j: (i, j, 0)),
        out_shape=jax.ShapeDtypeStruct((B, S, NY), jnp.float32),
    )(h, g.reshape(1, 1, D), b.reshape(1, 1, D), w, pb.reshape(1, 1, NY))


def _sort_gather(buckets, qkv):
    pos = jnp.arange(S, dtype=jnp.int32)
    comb = buckets * S + pos[None, None, None, :]
    sidx = jnp.argsort(comb, axis=-1)
    sq = jnp.take_along_axis(qkv[None], sidx[..., None], axis=3)
    sqkv = sq.reshape(W, S, 2 * DH)
    sidx_w = sidx.reshape(W, S)
    blocks = sqkv.reshape(W, NBLK, KB, 2 * DH)
    tails = jnp.roll(blocks[:, :, KB - BUCKET:KB, :], 1, axis=1)
    tails = tails.reshape(W * NBLK, BUCKET, 2 * DH)
    return sqkv, tails, sidx_w


def _scatter_back(souts, slse, sidx_w):
    lse_w = slse.reshape(W, S)
    inv = jnp.argsort(sidx_w, axis=-1)
    outs = jnp.take_along_axis(souts, inv[..., None], axis=1)
    lses = jnp.take_along_axis(lse_w, inv, axis=1)
    outs = outs.reshape(NH, B, H, S, DH)
    lses = lses.reshape(NH, B, H, S).transpose(0, 1, 3, 2)
    return outs, lses


def kernel(x, conv_w, temb_w, W_qk, W_v, W_o, b_o, ln1_g, ln1_b, ln2_g, ln2_b,
           ff1_w, ff1_b, ff2_w, ff2_b, enc_norm_g, enc_norm_b, proj_w, proj_b):
    rot = jax.random.normal(jax.random.key(42), (NH, DH, NROT), dtype=jnp.float32)
    x_enc = x.transpose(1, 0, 2)
    xp = jnp.concatenate([x_enc[:, -1:], x_enc, x_enc[:, :1]], axis=1)
    pe = _pos_emb(T, D)
    h = _front(xp, conv_w, pe)
    for l in range(L):
        qkv, buckets = _qkv_buckets(h, W_qk[l], W_v[l], rot)
        sqkv, tails, sidx_w = _sort_gather(buckets.reshape(NH, B, H, S), qkv)
        souts, slse = _attention(sqkv, tails)
        outs, lses = _scatter_back(souts, slse, sidx_w)
        xn = _combine(outs, lses, h, W_o[l], b_o[l], ln1_g[l], ln1_b[l])
        h = _ffn(xn, ff1_w[l], ff1_b[l], ff2_w[l], ff2_b[l], ln2_g[l], ln2_b[l])
    out = _final_proj(h, enc_norm_g, enc_norm_b, proj_w, proj_b)
    return out.transpose(1, 0, 2)

# --- scband reference (transcript-rebuilt; emitter-appended) ---
"""Pipeline reference for scband-reformer-18966575579405 (READ-ONLY COPY).

The authoritative reference and input builder live on the scoring server;
editing this copy changes nothing except your own understanding.
"""

import jax, jax.numpy as jnp
import numpy as np

T, N, NX, NY = 2048, 2, 32, 32
D = 768
H = 4
DH = D // H
DFF = 4 * D
L = 2
BUCKET = 4
NH = 4


def _pos_emb(seq, d):
    pos = np.arange(seq)[:, None].astype(np.float64)
    i = np.arange(d)[None, :].astype(np.float64)
    angle = pos / np.power(10000.0, (2.0 * (i // 2)) / d)
    pe = np.zeros((seq, d), dtype=np.float32)
    pe[:, 0::2] = np.sin(angle[:, 0::2])
    pe[:, 1::2] = np.cos(angle[:, 1::2])
    return jnp.asarray(pe)


def _ln(x, g, b):
    m = x.mean(-1, keepdims=True)
    v = x.var(-1, keepdims=True)
    return (x - m) / jnp.sqrt(v + 1e-5) * g + b


def _lsh_attn(x, Wqk, Wv, Wo, bo, rot):
    B, S, Dm = x.shape
    qk = (x @ Wqk).reshape(B, S, H, DH).transpose(0, 2, 1, 3)
    v = (x @ Wv).reshape(B, S, H, DH).transpose(0, 2, 1, 3)
    kn = qk / (jnp.linalg.norm(qk, axis=-1, keepdims=True) + 1e-8)
    pos = jnp.arange(S)
    c = BUCKET
    nc = S // c
    outs, lses = [], []
    for r in range(NH):
        rotated = jnp.einsum('bhsd,dk->bhsk', qk, rot[r])
        buckets = jnp.argmax(jnp.concatenate([rotated, -rotated], -1), -1)
        comb = buckets * S + pos[None, None, :]
        sidx = jnp.argsort(comb, axis=-1)
        uidx = jnp.argsort(sidx, axis=-1)
        sq = jnp.take_along_axis(qk, sidx[..., None], axis=2)
        sk = jnp.take_along_axis(kn, sidx[..., None], axis=2)
        sv = jnp.take_along_axis(v, sidx[..., None], axis=2)
        sp = jnp.take_along_axis(jnp.broadcast_to(pos[None, None, :], comb.shape), sidx, axis=-1)
        qc = sq.reshape(B, H, nc, c, DH)
        kc = sk.reshape(B, H, nc, c, DH)
        vc = sv.reshape(B, H, nc, c, DH)
        pc = sp.reshape(B, H, nc, c)
        kk = jnp.concatenate([kc, jnp.roll(kc, 1, axis=2)], axis=3)
        vv = jnp.concatenate([vc, jnp.roll(vc, 1, axis=2)], axis=3)
        pk = jnp.concatenate([pc, jnp.roll(pc, 1, axis=2)], axis=3)
        dots = jnp.einsum('bhncd,bhnkd->bhnck', qc, kk) / (DH ** 0.5)
        self_mask = pc[..., :, None] == pk[..., None, :]
        dots = jnp.where(self_mask, -1e5, dots)
        lse = jax.nn.logsumexp(dots, axis=-1)
        attn = jnp.exp(dots - lse[..., None])
        oc = jnp.einsum('bhnck,bhnkd->bhncd', attn, vv)
        os_ = oc.reshape(B, H, S, DH)
        ls_ = lse.reshape(B, H, S)
        outs.append(jnp.take_along_axis(os_, uidx[..., None], axis=2))
        lses.append(jnp.take_along_axis(ls_, uidx, axis=2))
    outs = jnp.stack(outs, 0)
    lses = jnp.stack(lses, 0)
    w = jax.nn.softmax(lses, axis=0)[..., None]
    o = (w * outs).sum(0)
    o = o.transpose(0, 2, 1, 3).reshape(B, S, Dm)
    return o @ Wo + bo


def _forward(x, conv_w, temb_w, W_qk, W_v, W_o, b_o, ln1_g, ln1_b, ln2_g, ln2_b, ff1_w, ff1_b, ff2_w, ff2_b, enc_norm_g, enc_norm_b, proj_w, proj_b, rot):
    x_enc = x.transpose(1, 0, 2)
    x_mark = jnp.zeros_like(x_enc[..., :1])
    xp = jnp.concatenate([x_enc[:, -1:], x_enc, x_enc[:, :1]], axis=1)
    tok = sum(jnp.einsum('btf,fd->btd', xp[:, k:k + T], conv_w[k]) for k in range(3))
    h = tok + _pos_emb(T, D)[None] + x_mark @ temb_w
    for l in range(L):
        a = _lsh_attn(h, W_qk[l], W_v[l], W_o[l], b_o[l], rot)
        x1 = h + a
        xn = _ln(x1, ln1_g[l], ln1_b[l])
        y = jax.nn.gelu(xn @ ff1_w[l] + ff1_b[l], approximate=False)
        y = y @ ff2_w[l] + ff2_b[l]
        h = _ln(xn + y, ln2_g[l], ln2_b[l])
    h = _ln(h, enc_norm_g, enc_norm_b)
    out = h @ proj_w + proj_b
    return out.transpose(1, 0, 2)


def setup_inputs(seed: int = 0):
    key = jax.random.key(seed)
    ks = jax.random.split(key, 16)
    s = 0.02
    inp = {}
    inp['x'] = jax.random.normal(ks[0], (T, N, NX), dtype=jnp.float32)
    inp['conv_w'] = jax.random.normal(ks[1], (3, NX, D), dtype=jnp.float32) * s
    inp['temb_w'] = jax.random.normal(ks[2], (1, D), dtype=jnp.float32) * s
    inp['W_qk'] = jax.random.normal(ks[3], (L, D, D), dtype=jnp.float32) * s
    inp['W_v'] = jax.random.normal(ks[4], (L, D, D), dtype=jnp.float32) * s
    inp['W_o'] = jax.random.normal(ks[5], (L, D, D), dtype=jnp.float32) * s
    inp['b_o'] = jnp.zeros((L, D), dtype=jnp.float32)
    inp['ln1_g'] = jnp.ones((L, D), dtype=jnp.float32)
    inp['ln1_b'] = jnp.zeros((L, D), dtype=jnp.float32)
    inp['ln2_g'] = jnp.ones((L, D), dtype=jnp.float32)
    inp['ln2_b'] = jnp.zeros((L, D), dtype=jnp.float32)
    inp['ff1_w'] = jax.random.normal(ks[6], (L, D, DFF), dtype=jnp.float32) * s
    inp['ff1_b'] = jnp.zeros((L, DFF), dtype=jnp.float32)
    inp['ff2_w'] = jax.random.normal(ks[7], (L, DFF, D), dtype=jnp.float32) * s
    inp['ff2_b'] = jnp.zeros((L, D), dtype=jnp.float32)
    inp['enc_norm_g'] = jnp.ones((D,), dtype=jnp.float32)
    inp['enc_norm_b'] = jnp.zeros((D,), dtype=jnp.float32)
    inp['proj_w'] = jax.random.normal(ks[8], (D, NY), dtype=jnp.float32) * s
    inp['proj_b'] = jnp.zeros((NY,), dtype=jnp.float32)
    return inp


def reference(x, conv_w, temb_w, W_qk, W_v, W_o, b_o, ln1_g, ln1_b, ln2_g, ln2_b, ff1_w, ff1_b, ff2_w, ff2_b, enc_norm_g, enc_norm_b, proj_w, proj_b):
    rot = jax.random.normal(jax.random.key(42), (NH, DH, (T // BUCKET) // 2), dtype=jnp.float32)
    return _forward(x, conv_w, temb_w, W_qk, W_v, W_o, b_o, ln1_g, ln1_b, ln2_g, ln2_b, ff1_w, ff1_b, ff2_w, ff2_b, enc_norm_g, enc_norm_b, proj_w, proj_b, rot)

if __name__ == "__main__":
    import jax
    _d = setup_inputs()
    print(jax.jit(kernel)(*tuple(_d.values())))

</pallas_src>

<mosaic_0001>
module attributes {stable_mosaic.version = 14 : i64} {
  func.func @_front_kernel(%arg0: i32, %arg1: memref<1x2050x32xf32, #tpu.memory_space<vmem>>, %arg2: memref<3x32x768xf32, #tpu.memory_space<vmem>>, %arg3: memref<2048x768xf32, #tpu.memory_space<vmem>>, %arg4: memref<1x2048x768xf32, #tpu.memory_space<vmem>>) attributes {dimension_semantics = [#tpu.dimension_semantics<arbitrary>], iteration_bounds = array<i64: 2>, scalar_prefetch = 0 : i64, scratch_operands = 0 : i64, tpu.core_type = #tpu.core_type<tc>, window_params = [{transform_indices = @transform_0, window_bounds = array<i64: 1, 2050, 32>}, {pipeline_mode = #tpu.pipeline_mode<synchronous>, transform_indices = @transform_1, window_bounds = array<i64: 3, 32, 768>}, {pipeline_mode = #tpu.pipeline_mode<synchronous>, transform_indices = @transform_2, window_bounds = array<i64: 2048, 768>}, {transform_indices = @transform_3, window_bounds = array<i64: 1, 2048, 768>}]} {
    %get3A = arith.constant 0 : index
    %get3A_0 = arith.constant 0 : index
    %get3A_1 = arith.constant 0 : index
    %get3A_2 = vector.load %arg1[%get3A, %get3A_0, %get3A_1] : memref<1x2050x32xf32, #tpu.memory_space<vmem>>, vector<1x2050x32xf32>
    %get3A_3 = vector.shape_cast %get3A_2 : vector<1x2050x32xf32> to vector<2050x32xf32>
    %slice3A = vector.extract_strided_slice %get3A_3 {offsets = [0, 0], sizes = [2048, 32], strides = [1, 1]} : vector<2050x32xf32> to vector<2048x32xf32>
    %get3A_4 = arith.constant 0 : index
    %get3A_5 = arith.constant 0 : index
    %get3A_6 = arith.constant 0 : index
    %get3A_7 = vector.load %arg2[%get3A_4, %get3A_5, %get3A_6] : memref<3x32x768xf32, #tpu.memory_space<vmem>>, vector<1x32x768xf32>
    %get3A_8 = vector.shape_cast %get3A_7 : vector<1x32x768xf32> to vector<32x768xf32>
    %dot_general3A = arith.constant dense<0.000000e+00> : vector<2048x768xf32>
    %dot_general3A_9 = tpu.matmul %slice3A, %get3A_8, %dot_general3A {dimension_numbers = #tpu.dot_dimension_numbers<[1], [0], [0], [1], [0, 0, 1, 1], [], []>, transpose_lhs_hint = false} : vector<2048x32xf32>, vector<32x768xf32>, vector<2048x768xf32> -> vector<2048x768xf32>
    %slice3A_10 = vector.extract_strided_slice %get3A_3 {offsets = [1, 0], sizes = [2048, 32], strides = [1, 1]} : vector<2050x32xf32> to vector<2048x32xf32>
    %get3A_11 = arith.constant 1 : index
    %get3A_12 = arith.constant 0 : index
    %get3A_13 = arith.constant 0 : index
    %get3A_14 = vector.load %arg2[%get3A_11, %get3A_12, %get3A_13] : memref<3x32x768xf32, #tpu.memory_space<vmem>>, vector<1x32x768xf32>
    %get3A_15 = vector.shape_cast %get3A_14 : vector<1x32x768xf32> to vector<32x768xf32>
    %dot_general3A_16 = arith.constant dense<0.000000e+00> : vector<2048x768xf32>
    %dot_general3A_17 = tpu.matmul %slice3A_10, %get3A_15, %dot_general3A_16 {dimension_numbers = #tpu.dot_dimension_numbers<[1], [0], [0], [1], [0, 0, 1, 1], [], []>, transpose_lhs_hint = false} : vector<2048x32xf32>, vector<32x768xf32>, vector<2048x768xf32> -> vector<2048x768xf32>
    %slice3A_18 = vector.extract_strided_slice %get3A_3 {offsets = [2, 0], sizes = [2048, 32], strides = [1, 1]} : vector<2050x32xf32> to vector<2048x32xf32>
    %get3A_19 = arith.constant 2 : index
    %get3A_20 = arith.constant 0 : index
    %get3A_21 = arith.constant 0 : index
    %get3A_22 = vector.load %arg2[%get3A_19, %get3A_20, %get3A_21] : memref<3x32x768xf32, #tpu.memory_space<vmem>>, vector<1x32x768xf32>
    %get3A_23 = vector.shape_cast %get3A_22 : vector<1x32x768xf32> to vector<32x768xf32>
    %dot_general3A_24 = arith.constant dense<0.000000e+00> : vector<2048x768xf32>
    %dot_general3A_25 = tpu.matmul %slice3A_18, %get3A_23, %dot_general3A_24 {dimension_numbers = #tpu.dot_dimension_numbers<[1], [0], [0], [1], [0, 0, 1, 1], [], []>, transpose_lhs_hint = false} : vector<2048x32xf32>, vector<32x768xf32>, vector<2048x768xf32> -> vector<2048x768xf32>
    %add3A = arith.addf %dot_general3A_9, %dot_general3A_17 : vector<2048x768xf32>
    %add3A_26 = arith.addf %add3A, %dot_general3A_25 : vector<2048x768xf32>
    %get3A_27 = arith.constant 0 : index
    %get3A_28 = arith.constant 0 : index
    %get3A_29 = vector.load %arg3[%get3A_27, %get3A_28] : memref<2048x768xf32, #tpu.memory_space<vmem>>, vector<2048x768xf32>
    %add3A_30 = arith.addf %add3A_26, %get3A_29 : vector<2048x768xf32>
    %swap3A = arith.constant 0 : index
    %swap3A_31 = arith.constant 0 : index
    %swap3A_32 = arith.constant 0 : index
    %swap3A_33 = vector.load %arg4[%swap3A, %swap3A_31, %swap3A_32] : memref<1x2048x768xf32, #tpu.memory_space<vmem>>, vector<1x2048x768xf32>
    %swap3A_34 = vector.shape_cast %swap3A_33 : vector<1x2048x768xf32> to vector<2048x768xf32>
    %swap3A_35 = vector.shape_cast %add3A_30 : vector<2048x768xf32> to vector<1x2048x768xf32>
    tpu.vector_store %arg4[%swap3A, %swap3A_31, %swap3A_32], %swap3A_35 {strides = array<i32>} : memref<1x2048x768xf32, #tpu.memory_space<vmem>>, vector<1x2048x768xf32>,
    return
  }
  func.func @transform_0(%arg0: i32) -> (i32, i32, i32) {
    %c0_i32 = arith.constant 0 : i32
    %c0_i32_0 = arith.constant 0 : i32
    %c0_i32_1 = arith.constant 0 : i32
    return %arg0, %c0_i32, %c0_i32_0 : i32, i32, i32
  }
  func.func @transform_1(%arg0: i32) -> (i32, i32, i32) {
    %c0_i32 = arith.constant 0 : i32
    %c0_i32_0 = arith.constant 0 : i32
    %c0_i32_1 = arith.constant 0 : i32
    %c0_i32_2 = arith.constant 0 : i32
    return %c0_i32, %c0_i32_0, %c0_i32_1 : i32, i32, i32
  }
  func.func @transform_2(%arg0: i32) -> (i32, i32) {
    %c0_i32 = arith.constant 0 : i32
    %c0_i32_0 = arith.constant 0 : i32
    %c0_i32_1 = arith.constant 0 : i32
    return %c0_i32, %c0_i32_0 : i32, i32
  }
  func.func @transform_3(%arg0: i32) -> (i32, i32, i32) {
    %c0_i32 = arith.constant 0 : i32
    %c0_i32_0 = arith.constant 0 : i32
    %c0_i32_1 = arith.constant 0 : i32
    return %arg0, %c0_i32, %c0_i32_0 : i32, i32, i32
  }
}

module attributes {stable_mosaic.version = 14 : i64} {
  func.func @_qkv_kernel(%arg0: i32, %arg1: i32, %arg2: memref<1x512x768xf32, #tpu.memory_space<vmem>>, %arg3: memref<768x768xf32, #tpu.memory_space<vmem>>, %arg4: memref<768x768xf32, #tpu.memory_space<vmem>>, %arg5: memref<4x192x256xf32, #tpu.memory_space<vmem>>, %arg6: memref<1x4x512x384xf32, #tpu.memory_space<vmem>>, %arg7: memref<4x1x4x512x1xi32, #tpu.memory_space<vmem>>) attributes {dimension_semantics = [#tpu.dimension_semantics<arbitrary>, #tpu.dimension_semantics<arbitrary>], iteration_bounds = array<i64: 2, 4>, scalar_prefetch = 0 : i64, scratch_operands = 0 : i64, tpu.core_type = #tpu.core_type<tc>, window_params = [{transform_indices = @transform_0, window_bounds = array<i64: 1, 512, 768>}, {pipeline_mode = #tpu.pipeline_mode<synchronous>, transform_indices = @transform_1, window_bounds = array<i64: 768, 768>}, {pipeline_mode = #tpu.pipeline_mode<synchronous>, transform_indices = @transform_2, window_bounds = array<i64: 768, 768>}, {pipeline_mode = #tpu.pipeline_mode<synchronous>, transform_indices = @transform_3, window_bounds = array<i64: 4, 192, 256>}, {transform_indices = @transform_4, window_bounds = array<i64: 1, 4, 512, 384>}, {transform_indices = @transform_5, window_bounds = array<i64: 4, 1, 4, 512, 1>}]} {
    %get3A = arith.constant 0 : index
    %get3A_0 = arith.constant 0 : index
    %get3A_1 = arith.constant 0 : index
    %get3A_2 = vector.load %arg2[%get3A, %get3A_0, %get3A_1] : memref<1x512x768xf32, #tpu.memory_space<vmem>>, vector<1x512x768xf32>
    %get3A_3 = vector.shape_cast %get3A_2 : vector<1x512x768xf32> to vector<512x768xf32>
    %get3A_4 = arith.constant 0 : index
    %get3A_5 = arith.constant 0 : index
    %get3A_6 = vector.load %arg3[%get3A_4, %get3A_5] : memref<768x768xf32, #tpu.memory_space<vmem>>, vector<768x768xf32>
    %dot_general3A = arith.constant dense<0.000000e+00> : vector<512x768xf32>
    %dot_general3A_7 = tpu.matmul %get3A_3, %get3A_6, %dot_general3A {dimension_numbers = #tpu.dot_dimension_numbers<[1], [0], [0], [1], [0, 0, 1, 1], [], []>, transpose_lhs_hint = false} : vector<512x768xf32>, vector<768x768xf32>, vector<512x768xf32> -> vector<512x768xf32>
    %get3A_8 = arith.constant 0 : index
    %get3A_9 = arith.constant 0 : index
    %get3A_10 = vector.load %arg4[%get3A_8, %get3A_9] : memref<768x768xf32, #tpu.memory_space<vmem>>, vector<768x768xf32>
    %dot_general3A_11 = arith.constant dense<0.000000e+00> : vector<512x768xf32>
    %dot_general3A_12 = tpu.matmul %get3A_3, %get3A_10, %dot_general3A_11 {dimension_numbers = #tpu.dot_dimension_numbers<[1], [0], [0], [1], [0, 0, 1, 1], [], []>, transpose_lhs_hint = false} : vector<512x768xf32>, vector<768x768xf32>, vector<512x768xf32> -> vector<512x768xf32>
    %slice3A = vector.extract_strided_slice %dot_general3A_7 {offsets = [0, 0], sizes = [512, 192], strides = [1, 1]} : vector<512x768xf32> to vector<512x192xf32>
    %swap3A = arith.constant 0 : index
    %swap3A_13 = arith.constant 0 : index
    %swap3A_14 = arith.constant 0 : index
    %swap3A_15 = arith.constant 0 : index
    %swap3A_16 = vector.load %arg6[%swap3A, %swap3A_13, %swap3A_14, %swap3A_15] : memref<1x4x512x384xf32, #tpu.memory_space<vmem>>, vector<1x1x512x192xf32>
    %swap3A_17 = vector.shape_cast %swap3A_16 : vector<1x1x512x192xf32> to vector<512x192xf32>
    %swap3A_18 = vector.shape_cast %slice3A : vector<512x192xf32> to vector<1x1x512x192xf32>
    tpu.vector_store %arg6[%swap3A, %swap3A_13, %swap3A_14, %swap3A_15], %swap3A_18 {strides = array<i32>} : memref<1x4x512x384xf32, #tpu.memory_space<vmem>>, vector<1x1x512x192xf32>,
    %slice3A_19 = vector.extract_strided_slice %dot_general3A_12 {offsets = [0, 0], sizes = [512, 192], strides = [1, 1]} : vector<512x768xf32> to vector<512x192xf32>
    %swap3A_20 = arith.constant 0 : index
    %swap3A_21 = arith.constant 0 : index
    %swap3A_22 = arith.constant 0 : index
    %swap3A_23 = arith.constant 192 : index
    %swap3A_24 = vector.load %arg6[%swap3A_20, %swap3A_21, %swap3A_22, %swap3A_23] : memref<1x4x512x384xf32, #tpu.memory_space<vmem>>, vector<1x1x512x192xf32>
    %swap3A_25 = vector.shape_cast %swap3A_24 : vector<1x1x512x192xf32> to vector<512x192xf32>
    %swap3A_26 = vector.shape_cast %slice3A_19 : vector<512x192xf32> to vector<1x1x512x192xf32>
    tpu.vector_store %arg6[%swap3A_20, %swap3A_21, %swap3A_22, %swap3A_23], %swap3A_26 {strides = array<i32>} : memref<1x4x512x384xf32, #tpu.memory_space<vmem>>, vector<1x1x512x192xf32>,
    %get3A_27 = arith.constant 0 : index
    %get3A_28 = arith.constant 0 : index
    %get3A_29 = arith.constant 0 : index
    %get3A_30 = vector.load %arg5[%get3A_27, %get3A_28, %get3A_29] : memref<4x192x256xf32, #tpu.memory_space<vmem>>, vector<1x192x256xf32>
    %get3A_31 = vector.shape_cast %get3A_30 : vector<1x192x256xf32> to vector<192x256xf32>
    %dot_general3A_32 = arith.constant dense<0.000000e+00> : vector<512x256xf32>
    %dot_general3A_33 = tpu.matmul %slice3A, %get3A_31, %dot_general3A_32 {dimension_numbers = #tpu.dot_dimension_numbers<[1], [0], [0], [1], [0, 0, 1, 1], [], []>, transpose_lhs_hint = false} : vector<512x192xf32>, vector<192x256xf32>, vector<512x256xf32> -> vector<512x256xf32>
    %reduce_max3A = arith.constant dense<0xFF800000> : vector<512xf32>
    %reduce_max3A_34 = vector.multi_reduction <maximumf>, %dot_general3A_33, %reduce_max3A [1] : vector<512x256xf32> to vector<512xf32>
    %broadcast_in_dim3A = vector.shape_cast %reduce_max3A_34 : vector<512xf32> to vector<512x1xf32>
    %argmax3A = tpu.reduce_index %dot_general3A_33 {axis = 1 : i32, kind = #tpu.reduction_kind<arg_max>} : vector<512x256xf32> -> vector<512xi32>
    %broadcast_in_dim3A_35 = vector.shape_cast %argmax3A : vector<512xi32> to vector<512x1xi32>
    %reduce_min3A = arith.constant dense<0x7F800000> : vector<512xf32>
    %reduce_min3A_36 = vector.multi_reduction <minimumf>, %dot_general3A_33, %reduce_min3A [1] : vector<512x256xf32> to vector<512xf32>
    %broadcast_in_dim3A_37 = vector.shape_cast %reduce_min3A_36 : vector<512xf32> to vector<512x1xf32>
    %neg3A = arith.constant 0.000000e+00 : f32
    %neg3A_38 = vector.broadcast %neg3A : f32 to vector<512x1xf32>
    %neg3A_39 = arith.subf %neg3A_38, %broadcast_in_dim3A_37 : vector<512x1xf32>
    %argmin3A = tpu.reduce_index %dot_general3A_33 {axis = 1 : i32, kind = #tpu.reduction_kind<arg_min>} : vector<512x256xf32> -> vector<512xi32>
    %broadcast_in_dim3A_40 = vector.shape_cast %argmin3A : vector<512xi32> to vector<512x1xi32>
    %ge3A = arith.cmpf oge, %broadcast_in_dim3A, %neg3A_39 : vector<512x1xf32>
    %add3A = arith.constant 256 : i32
    %add3A_41 = vector.broadcast %add3A : i32 to vector<512x1xi32>
    %add3A_42 = arith.addi %broadcast_in_dim3A_40, %add3A_41 : vector<512x1xi32>
    %select_n3A = arith.select %ge3A, %broadcast_in_dim3A_35, %add3A_42 : vector<512x1xi1>, vector<512x1xi32>
    %swap3A_43 = arith.constant 0 : index
    %swap3A_44 = arith.constant 0 : index
    %swap3A_45 = arith.constant 0 : index
    %swap3A_46 = arith.constant 0 : index
    %swap3A_47 = arith.constant 0 : index
    %swap3A_48 = vector.load %arg7[%swap3A_43, %swap3A_44, %swap3A_45, %swap3A_46, %swap3A_47] : memref<4x1x4x512x1xi32, #tpu.memory_space<vmem>>, vector<1x1x1x512x1xi32>
    %swap3A_49 = vector.shape_cast %swap3A_48 : vector<1x1x1x512x1xi32> to vector<512x1xi32>
    %swap3A_50 = vector.shape_cast %select_n3A : vector<512x1xi32> to vector<1x1x1x512x1xi32>
    tpu.vector_store %arg7[%swap3A_43, %swap3A_44, %swap3A_45, %swap3A_46, %swap3A_47], %swap3A_50 {strides = array<i32>} : memref<4x1x4x512x1xi32, #tpu.memory_space<vmem>>, vector<1x1x1x512x1xi32>,
    %get3A_51 = arith.constant 1 : index
    %get3A_52 = arith.constant 0 : index
    %get3A_53 = arith.constant 0 : index
    %get3A_54 = vector.load %arg5[%get3A_51, %get3A_52, %get3A_53] : memref<4x192x256xf32, #tpu.memory_space<vmem>>, vector<1x192x256xf32>
    %get3A_55 = vector.shape_cast %get3A_54 : vector<1x192x256xf32> to vector<192x256xf32>
    %dot_general3A_56 = arith.constant dense<0.000000e+00> : vector<512x256xf32>
    %dot_general3A_57 = tpu.matmul %slice3A, %get3A_55, %dot_general3A_56 {dimension_numbers = #tpu.dot_dimension_numbers<[1], [0], [0], [1], [0, 0, 1, 1], [], []>, transpose_lhs_hint = false} : vector<512x192xf32>, vector<192x256xf32>, vector<512x256xf32> -> vector<512x256xf32>
    %reduce_max3A_58 = arith.constant dense<0xFF800000> : vector<512xf32>
    %reduce_max3A_59 = vector.multi_reduction <maximumf>, %dot_general3A_57, %reduce_max3A_58 [1] : vector<512x256xf32> to vector<512xf32>
    %broadcast_in_dim3A_60 = vector.shape_cast %reduce_max3A_59 : vector<512xf32> to vector<512x1xf32>
    %argmax3A_61 = tpu.reduce_index %dot_general3A_57 {axis = 1 : i32, kind = #tpu.reduction_kind<arg_max>} : vector<512x256xf32> -> vector<512xi32>
    %broadcast_in_dim3A_62 = vector.shape_cast %argmax3A_61 : vector<512xi32> to vector<512x1xi32>
    %reduce_min3A_63 = arith.constant dense<0x7F800000> : vector<512xf32>
    %reduce_min3A_64 = vector.multi_reduction <minimumf>, %dot_general3A_57, %reduce_min3A_63 [1] : vector<512x256xf32> to vector<512xf32>
    %broadcast_in_dim3A_65 = vector.shape_cast %reduce_min3A_64 : vector<512xf32> to vector<512x1xf32>
    %neg3A_66 = arith.constant 0.000000e+00 : f32
    %neg3A_67 = vector.broadcast %neg3A_66 : f32 to vector<512x1xf32>
    %neg3A_68 = arith.subf %neg3A_67, %broadcast_in_dim3A_65 : vector<512x1xf32>
    %argmin3A_69 = tpu.reduce_index %dot_general3A_57 {axis = 1 : i32, kind = #tpu.reduction_kind<arg_min>} : vector<512x256xf32> -> vector<512xi32>
    %broadcast_in_dim3A_70 = vector.shape_cast %argmin3A_69 : vector<512xi32> to vector<512x1xi32>
    %ge3A_71 = arith.cmpf oge, %broadcast_in_dim3A_60, %neg3A_68 : vector<512x1xf32>
    %add3A_72 = arith.constant 256 : i32
    %add3A_73 = vector.broadcast %add3A_72 : i32 to vector<512x1xi32>
    %add3A_74 = arith.addi %broadcast_in_dim3A_70, %add3A_73 : vector<512x1xi32>
    %select_n3A_75 = arith.select %ge3A_71, %broadcast_in_dim3A_62, %add3A_74 : vector<512x1xi1>, vector<512x1xi32>
    %swap3A_76 = arith.constant 1 : index
    %swap3A_77 = arith.constant 0 : index
    %swap3A_78 = arith.constant 0 : index
    %swap3A_79 = arith.constant 0 : index
    %swap3A_80 = arith.constant 0 : index
    %swap3A_81 = vector.load %arg7[%swap3A_76, %swap3A_77, %swap3A_78, %swap3A_79, %swap3A_80] : memref<4x1x4x512x1xi32, #tpu.memory_space<vmem>>, vector<1x1x1x512x1xi32>
    %swap3A_82 = vector.shape_cast %swap3A_81 : vector<1x1x1x512x1xi32> to vector<512x1xi32>
    %swap3A_83 = vector.shape_cast %select_n3A_75 : vector<512x1xi32> to vector<1x1x1x512x1xi32>
    tpu.vector_store %arg7[%swap3A_76, %swap3A_77, %swap3A_78, %swap3A_79, %swap3A_80], %swap3A_83 {strides = array<i32>} : memref<4x1x4x512x1xi32, #tpu.memory_space<vmem>>, vector<1x1x1x512x1xi32>,
    %get3A_84 = arith.constant 2 : index
    %get3A_85 = arith.constant 0 : index
    %get3A_86 = arith.constant 0 : index
    %get3A_87 = vector.load %arg5[%get3A_84, %get3A_85, %get3A_86] : memref<4x192x256xf32, #tpu.memory_space<vmem>>, vector<1x192x256xf32>
    %get3A_88 = vector.shape_cast %get3A_87 : vector<1x192x256xf32> to vector<192x256xf32>
    %dot_general3A_89 = arith.constant dense<0.000000e+00> : vector<512x256xf32>
    %dot_general3A_90 = tpu.matmul %slice3A, %get3A_88, %dot_general3A_89 {dimension_numbers = #tpu.dot_dimension_numbers<[1], [0], [0], [1], [0, 0, 1, 1], [], []>, transpose_lhs_hint = false} : vector<512x192xf32>, vector<192x256xf32>, vector<512x256xf32> -> vector<512x256xf32>
    %reduce_max3A_91 = arith.constant dense<0xFF800000> : vector<512xf32>
    %reduce_max3A_92 = vector.multi_reduction <maximumf>, %dot_general3A_90, %reduce_max3A_91 [1] : vector<512x256xf32> to vector<512xf32>
    %broadcast_in_dim3A_93 = vector.shape_cast %reduce_max3A_92 : vector<512xf32> to vector<512x1xf32>
    %argmax3A_94 = tpu.reduce_index %dot_general3A_90 {axis = 1 : i32, kind = #tpu.reduction_kind<arg_max>} : vector<512x256xf32> -> vector<512xi32>
    %broadcast_in_dim3A_95 = vector.shape_cast %argmax3A_94 : vector<512xi32> to vector<512x1xi32>
    %reduce_min3A_96 = arith.constant dense<0x7F800000> : vector<512xf32>
    %reduce_min3A_97 = vector.multi_reduction <minimumf>, %dot_general3A_90, %reduce_min3A_96 [1] : vector<512x256xf32> to vector<512xf32>
    %broadcast_in_dim3A_98 = vector.shape_cast %reduce_min3A_97 : vector<512xf32> to vector<512x1xf32>
    %neg3A_99 = arith.constant 0.000000e+00 : f32
    %neg3A_100 = vector.broadcast %neg3A_99 : f32 to vector<512x1xf32>
    %neg3A_101 = arith.subf %neg3A_100, %broadcast_in_dim3A_98 : vector<512x1xf32>
    %argmin3A_102 = tpu.reduce_index %dot_general3A_90 {axis = 1 : i32, kind = #tpu.reduction_kind<arg_min>} : vector<512x256xf32> -> vector<512xi32>
    %broadcast_in_dim3A_103 = vector.shape_cast %argmin3A_102 : vector<512xi32> to vector<512x1xi32>
    %ge3A_104 = arith.cmpf oge, %broadcast_in_dim3A_93, %neg3A_101 : vector<512x1xf32>
    %add3A_105 = arith.constant 256 : i32
    %add3A_106 = vector.broadcast %add3A_105 : i32 to vector<512x1xi32>
    %add3A_107 = arith.addi %broadcast_in_dim3A_103, %add3A_106 : vector<512x1xi32>
    %select_n3A_108 = arith.select %ge3A_104, %broadcast_in_dim3A_95, %add3A_107 : vector<512x1xi1>, vector<512x1xi32>
    %swap3A_109 = arith.constant 2 : index
    %swap3A_110 = arith.constant 0 : index
    %swap3A_111 = arith.constant 0 : index
    %swap3A_112 = arith.constant 0 : index
    %swap3A_113 = arith.constant 0 : index
    %swap3A_114 = vector.load %arg7[%swap3A_109, %swap3A_110, %swap3A_111, %swap3A_112, %swap3A_113] : memref<4x1x4x512x1xi32, #tpu.memory_space<vmem>>, vector<1x1x1x512x1xi32>
    %swap3A_115 = vector.shape_cast %swap3A_114 : vector<1x1x1x512x1xi32> to vector<512x1xi32>
    %swap3A_116 = vector.shape_cast %select_n3A_108 : vector<512x1xi32> to vector<1x1x1x512x1xi32>
    tpu.vector_store %arg7[%swap3A_109, %swap3A_110, %swap3A_111, %swap3A_112, %swap3A_113], %swap3A_116 {strides = array<i32>} : memref<4x1x4x512x1xi32, #tpu.memory_space<vmem>>, vector<1x1x1x512x1xi32>,
    %get3A_117 = arith.constant 3 : index
    %get3A_118 = arith.constant 0 : index
    %get3A_119 = arith.constant 0 : index
    %get3A_120 = vector.load %arg5[%get3A_117, %get3A_118, %get3A_119] : memref<4x192x256xf32, #tpu.memory_space<vmem>>, vector<1x192x256xf32>
    %get3A_121 = vector.shape_cast %get3A_120 : vector<1x192x256xf32> to vector<192x256xf32>
    %dot_general3A_122 = arith.constant dense<0.000000e+00> : vector<512x256xf32>
    %dot_general3A_123 = tpu.matmul %slice3A, %get3A_121, %dot_general3A_122 {dimension_numbers = #tpu.dot_dimension_numbers<[1], [0], [0], [1], [0, 0, 1, 1], [], []>, transpose_lhs_hint = false} : vector<512x192xf32>, vector<192x256xf32>, vector<512x256xf32> -> vector<512x256xf32>
    %reduce_max3A_124 = arith.constant dense<0xFF800000> : vector<512xf32>
    %reduce_max3A_125 = vector.multi_reduction <maximumf>, %dot_general3A_123, %reduce_max3A_124 [1] : vector<512x256xf32> to vector<512xf32>
    %broadcast_in_dim3A_126 = vector.shape_cast %reduce_max3A_125 : vector<512xf32> to vector<512x1xf32>
    %argmax3A_127 = tpu.reduce_index %dot_general3A_123 {axis = 1 : i32, kind = #tpu.reduction_kind<arg_max>} : vector<512x256xf32> -> vector<512xi32>
    %broadcast_in_dim3A_128 = vector.shape_cast %argmax3A_127 : vector<512xi32> to vector<512x1xi32>
    %reduce_min3A_129 = arith.constant dense<0x7F800000> : vector<512xf32>
    %reduce_min3A_130 = vector.multi_reduction <minimumf>, %dot_general3A_123, %reduce_min3A_129 [1] : vector<512x256xf32> to vector<512xf32>
    %broadcast_in_dim3A_131 = vector.shape_cast %reduce_min3A_130 : vector<512xf32> to vector<512x1xf32>
    %neg3A_132 = arith.constant 0.000000e+00 : f32
    %neg3A_133 = vector.broadcast %neg3A_132 : f32 to vector<512x1xf32>
    %neg3A_134 = arith.subf %neg3A_133, %broadcast_in_dim3A_131 : vector<512x1xf32>
    %argmin3A_135 = tpu.reduce_index %dot_general3A_123 {axis = 1 : i32, kind = #tpu.reduction_kind<arg_min>} : vector<512x256xf32> -> vector<512xi32>
    %broadcast_in_dim3A_136 = vector.shape_cast %argmin3A_135 : vector<512xi32> to vector<512x1xi32>
    %ge3A_137 = arith.cmpf oge, %broadcast_in_dim3A_126, %neg3A_134 : vector<512x1xf32>
    %add3A_138 = arith.constant 256 : i32
    %add3A_139 = vector.broadcast %add3A_138 : i32 to vector<512x1xi32>
    %add3A_140 = arith.addi %broadcast_in_dim3A_136, %add3A_139 : vector<512x1xi32>
    %select_n3A_141 = arith.select %ge3A_137, %broadcast_in_dim3A_128, %add3A_140 : vector<512x1xi1>, vector<512x1xi32>
    %swap3A_142 = arith.constant 3 : index
    %swap3A_143 = arith.constant 0 : index
    %swap3A_144 = arith.constant 0 : index
    %swap3A_145 = arith.constant 0 : index
    %swap3A_146 = arith.constant 0 : index
    %swap3A_147 = vector.load %arg7[%swap3A_142, %swap3A_143, %swap3A_144, %swap3A_145, %swap3A_146] : memref<4x1x4x512x1xi32, #tpu.memory_space<vmem>>, vector<1x1x1x512x1xi32>
    %swap3A_148 = vector.shape_cast %swap3A_147 : vector<1x1x1x512x1xi32> to vector<512x1xi32>
    %swap3A_149 = vector.shape_cast %select_n3A_141 : vector<512x1xi32> to vector<1x1x1x512x1xi32>
    tpu.vector_store %arg7[%swap3A_142, %swap3A_143, %swap3A_144, %swap3A_145, %swap3A_146], %swap3A_149 {strides = array<i32>} : memref<4x1x4x512x1xi32, #tpu.memory_space<vmem>>, vector<1x1x1x512x1xi32>,
    %slice3A_150 = vector.extract_strided_slice %dot_general3A_7 {offsets = [0, 192], sizes = [512, 192], strides = [1, 1]} : vector<512x768xf32> to vector<512x192xf32>
    %swap3A_151 = arith.constant 0 : index
    %swap3A_152 = arith.constant 1 : index
    %swap3A_153 = arith.constant 0 : index
    %swap3A_154 = arith.constant 0 : index
    %swap3A_155 = vector.load %arg6[%swap3A_151, %swap3A_152, %swap3A_153, %swap3A_154] : memref<1x4x512x384xf32, #tpu.memory_space<vmem>>, vector<1x1x512x192xf32>
    %swap3A_156 = vector.shape_cast %swap3A_155 : vector<1x1x512x192xf32> to vector<512x192xf32>
    %swap3A_157 = vector.shape_cast %slice3A_150 : vector<512x192xf32> to vector<1x1x512x192xf32>
    tpu.vector_store %arg6[%swap3A_151, %swap3A_152, %swap3A_153, %swap3A_154], %swap3A_157 {strides = array<i32>} : memref<1x4x512x384xf32, #tpu.memory_space<vmem>>, vector<1x1x512x192xf32>,
    %slice3A_158 = vector.extract_strided_slice %dot_general3A_12 {offsets = [0, 192], sizes = [512, 192], strides = [1, 1]} : vector<512x768xf32> to vector<512x192xf32>
    %swap3A_159 = arith.constant 0 : index
    %swap3A_160 = arith.constant 1 : index
    %swap3A_161 = arith.constant 0 : index
    %swap3A_162 = arith.constant 192 : index
    %swap3A_163 = vector.load %arg6[%swap3A_159, %swap3A_160, %swap3A_161, %swap3A_162] : memref<1x4x512x384xf32, #tpu.memory_space<vmem>>, vector<1x1x512x192xf32>
    %swap3A_164 = vector.shape_cast %swap3A_163 : vector<1x1x512x192xf32> to vector<512x192xf32>
    %swap3A_165 = vector.shape_cast %slice3A_158 : vector<512x192xf32> to vector<1x1x512x192xf32>
    tpu.vector_store %arg6[%swap3A_159, %swap3A_160, %swap3A_161, %swap3A_162], %swap3A_165 {strides = array<i32>} : memref<1x4x512x384xf32, #tpu.memory_space<vmem>>, vector<1x1x512x192xf32>,
    %get3A_166 = arith.constant 0 : index
    %get3A_167 = arith.constant 0 : index
    %get3A_168 = arith.constant 0 : index
    %get3A_169 = vector.load %arg5[%get3A_166, %get3A_167, %get3A_168] : memref<4x192x256xf32, #tpu.memory_space<vmem>>, vector<1x192x256xf32>
    %get3A_170 = vector.shape_cast %get3A_169 : vector<1x192x256xf32> to vector<192x256xf32>
    %dot_general3A_171 = arith.constant dense<0.000000e+00> : vector<512x256xf32>
    %dot_general3A_172 = tpu.matmul %slice3A_150, %get3A_170, %dot_general3A_171 {dimension_numbers = #tpu.dot_dimension_numbers<[1], [0], [0], [1], [0, 0, 1, 1], [], []>, transpose_lhs_hint = false} : vector<512x192xf32>, vector<192x256xf32>, vector<512x256xf32> -> vector<512x256xf32>
    %reduce_max3A_173 = arith.constant dense<0xFF800000> : vector<512xf32>
    %reduce_max3A_174 = vector.multi_reduction <maximumf>, %dot_general3A_172, %reduce_max3A_173 [1] : vector<512x256xf32> to vector<512xf32>
    %broadcast_in_dim3A_175 = vector.shape_cast %reduce_max3A_174 : vector<512xf32> to vector<512x1xf32>
    %argmax3A_176 = tpu.reduce_index %dot_general3A_172 {axis = 1 : i32, kind = #tpu.reduction_kind<arg_max>} : vector<512x256xf32> -> vector<512xi32>
    %broadcast_in_dim3A_177 = vector.shape_cast %argmax3A_176 : vector<512xi32> to vector<512x1xi32>
    %reduce_min3A_178 = arith.constant dense<0x7F800000> : vector<512xf32>
    %reduce_min3A_179 = vector.multi_reduction <minimumf>, %dot_general3A_172, %reduce_min3A_178 [1] : vector<512x256xf32> to vector<512xf32>
    %broadcast_in_dim3A_180 = vector.shape_cast %reduce_min3A_179 : vector<512xf32> to vector<512x1xf32>
    %neg3A_181 = arith.constant 0.000000e+00 : f32
    %neg3A_182 = vector.broadcast %neg3A_181 : f32 to vector<512x1xf32>
    %neg3A_183 = arith.subf %neg3A_182, %broadcast_in_dim3A_180 : vector<512x1xf32>
    %argmin3A_184 = tpu.reduce_index %dot_general3A_172 {axis = 1 : i32, kind = #tpu.reduction_kind<arg_min>} : vector<512x256xf32> -> vector<512xi32>
    %broadcast_in_dim3A_185 = vector.shape_cast %argmin3A_184 : vector<512xi32> to vector<512x1xi32>
    %ge3A_186 = arith.cmpf oge, %broadcast_in_dim3A_175, %neg3A_183 : vector<512x1xf32>
    %add3A_187 = arith.constant 256 : i32
    %add3A_188 = vector.broadcast %add3A_187 : i32 to vector<512x1xi32>
    %add3A_189 = arith.addi %broadcast_in_dim3A_185, %add3A_188 : vector<512x1xi32>
    %select_n3A_190 = arith.select %ge3A_186, %broadcast_in_dim3A_177, %add3A_189 : vector<512x1xi1>, vector<512x1xi32>
    %swap3A_191 = arith.constant 0 : index
    %swap3A_192 = arith.constant 0 : index
    %swap3A_193 = arith.constant 1 : index
    %swap3A_194 = arith.constant 0 : index
    %swap3A_195 = arith.constant 0 : index
    %swap3A_196 = vector.load %arg7[%swap3A_191, %swap3A_192, %swap3A_193, %swap3A_194, %swap3A_195] : memref<4x1x4x512x1xi32, #tpu.memory_space<vmem>>, vector<1x1x1x512x1xi32>
    %swap3A_197 = vector.shape_cast %swap3A_196 : vector<1x1x1x512x1xi32> to vector<512x1xi32>
    %swap3A_198 = vector.shape_cast %select_n3A_190 : vector<512x1xi32> to vector<1x1x1x512x1xi32>
    tpu.vector_store %arg7[%swap3A_191, %swap3A_192, %swap3A_193, %swap3A_194, %swap3A_195], %swap3A_198 {strides = array<i32>} : memref<4x1x4x512x1xi32, #tpu.memory_space<vmem>>, vector<1x1x1x512x1xi32>,
    %get3A_199 = arith.constant 1 : index
    %get3A_200 = arith.constant 0 : index
    %get3A_201 = arith.constant 0 : index
    %get3A_202 = vector.load %arg5[%get3A_199, %get3A_200, %get3A_201] : memref<4x192x256xf32, #tpu.memory_space<vmem>>, vector<1x192x256xf32>
    %get3A_203 = vector.shape_cast %get3A_202 : vector<1x192x256xf32> to vector<192x256xf32>
    %dot_general3A_204 = arith.constant dense<0.000000e+00> : vector<512x256xf32>
    %dot_general3A_205 = tpu.matmul %slice3A_150, %get3A_203, %dot_general3A_204 {dimension_numbers = #tpu.dot_dimension_numbers<[1], [0], [0], [1], [0, 0, 1, 1], [], []>, transpose_lhs_hint = false} : vector<512x192xf32>, vector<192x256xf32>, vector<512x256xf32> -> vector<512x256xf32>
    %reduce_max3A_206 = arith.constant dense<0xFF800000> : vector<512xf32>
    %reduce_max3A_207 = vector.multi_reduction <maximumf>, %dot_general3A_205, %reduce_max3A_206 [1] : vector<512x256xf32> to vector<512xf32>
    %broadcast_in_dim3A_208 = vector.shape_cast %reduce_max3A_207 : vector<512xf32> to vector<512x1xf32>
    %argmax3A_209 = tpu.reduce_index %dot_general3A_205 {axis = 1 : i32, kind = #tpu.reduction_kind<arg_max>} : vector<512x256xf32> -> vector<512xi32>
    %broadcast_in_dim3A_210 = vector.shape_cast %argmax3A_209 : vector<512xi32> to vector<512x1xi32>
    %reduce_min3A_211 = arith.constant dense<0x7F800000> : vector<512xf32>
    %reduce_min3A_212 = vector.multi_reduction <minimumf>, %dot_general3A_205, %reduce_min3A_211 [1] : vector<512x256xf32> to vector<512xf32>
    %broadcast_in_dim3A_213 = vector.shape_cast %reduce_min3A_212 : vector<512xf32> to vector<512x1xf32>
    %neg3A_214 = arith.constant 0.000000e+00 : f32
    %neg3A_215 = vector.broadcast %neg3A_214 : f32 to vector<512x1xf32>
    %neg3A_216 = arith.subf %neg3A_215, %broadcast_in_dim3A_213 : vector<512x1xf32>
    %argmin3A_217 = tpu.reduce_index %dot_general3A_205 {axis = 1 : i32, kind = #tpu.reduction_kind<arg_min>} : vector<512x256xf32> -> vector<512xi32>
    %broadcast_in_dim3A_218 = vector.shape_cast %argmin3A_217 : vector<512xi32> to vector<512x1xi32>
    %ge3A_219 = arith.cmpf oge, %broadcast_in_dim3A_208, %neg3A_216 : vector<512x1xf32>
    %add3A_220 = arith.constant 256 : i32
    %add3A_221 = vector.broadcast %add3A_220 : i32 to vector<512x1xi32>
    %add3A_222 = arith.addi %broadcast_in_dim3A_218, %add3A_221 : vector<512x1xi32>
    %select_n3A_223 = arith.select %ge3A_219, %broadcast_in_dim3A_210, %add3A_222 : vector<512x1xi1>, vector<512x1xi32>
    %swap3A_224 = arith.constant 1 : index
    %swap3A_225 = arith.constant 0 : index
    %swap3A_226 = arith.constant 1 : index
    %swap3A_227 = arith.constant 0 : index
    %swap3A_228 = arith.constant 0 : index
    %swap3A_229 = vector.load %arg7[%swap3A_224, %swap3A_225, %swap3A_226, %swap3A_227, %swap3A_228] : memref<4x1x4x512x1xi32, #tpu.memory_space<vmem>>, vector<1x1x1x512x1xi32>
    %swap3A_230 = vector.shape_cast %swap3A_229 : vector<1x1x1x512x1xi32> to vector<512x1xi32>
    %swap3A_231 = vector.shape_cast %select_n3A_223 : vector<512x1xi32> to vector<1x1x1x512x1xi32>
    tpu.vector_store %arg7[%swap3A_224, %swap3A_225, %swap3A_226, %swap3A_227, %swap3A_228], %swap3A_231 {strides = array<i32>} : memref<4x1x4x512x1xi32, #tpu.memory_space<vmem>>, vector<1x1x1x512x1xi32>,
    %get3A_232 = arith.constant 2 : index
    %get3A_233 = arith.constant 0 : index
    %get3A_234 = arith.constant 0 : index
    %get3A_235 = vector.load %arg5[%get3A_232, %get3A_233, %get3A_234] : memref<4x192x256xf32, #tpu.memory_space<vmem>>, vector<1x192x256xf32>
    %get3A_236 = vector.shape_cast %get3A_235 : vector<1x192x256xf32> to vector<192x256xf32>
    %dot_general3A_237 = arith.constant dense<0.000000e+00> : vector<512x256xf32>
    %dot_general3A_238 = tpu.matmul %slice3A_150, %get3A_236, %dot_general3A_237 {dimension_numbers = #tpu.dot_dimension_numbers<[1], [0], [0], [1], [0, 0, 1, 1], [], []>, transpose_lhs_hint = false} : vector<512x192xf32>, vector<192x256xf32>, vector<512x256xf32> -> vector<512x256xf32>
    %reduce_max3A_239 = arith.constant dense<0xFF800000> : vector<512xf32>
    %reduce_max3A_240 = vector.multi_reduction <maximumf>, %dot_general3A_238, %reduce_max3A_239 [1] : vector<512x256xf32> to vector<512xf32>
    %broadcast_in_dim3A_241 = vector.shape_cast %reduce_max3A_240 : vector<512xf32> to vector<512x1xf32>
    %argmax3A_242 = tpu.reduce_index %dot_general3A_238 {axis = 1 : i32, kind = #tpu.reduction_kind<arg_max>} : vector<512x256xf32> -> vector<512xi32>
    %broadcast_in_dim3A_243 = vector.shape_cast %argmax3A_242 : vector<512xi32> to vector<512x1xi32>
    %reduce_min3A_244 = arith.constant dense<0x7F800000> : vector<512xf32>
    %reduce_min3A_245 = vector.multi_reduction <minimumf>, %dot_general3A_238, %reduce_min3A_244 [1] : vector<512x256xf32> to vector<512xf32>
    %broadcast_in_dim3A_246 = vector.shape_cast %reduce_min3A_245 : vector<512xf32> to vector<512x1xf32>
    %neg3A_247 = arith.constant 0.000000e+00 : f32
    %neg3A_248 = vector.broadcast %neg3A_247 : f32 to vector<512x1xf32>
    %neg3A_249 = arith.subf %neg3A_248, %broadcast_in_dim3A_246 : vector<512x1xf32>
    %argmin3A_250 = tpu.reduce_index %dot_general3A_238 {axis = 1 : i32, kind = #tpu.reduction_kind<arg_min>} : vector<512x256xf32> -> vector<512xi32>
    %broadcast_in_dim3A_251 = vector.shape_cast %argmin3A_250 : vector<512xi32> to vector<512x1xi32>
    %ge3A_252 = arith.cmpf oge, %broadcast_in_dim3A_241, %neg3A_249 : vector<512x1xf32>
    %add3A_253 = arith.constant 256 : i32
    %add3A_254 = vector.broadcast %add3A_253 : i32 to vector<512x1xi32>
    %add3A_255 = arith.addi %broadcast_in_dim3A_251, %add3A_254 : vector<512x1xi32>
    %select_n3A_256 = arith.select %ge3A_252, %broadcast_in_dim3A_243, %add3A_255 : vector<512x1xi1>, vector<512x1xi32>
    %swap3A_257 = arith.constant 2 : index
    %swap3A_258 = arith.constant 0 : index
    %swap3A_259 = arith.constant 1 : index
    %swap3A_260 = arith.constant 0 : index
    %swap3A_261 = arith.constant 0 : index
    %swap3A_262 = vector.load %arg7[%swap3A_257, %swap3A_258, %swap3A_259, %swap3A_260, %swap3A_261] : memref<4x1x4x512x1xi32, #tpu.memory_space<vmem>>, vector<1x1x1x512x1xi32>
    %swap3A_263 = vector.shape_cast %swap3A_262 : vector<1x1x1x512x1xi32> to vector<512x1xi32>
    %swap3A_264 = vector.shape_cast %select_n3A_256 : vector<512x1xi32> to vector<1x1x1x512x1xi32>
    tpu.vector_store %arg7[%swap3A_257, %swap3A_258, %swap3A_259, %swap3A_260, %swap3A_261], %swap3A_264 {strides = array<i32>} : memref<4x1x4x512x1xi32, #tpu.memory_space<vmem>>, vector<1x1x1x512x1xi32>,
    %get3A_265 = arith.constant 3 : index
    %get3A_266 = arith.constant 0 : index
    %get3A_267 = arith.constant 0 : index
    %get3A_268 = vector.load %arg5[%get3A_265, %get3A_266, %get3A_267] : memref<4x192x256xf32, #tpu.memory_space<vmem>>, vector<1x192x256xf32>
    %get3A_269 = vector.shape_cast %get3A_268 : vector<1x192x256xf32> to vector<192x256xf32>
    %dot_general3A_270 = arith.constant dense<0.000000e+00> : vector<512x256xf32>
    %dot_general3A_271 = tpu.matmul %slice3A_150, %get3A_269, %dot_general3A_270 {dimension_numbers = #tpu.dot_dimension_numbers<[1], [0], [0], [1], [0, 0, 1, 1], [], []>, transpose_lhs_hint = false} : vector<512x192xf32>, vector<192x256xf32>, vector<512x256xf32> -> vector<512x256xf32>
    %reduce_max3A_272 = arith.constant dense<0xFF800000> : vector<512xf32>
    %reduce_max3A_273 = vector.multi_reduction <maximumf>, %dot_general3A_271, %reduce_max3A_272 [1] : vector<512x256xf32> to vector<512xf32>
    %broadcast_in_dim3A_274 = vector.shape_cast %reduce_max3A_273 : vector<512xf32> to vector<512x1xf32>
    %argmax3A_275 = tpu.reduce_index %dot_general3A_271 {axis = 1 : i32, kind = #tpu.reduction_kind<arg_max>} : vector<512x256xf32> -> vector<512xi32>
    %broadcast_in_dim3A_276 = vector.shape_cast %argmax3A_275 : vector<512xi32> to vector<512x1xi32>
    %reduce_min3A_277 = arith.constant dense<0x7F800000> : vector<512xf32>
    %reduce_min3A_278 = vector.multi_reduction <minimumf>, %dot_general3A_271, %reduce_min3A_277 [1] : vector<512x256xf32> to vector<512xf32>
    %broadcast_in_dim3A_279 = vector.shape_cast %reduce_min3A_278 : vector<512xf32> to vector<512x1xf32>
    %neg3A_280 = arith.constant 0.000000e+00 : f32
    %neg3A_281 = vector.broadcast %neg3A_280 : f32 to vector<512x1xf32>
    %neg3A_282 = arith.subf %neg3A_281, %broadcast_in_dim3A_279 : vector<512x1xf32>
    %argmin3A_283 = tpu.reduce_index %dot_general3A_271 {axis = 1 : i32, kind = #tpu.reduction_kind<arg_min>} : vector<512x256xf32> -> vector<512xi32>
    %broadcast_in_dim3A_284 = vector.shape_cast %argmin3A_283 : vector<512xi32> to vector<512x1xi32>
    %ge3A_285 = arith.cmpf oge, %broadcast_in_dim3A_274, %neg3A_282 : vector<512x1xf32>
    %add3A_286 = arith.constant 256 : i32
    %add3A_287 = vector.broadcast %add3A_286 : i32 to vector<512x1xi32>
    %add3A_288 = arith.addi %broadcast_in_dim3A_284, %add3A_287 : vector<512x1xi32>
    %select_n3A_289 = arith.select %ge3A_285, %broadcast_in_dim3A_276, %add3A_288 : vector<512x1xi1>, vector<512x1xi32>
    %swap3A_290 = arith.constant 3 : index
    %swap3A_291 = arith.constant 0 : index
    %swap3A_292 = arith.constant 1 : index
    %swap3A_293 = arith.constant 0 : index
    %swap3A_294 = arith.constant 0 : index
    %swap3A_295 = vector.load %arg7[%swap3A_290, %swap3A_291, %swap3A_292, %swap3A_293, %swap3A_294] : memref<4x1x4x512x1xi32, #tpu.memory_space<vmem>>, vector<1x1x1x512x1xi32>
    %swap3A_296 = vector.shape_cast %swap3A_295 : vector<1x1x1x512x1xi32> to vector<512x1xi32>
    %swap3A_297 = vector.shape_cast %select_n3A_289 : vector<512x1xi32> to vector<1x1x1x512x1xi32>
    tpu.vector_store %arg7[%swap3A_290, %swap3A_291, %swap3A_292, %swap3A_293, %swap3A_294], %swap3A_297 {strides = array<i32>} : memref<4x1x4x512x1xi32, #tpu.memory_space<vmem>>, vector<1x1x1x512x1xi32>,
    %slice3A_298 = vector.extract_strided_slice %dot_general3A_7 {offsets = [0, 384], sizes = [512, 192], strides = [1, 1]} : vector<512x768xf32> to vector<512x192xf32>
    %swap3A_299 = arith.constant 0 : index
    %swap3A_300 = arith.constant 2 : index
    %swap3A_301 = arith.constant 0 : index
    %swap3A_302 = arith.constant 0 : index
    %swap3A_303 = vector.load %arg6[%swap3A_299, %swap3A_300, %swap3A_301, %swap3A_302] : memref<1x4x512x384xf32, #tpu.memory_space<vmem>>, vector<1x1x512x192xf32>
    %swap3A_304 = vector.shape_cast %swap3A_303 : vector<1x1x512x192xf32> to vector<512x192xf32>
    %swap3A_305 = vector.shape_cast %slice3A_298 : vector<512x192xf32> to vector<1x1x512x192xf32>
    tpu.vector_store %arg6[%swap3A_299, %swap3A_300, %swap3A_301, %swap3A_302], %swap3A_305 {strides = array<i32>} : memref<1x4x512x384xf32, #tpu.memory_space<vmem>>, vector<1x1x512x192xf32>,
    %slice3A_306 = vector.extract_strided_slice %dot_general3A_12 {offsets = [0, 384], sizes = [512, 192], strides = [1, 1]} : vector<512x768xf32> to vector<512x192xf32>
    %swap3A_307 = arith.constant 0 : index
    %swap3A_308 = arith.constant 2 : index
    %swap3A_309 = arith.constant 0 : index
    %swap3A_310 = arith.constant 192 : index
    %swap3A_311 = vector.load %arg6[%swap3A_307, %swap3A_308, %swap3A_309, %swap3A_310] : memref<1x4x512x384xf32, #tpu.memory_space<vmem>>, vector<1x1x512x192xf32>
    %swap3A_312 = vector.shape_cast %swap3A_311 : vector<1x1x512x192xf32> to vector<512x192xf32>
    %swap3A_313 = vector.shape_cast %slice3A_306 : vector<512x192xf32> to vector<1x1x512x192xf32>
    tpu.vector_store %arg6[%swap3A_307, %swap3A_308, %swap3A_309, %swap3A_310], %swap3A_313 {strides = array<i32>} : memref<1x4x512x384xf32, #tpu.memory_space<vmem>>, vector<1x1x512x192xf32>,
    %get3A_314 = arith.constant 0 : index
    %get3A_315 = arith.constant 0 : index
    %get3A_316 = arith.constant 0 : index
    %get3A_317 = vector.load %arg5[%get3A_314, %get3A_315, %get3A_316] : memref<4x192x256xf32, #tpu.memory_space<vmem>>, vector<1x192x256xf32>
    %get3A_318 = vector.shape_cast %get3A_317 : vector<1x192x256xf32> to vector<192x256xf32>
    %dot_general3A_319 = arith.constant dense<0.000000e+00> : vector<512x256xf32>
    %dot_general3A_320 = tpu.matmul %slice3A_298, %get3A_318, %dot_general3A_319 {dimension_numbers = #tpu.dot_dimension_numbers<[1], [0], [0], [1], [0, 0, 1, 1], [], []>, transpose_lhs_hint = false} : vector<512x192xf32>, vector<192x256xf32>, vector<512x256xf32> -> vector<512x256xf32>
    %reduce_max3A_321 = arith.constant dense<0xFF800000> : vector<512xf32>
    %reduce_max3A_322 = vector.multi_reduction <maximumf>, %dot_general3A_320, %reduce_max3A_321 [1] : vector<512x256xf32> to vector<512xf32>
    %broadcast_in_dim3A_323 = vector.shape_cast %reduce_max3A_322 : vector<512xf32> to vector<512x1xf32>
    %argmax3A_324 = tpu.reduce_index %dot_general3A_320 {axis = 1 : i32, kind = #tpu.reduction_kind<arg_max>} : vector<512x256xf32> -> vector<512xi32>
    %broadcast_in_dim3A_325 = vector.shape_cast %argmax3A_324 : vector<512xi32> to vector<512x1xi32>
    %reduce_min3A_326 = arith.constant dense<0x7F800000> : vector<512xf32>
    %reduce_min3A_327 = vector.multi_reduction <minimumf>, %dot_general3A_320, %reduce_min3A_326 [1] : vector<512x256xf32> to vector<512xf32>
    %broadcast_in_dim3A_328 = vector.shape_cast %reduce_min3A_327 : vector<512xf32> to vector<512x1xf32>
    %neg3A_329 = arith.constant 0.000000e+00 : f32
    %neg3A_330 = vector.broadcast %neg3A_329 : f32 to vector<512x1xf32>
    %neg3A_331 = arith.subf %neg3A_330, %broadcast_in_dim3A_328 : vector<512x1xf32>
    %argmin3A_332 = tpu.reduce_index %dot_general3A_320 {axis = 1 : i32, kind = #tpu.reduction_kind<arg_min>} : vector<512x256xf32> -> vector<512xi32>
    %broadcast_in_dim3A_333 = vector.shape_cast %argmin3A_332 : vector<512xi32> to vector<512x1xi32>
    %ge3A_334 = arith.cmpf oge, %broadcast_in_dim3A_323, %neg3A_331 : vector<512x1xf32>
    %add3A_335 = arith.constant 256 : i32
    %add3A_336 = vector.broadcast %add3A_335 : i32 to vector<512x1xi32>
    %add3A_337 = arith.addi %broadcast_in_dim3A_333, %add3A_336 : vector<512x1xi32>
    %select_n3A_338 = arith.select %ge3A_334, %broadcast_in_dim3A_325, %add3A_337 : vector<512x1xi1>, vector<512x1xi32>
    %swap3A_339 = arith.constant 0 : index
    %swap3A_340 = arith.constant 0 : index
    %swap3A_341 = arith.constant 2 : index
    %swap3A_342 = arith.constant 0 : index
    %swap3A_343 = arith.constant 0 : index
    %swap3A_344 = vector.load %arg7[%swap3A_339, %swap3A_340, %swap3A_341, %swap3A_342, %swap3A_343] : memref<4x1x4x512x1xi32, #tpu.memory_space<vmem>>, vector<1x1x1x512x1xi32>
    %swap3A_345 = vector.shape_cast %swap3A_344 : vector<1x1x1x512x1xi32> to vector<512x1xi32>
    %swap3A_346 = vector.shape_cast %select_n3A_338 : vector<512x1xi32> to vector<1x1x1x512x1xi32>
    tpu.vector_store %arg7[%swap3A_339, %swap3A_340, %swap3A_341, %swap3A_342, %swap3A_343], %swap3A_346 {strides = array<i32>} : memref<4x1x4x512x1xi32, #tpu.memory_space<vmem>>, vector<1x1x1x512x1xi32>,
    %get3A_347 = arith.constant 1 : index
    %get3A_348 = arith.constant 0 : index
    %get3A_349 = arith.constant 0 : index
    %get3A_350 = vector.load %arg5[%get3A_347, %get3A_348, %get3A_349] : memref<4x192x256xf32, #tpu.memory_space<vmem>>, vector<1x192x256xf32>
    %get3A_351 = vector.shape_cast %get3A_350 : vector<1x192x256xf32> to vector<192x256xf32>
    %dot_general3A_352 = arith.constant dense<0.000000e+00> : vector<512x256xf32>
    %dot_general3A_353 = tpu.matmul %slice3A_298, %get3A_351, %dot_general3A_352 {dimension_numbers = #tpu.dot_dimension_numbers<[1], [0], [0], [1], [0, 0, 1, 1], [], []>, transpose_lhs_hint = false} : vector<512x192xf32>, vector<192x256xf32>, vector<512x256xf32> -> vector<512x256xf32>
    %reduce_max3A_354 = arith.constant dense<0xFF800000> : vector<512xf32>
    %reduce_max3A_355 = vector.multi_reduction <maximumf>, %dot_general3A_353, %reduce_max3A_354 [1] : vector<512x256xf32> to vector<512xf32>
    %broadcast_in_dim3A_356 = vector.shape_cast %reduce_max3A_355 : vector<512xf32> to vector<512x1xf32>
    %argmax3A_357 = tpu.reduce_index %dot_general3A_353 {axis = 1 : i32, kind = #tpu.reduction_kind<arg_max>} : vector<512x256xf32> -> vector<512xi32>
    %broadcast_in_dim3A_358 = vector.shape_cast %argmax3A_357 : vector<512xi32> to vector<512x1xi32>
    %reduce_min3A_359 = arith.constant dense<0x7F800000> : vector<512xf32>
    %reduce_min3A_360 = vector.multi_reduction <minimumf>, %dot_general3A_353, %reduce_min3A_359 [1] : vector<512x256xf32> to vector<512xf32>
    %broadcast_in_dim3A_361 = vector.shape_cast %reduce_min3A_360 : vector<512xf32> to vector<512x1xf32>
    %neg3A_362 = arith.constant 0.000000e+00 : f32
    %neg3A_363 = vector.broadcast %neg3A_362 : f32 to vector<512x1xf32>
    %neg3A_364 = arith.subf %neg3A_363, %broadcast_in_dim3A_361 : vector<512x1xf32>
    %argmin3A_365 = tpu.reduce_index %dot_general3A_353 {axis = 1 : i32, kind = #tpu.reduction_kind<arg_min>} : vector<512x256xf32> -> vector<512xi32>
    %broadcast_in_dim3A_366 = vector.shape_cast %argmin3A_365 : vector<512xi32> to vector<512x1xi32>
    %ge3A_367 = arith.cmpf oge, %broadcast_in_dim3A_356, %neg3A_364 : vector<512x1xf32>
    %add3A_368 = arith.constant 256 : i32
    %add3A_369 = vector.broadcast %add3A_368 : i32 to vector<512x1xi32>
    %add3A_370 = arith.addi %broadcast_in_dim3A_366, %add3A_369 : vector<512x1xi32>
    %select_n3A_371 = arith.select %ge3A_367, %broadcast_in_dim3A_358, %add3A_370 : vector<512x1xi1>, vector<512x1xi32>
    %swap3A_372 = arith.constant 1 : index
    %swap3A_373 = arith.constant 0 : index
    %swap3A_374 = arith.constant 2 : index
    %swap3A_375 = arith.constant 0 : index
    %swap3A_376 = arith.constant 0 : index
    %swap3A_377 = vector.load %arg7[%swap3A_372, %swap3A_373, %swap3A_374, %swap3A_375, %swap3A_376] : memref<4x1x4x512x1xi32, #tpu.memory_space<vmem>>, vector<1x1x1x512x1xi32>
    %swap3A_378 = vector.shape_cast %swap3A_377 : vector<1x1x1x512x1xi32> to vector<512x1xi32>
    %swap3A_379 = vector.shape_cast %select_n3A_371 : vector<512x1xi32> to vector<1x1x1x512x1xi32>
    tpu.vector_store %arg7[%swap3A_372, %swap3A_373, %swap3A_374, %swap3A_375, %swap3A_376], %swap3A_379 {strides = array<i32>} : memref<4x1x4x512x1xi32, #tpu.memory_space<vmem>>, vector<1x1x1x512x1xi32>,
    %get3A_380 = arith.constant 2 : index
    %get3A_381 = arith.constant 0 : index
    %get3A_382 = arith.constant 0 : index
    %get3A_383 = vector.load %arg5[%get3A_380, %get3A_381, %get3A_382] : memref<4x192x256xf32, #tpu.memory_space<vmem>>, vector<1x192x256xf32>
    %get3A_384 = vector.shape_cast %get3A_383 : vector<1x192x256xf32> to vector<192x256xf32>
    %dot_general3A_385 = arith.constant dense<0.000000e+00> : vector<512x256xf32>
    %dot_general3A_386 = tpu.matmul %slice3A_298, %get3A_384, %dot_general3A_385 {dimension_numbers = #tpu.dot_dimension_numbers<[1], [0], [0], [1], [0, 0, 1, 1], [], []>, transpose_lhs_hint = false} : vector<512x192xf32>, vector<192x256xf32>, vector<512x256xf32> -> vector<512x256xf32>
    %reduce_max3A_387 = arith.constant dense<0xFF800000> : vector<512xf32>
    %reduce_max3A_388 = vector.multi_reduction <maximumf>, %dot_general3A_386, %reduce_max3A_387 [1] : vector<512x256xf32> to vector<512xf32>
    %broadcast_in_dim3A_389 = vector.shape_cast %reduce_max3A_388 : vector<512xf32> to vector<512x1xf32>
    %argmax3A_390 = tpu.reduce_index %dot_general3A_386 {axis = 1 : i32, kind = #tpu.reduction_kind<arg_max>} : vector<512x256xf32> -> vector<512xi32>
    %broadcast_in_dim3A_391 = vector.shape_cast %argmax3A_390 : vector<512xi32> to vector<512x1xi32>
    %reduce_min3A_392 = arith.constant dense<0x7F800000> : vector<512xf32>
    %reduce_min3A_393 = vector.multi_reduction <minimumf>, %dot_general3A_386, %reduce_min3A_392 [1] : vector<512x256xf32> to vector<512xf32>
    %broadcast_in_dim3A_394 = vector.shape_cast %reduce_min3A_393 : vector<512xf32> to vector<512x1xf32>
    %neg3A_395 = arith.constant 0.000000e+00 : f32
    %neg3A_396 = vector.broadcast %neg3A_395 : f32 to vector<512x1xf32>
    %neg3A_397 = arith.subf %neg3A_396, %broadcast_in_dim3A_394 : vector<512x1xf32>
    %argmin3A_398 = tpu.reduce_index %dot_general3A_386 {axis = 1 : i32, kind = #tpu.reduction_kind<arg_min>} : vector<512x256xf32> -> vector<512xi32>
    %broadcast_in_dim3A_399 = vector.shape_cast %argmin3A_398 : vector<512xi32> to vector<512x1xi32>
    %ge3A_400 = arith.cmpf oge, %broadcast_in_dim3A_389, %neg3A_397 : vector<512x1xf32>
    %add3A_401 = arith.constant 256 : i32
    %add3A_402 = vector.broadcast %add3A_401 : i32 to vector<512x1xi32>
    %add3A_403 = arith.addi %broadcast_in_dim3A_399, %add3A_402 : vector<512x1xi32>
    %select_n3A_404 = arith.select %ge3A_400, %broadcast_in_dim3A_391, %add3A_403 : vector<512x1xi1>, vector<512x1xi32>
    %swap3A_405 = arith.constant 2 : index
    %swap3A_406 = arith.constant 0 : index
    %swap3A_407 = arith.constant 2 : index
    %swap3A_408 = arith.constant 0 : index
    %swap3A_409 = arith.constant 0 : index
    %swap3A_410 = vector.load %arg7[%swap3A_405, %swap3A_406, %swap3A_407, %swap3A_408, %swap3A_409] : memref<4x1x4x512x1xi32, #tpu.memory_space<vmem>>, vector<1x1x1x512x1xi32>
    %swap3A_411 = vector.shape_cast %swap3A_410 : vector<1x1x1x512x1xi32> to vector<512x1xi32>
    %swap3A_412 = vector.shape_cast %select_n3A_404 : vector<512x1xi32> to vector<1x1x1x512x1xi32>
    tpu.vector_store %arg7[%swap3A_405, %swap3A_406, %swap3A_407, %swap3A_408, %swap3A_409], %swap3A_412 {strides = array<i32>} : memref<4x1x4x512x1xi32, #tpu.memory_space<vmem>>, vector<1x1x1x512x1xi32>,
    %get3A_413 = arith.constant 3 : index
    %get3A_414 = arith.constant 0 : index
    %get3A_415 = arith.constant 0 : index
    %get3A_416 = vector.load %arg5[%get3A_413, %get3A_414, %get3A_415] : memref<4x192x256xf32, #tpu.memory_space<vmem>>, vector<1x192x256xf32>
    %get3A_417 = vector.shape_cast %get3A_416 : vector<1x192x256xf32> to vector<192x256xf32>
    %dot_general3A_418 = arith.constant dense<0.000000e+00> : vector<512x256xf32>
    %dot_general3A_419 = tpu.matmul %slice3A_298, %get3A_417, %dot_general3A_418 {dimension_numbers = #tpu.dot_dimension_numbers<[1], [0], [0], [1], [0, 0, 1, 1], [], []>, transpose_lhs_hint = false} : vector<512x192xf32>, vector<192x256xf32>, vector<512x256xf32> -> vector<512x256xf32>
    %reduce_max3A_420 = arith.constant dense<0xFF800000> : vector<512xf32>
    %reduce_max3A_421 = vector.multi_reduction <maximumf>, %dot_general3A_419, %reduce_max3A_420 [1] : vector<512x256xf32> to vector<512xf32>
    %broadcast_in_dim3A_422 = vector.shape_cast %reduce_max3A_421 : vector<512xf32> to vector<512x1xf32>
    %argmax3A_423 = tpu.reduce_index %dot_general3A_419 {axis = 1 : i32, kind = #tpu.reduction_kind<arg_max>} : vector<512x256xf32> -> vector<512xi32>
    %broadcast_in_dim3A_424 = vector.shape_cast %argmax3A_423 : vector<512xi32> to vector<512x1xi32>
    %reduce_min3A_425 = arith.constant dense<0x7F800000> : vector<512xf32>
    %reduce_min3A_426 = vector.multi_reduction <minimumf>, %dot_general3A_419, %reduce_min3A_425 [1] : vector<512x256xf32> to vector<512xf32>
    %broadcast_in_dim3A_427 = vector.shape_cast %reduce_min3A_426 : vector<512xf32> to vector<512x1xf32>
    %neg3A_428 = arith.constant 0.000000e+00 : f32
    %neg3A_429 = vector.broadcast %neg3A_428 : f32 to vector<512x1xf32>
    %neg3A_430 = arith.subf %neg3A_429, %broadcast_in_dim3A_427 : vector<512x1xf32>
    %argmin3A_431 = tpu.reduce_index %dot_general3A_419 {axis = 1 : i32, kind = #tpu.reduction_kind<arg_min>} : vector<512x256xf32> -> vector<512xi32>
    %broadcast_in_dim3A_432 = vector.shape_cast %argmin3A_431 : vector<512xi32> to vector<512x1xi32>
    %ge3A_433 = arith.cmpf oge, %broadcast_in_dim3A_422, %neg3A_430 : vector<512x1xf32>
    %add3A_434 = arith.constant 256 : i32
    %add3A_435 = vector.broadcast %add3A_434 : i32 to vector<512x1xi32>
    %add3A_436 = arith.addi %broadcast_in_dim3A_432, %add3A_435 : vector<512x1xi32>
    %select_n3A_437 = arith.select %ge3A_433, %broadcast_in_dim3A_424, %add3A_436 : vector<512x1xi1>, vector<512x1xi32>
    %swap3A_438 = arith.constant 3 : index
    %swap3A_439 = arith.constant 0 : index
    %swap3A_440 = arith.constant 2 : index
    %swap3A_441 = arith.constant 0 : index
    %swap3A_442 = arith.constant 0 : index
    %swap3A_443 = vector.load %arg7[%swap3A_438, %swap3A_439, %swap3A_440, %swap3A_441, %swap3A_442] : memref<4x1x4x512x1xi32, #tpu.memory_space<vmem>>, vector<1x1x1x512x1xi32>
    %swap3A_444 = vector.shape_cast %swap3A_443 : vector<1x1x1x512x1xi32> to vector<512x1xi32>
    %swap3A_445 = vector.shape_cast %select_n3A_437 : vector<512x1xi32> to vector<1x1x1x512x1xi32>
    tpu.vector_store %arg7[%swap3A_438, %swap3A_439, %swap3A_440, %swap3A_441, %swap3A_442], %swap3A_445 {strides = array<i32>} : memref<4x1x4x512x1xi32, #tpu.memory_space<vmem>>, vector<1x1x1x512x1xi32>,
    %slice3A_446 = vector.extract_strided_slice %dot_general3A_7 {offsets = [0, 576], sizes = [512, 192], strides = [1, 1]} : vector<512x768xf32> to vector<512x192xf32>
    %swap3A_447 = arith.constant 0 : index
    %swap3A_448 = arith.constant 3 : index
    %swap3A_449 = arith.constant 0 : index
    %swap3A_450 = arith.constant 0 : index
    %swap3A_451 = vector.load %arg6[%swap3A_447, %swap3A_448, %swap3A_449, %swap3A_450] : memref<1x4x512x384xf32, #tpu.memory_space<vmem>>, vector<1x1x512x192xf32>
    %swap3A_452 = vector.shape_cast %swap3A_451 : vector<1x1x512x192xf32> to vector<512x192xf32>
    %swap3A_453 = vector.shape_cast %slice3A_446 : vector<512x192xf32> to vector<1x1x512x192xf32>
    tpu.vector_store %arg6[%swap3A_447, %swap3A_448, %swap3A_449, %swap3A_450], %swap3A_453 {strides = array<i32>} : memref<1x4x512x384xf32, #tpu.memory_space<vmem>>, vector<1x1x512x192xf32>,
    %slice3A_454 = vector.extract_strided_slice %dot_general3A_12 {offsets = [0, 576], sizes = [512, 192], strides = [1, 1]} : vector<512x768xf32> to vector<512x192xf32>
    %swap3A_455 = arith.constant 0 : index
    %swap3A_456 = arith.constant 3 : index
    %swap3A_457 = arith.constant 0 : index
    %swap3A_458 = arith.constant 192 : index
    %swap3A_459 = vector.load %arg6[%swap3A_455, %swap3A_456, %swap3A_457, %swap3A_458] : memref<1x4x512x384xf32, #tpu.memory_space<vmem>>, vector<1x1x512x192xf32>
    %swap3A_460 = vector.shape_cast %swap3A_459 : vector<1x1x512x192xf32> to vector<512x192xf32>
    %swap3A_461 = vector.shape_cast %slice3A_454 : vector<512x192xf32> to vector<1x1x512x192xf32>
    tpu.vector_store %arg6[%swap3A_455, %swap3A_456, %swap3A_457, %swap3A_458], %swap3A_461 {strides = array<i32>} : memref<1x4x512x384xf32, #tpu.memory_space<vmem>>, vector<1x1x512x192xf32>,
    %get3A_462 = arith.constant 0 : index
    %get3A_463 = arith.constant 0 : index
    %get3A_464 = arith.constant 0 : index
    %get3A_465 = vector.load %arg5[%get3A_462, %get3A_463, %get3A_464] : memref<4x192x256xf32, #tpu.memory_space<vmem>>, vector<1x192x256xf32>
    %get3A_466 = vector.shape_cast %get3A_465 : vector<1x192x256xf32> to vector<192x256xf32>
    %dot_general3A_467 = arith.constant dense<0.000000e+00> : vector<512x256xf32>
    %dot_general3A_468 = tpu.matmul %slice3A_446, %get3A_466, %dot_general3A_467 {dimension_numbers = #tpu.dot_dimension_numbers<[1], [0], [0], [1], [0, 0, 1, 1], [], []>, transpose_lhs_hint = false} : vector<512x192xf32>, vector<192x256xf32>, vector<512x256xf32> -> vector<512x256xf32>
    %reduce_max3A_469 = arith.constant dense<0xFF800000> : vector<512xf32>
    %reduce_max3A_470 = vector.multi_reduction <maximumf>, %dot_general3A_468, %reduce_max3A_469 [1] : vector<512x256xf32> to vector<512xf32>
    %broadcast_in_dim3A_471 = vector.shape_cast %reduce_max3A_470 : vector<512xf32> to vector<512x1xf32>
    %argmax3A_472 = tpu.reduce_index %dot_general3A_468 {axis = 1 : i32, kind = #tpu.reduction_kind<arg_max>} : vector<512x256xf32> -> vector<512xi32>
    %broadcast_in_dim3A_473 = vector.shape_cast %argmax3A_472 : vector<512xi32> to vector<512x1xi32>
    %reduce_min3A_474 = arith.constant dense<0x7F800000> : vector<512xf32>
    %reduce_min3A_475 = vector.multi_reduction <minimumf>, %dot_general3A_468, %reduce_min3A_474 [1] : vector<512x256xf32> to vector<512xf32>
    %broadcast_in_dim3A_476 = vector.shape_cast %reduce_min3A_475 : vector<512xf32> to vector<512x1xf32>
    %neg3A_477 = arith.constant 0.000000e+00 : f32
    %neg3A_478 = vector.broadcast %neg3A_477 : f32 to vector<512x1xf32>
    %neg3A_479 = arith.subf %neg3A_478, %broadcast_in_dim3A_476 : vector<512x1xf32>
    %argmin3A_480 = tpu.reduce_index %dot_general3A_468 {axis = 1 : i32, kind = #tpu.reduction_kind<arg_min>} : vector<512x256xf32> -> vector<512xi32>
    %broadcast_in_dim3A_481 = vector.shape_cast %argmin3A_480 : vector<512xi32> to vector<512x1xi32>
    %ge3A_482 = arith.cmpf oge, %broadcast_in_dim3A_471, %neg3A_479 : vector<512x1xf32>
    %add3A_483 = arith.constant 256 : i32
    %add3A_484 = vector.broadcast %add3A_483 : i32 to vector<512x1xi32>
    %add3A_485 = arith.addi %broadcast_in_dim3A_481, %add3A_484 : vector<512x1xi32>
    %select_n3A_486 = arith.select %ge3A_482, %broadcast_in_dim3A_473, %add3A_485 : vector<512x1xi1>, vector<512x1xi32>
    %swap3A_487 = arith.constant 0 : index
    %swap3A_488 = arith.constant 0 : index
    %swap3A_489 = arith.constant 3 : index
    %swap3A_490 = arith.constant 0 : index
    %swap3A_491 = arith.constant 0 : index
    %swap3A_492 = vector.load %arg7[%swap3A_487, %swap3A_488, %swap3A_489, %swap3A_490, %swap3A_491] : memref<4x1x4x512x1xi32, #tpu.memory_space<vmem>>, vector<1x1x1x512x1xi32>
    %swap3A_493 = vector.shape_cast %swap3A_492 : vector<1x1x1x512x1xi32> to vector<512x1xi32>
    %swap3A_494 = vector.shape_cast %select_n3A_486 : vector<512x1xi32> to vector<1x1x1x512x1xi32>
    tpu.vector_store %arg7[%swap3A_487, %swap3A_488, %swap3A_489, %swap3A_490, %swap3A_491], %swap3A_494 {strides = array<i32>} : memref<4x1x4x512x1xi32, #tpu.memory_space<vmem>>, vector<1x1x1x512x1xi32>,
    %get3A_495 = arith.constant 1 : index
    %get3A_496 = arith.constant 0 : index
    %get3A_497 = arith.constant 0 : index
    %get3A_498 = vector.load %arg5[%get3A_495, %get3A_496, %get3A_497] : memref<4x192x256xf32, #tpu.memory_space<vmem>>, vector<1x192x256xf32>
    %get3A_499 = vector.shape_cast %get3A_498 : vector<1x192x256xf32> to vector<192x256xf32>
    %dot_general3A_500 = arith.constant dense<0.000000e+00> : vector<512x256xf32>
    %dot_general3A_501 = tpu.matmul %slice3A_446, %get3A_499, %dot_general3A_500 {dimension_numbers = #tpu.dot_dimension_numbers<[1], [0], [0], [1], [0, 0, 1, 1], [], []>, transpose_lhs_hint = false} : vector<512x192xf32>, vector<192x256xf32>, vector<512x256xf32> -> vector<512x256xf32>
    %reduce_max3A_502 = arith.constant dense<0xFF800000> : vector<512xf32>
    %reduce_max3A_503 = vector.multi_reduction <maximumf>, %dot_general3A_501, %reduce_max3A_502 [1] : vector<512x256xf32> to vector<512xf32>
    %broadcast_in_dim3A_504 = vector.shape_cast %reduce_max3A_503 : vector<512xf32> to vector<512x1xf32>
    %argmax3A_505 = tpu.reduce_index %dot_general3A_501 {axis = 1 : i32, kind = #tpu.reduction_kind<arg_max>} : vector<512x256xf32> -> vector<512xi32>
    %broadcast_in_dim3A_506 = vector.shape_cast %argmax3A_505 : vector<512xi32> to vector<512x1xi32>
    %reduce_min3A_507 = arith.constant dense<0x7F800000> : vector<512xf32>
    %reduce_min3A_508 = vector.multi_reduction <minimumf>, %dot_general3A_501, %reduce_min3A_507 [1] : vector<512x256xf32> to vector<512xf32>
    %broadcast_in_dim3A_509 = vector.shape_cast %reduce_min3A_508 : vector<512xf32> to vector<512x1xf32>
    %neg3A_510 = arith.constant 0.000000e+00 : f32
    %neg3A_511 = vector.broadcast %neg3A_510 : f32 to vector<512x1xf32>
    %neg3A_512 = arith.subf %neg3A_511, %broadcast_in_dim3A_509 : vector<512x1xf32>
    %argmin3A_513 = tpu.reduce_index %dot_general3A_501 {axis = 1 : i32, kind = #tpu.reduction_kind<arg_min>} : vector<512x256xf32> -> vector<512xi32>
    %broadcast_in_dim3A_514 = vector.shape_cast %argmin3A_513 : vector<512xi32> to vector<512x1xi32>
    %ge3A_515 = arith.cmpf oge, %broadcast_in_dim3A_504, %neg3A_512 : vector<512x1xf32>
    %add3A_516 = arith.constant 256 : i32
    %add3A_517 = vector.broadcast %add3A_516 : i32 to vector<512x1xi32>
    %add3A_518 = arith.addi %broadcast_in_dim3A_514, %add3A_517 : vector<512x1xi32>
    %select_n3A_519 = arith.select %ge3A_515, %broadcast_in_dim3A_506, %add3A_518 : vector<512x1xi1>, vector<512x1xi32>
    %swap3A_520 = arith.constant 1 : index
    %swap3A_521 = arith.constant 0 : index
    %swap3A_522 = arith.constant 3 : index
    %swap3A_523 = arith.constant 0 : index
    %swap3A_524 = arith.constant 0 : index
    %swap3A_525 = vector.load %arg7[%swap3A_520, %swap3A_521, %swap3A_522, %swap3A_523, %swap3A_524] : memref<4x1x4x512x1xi32, #tpu.memory_space<vmem>>, vector<1x1x1x512x1xi32>
    %swap3A_526 = vector.shape_cast %swap3A_525 : vector<1x1x1x512x1xi32> to vector<512x1xi32>
    %swap3A_527 = vector.shape_cast %select_n3A_519 : vector<512x1xi32> to vector<1x1x1x512x1xi32>
    tpu.vector_store %arg7[%swap3A_520, %swap3A_521, %swap3A_522, %swap3A_523, %swap3A_524], %swap3A_527 {strides = array<i32>} : memref<4x1x4x512x1xi32, #tpu.memory_space<vmem>>, vector<1x1x1x512x1xi32>,
    %get3A_528 = arith.constant 2 : index
    %get3A_529 = arith.constant 0 : index
    %get3A_530 = arith.constant 0 : index
    %get3A_531 = vector.load %arg5[%get3A_528, %get3A_529, %get3A_530] : memref<4x192x256xf32, #tpu.memory_space<vmem>>, vector<1x192x256xf32>
    %get3A_532 = vector.shape_cast %get3A_531 : vector<1x192x256xf32> to vector<192x256xf32>
    %dot_general3A_533 = arith.constant dense<0.000000e+00> : vector<512x256xf32>
    %dot_general3A_534 = tpu.matmul %slice3A_446, %get3A_532, %dot_general3A_533 {dimension_numbers = #tpu.dot_dimension_numbers<[1], [0], [0], [1], [0, 0, 1, 1], [], []>, transpose_lhs_hint = false} : vector<512x192xf32>, vector<192x256xf32>, vector<512x256xf32> -> vector<512x256xf32>
    %reduce_max3A_535 = arith.constant dense<0xFF800000> : vector<512xf32>
    %reduce_max3A_536 = vector.multi_reduction <maximumf>, %dot_general3A_534, %reduce_max3A_535 [1] : vector<512x256xf32> to vector<512xf32>
    %broadcast_in_dim3A_537 = vector.shape_cast %reduce_max3A_536 : vector<512xf32> to vector<512x1xf32>
    %argmax3A_538 = tpu.reduce_index %dot_general3A_534 {axis = 1 : i32, kind = #tpu.reduction_kind<arg_max>} : vector<512x256xf32> -> vector<512xi32>
    %broadcast_in_dim3A_539 = vector.shape_cast %argmax3A_538 : vector<512xi32> to vector<512x1xi32>
    %reduce_min3A_540 = arith.constant dense<0x7F800000> : vector<512xf32>
    %reduce_min3A_541 = vector.multi_reduction <minimumf>, %dot_general3A_534, %reduce_min3A_540 [1] : vector<512x256xf32> to vector<512xf32>
    %broadcast_in_dim3A_542 = vector.shape_cast %reduce_min3A_541 : vector<512xf32> to vector<512x1xf32>
    %neg3A_543 = arith.constant 0.000000e+00 : f32
    %neg3A_544 = vector.broadcast %neg3A_543 : f32 to vector<512x1xf32>
    %neg3A_545 = arith.subf %neg3A_544, %broadcast_in_dim3A_542 : vector<512x1xf32>
    %argmin3A_546 = tpu.reduce_index %dot_general3A_534 {axis = 1 : i32, kind = #tpu.reduction_kind<arg_min>} : vector<512x256xf32> -> vector<512xi32>
    %broadcast_in_dim3A_547 = vector.shape_cast %argmin3A_546 : vector<512xi32> to vector<512x1xi32>
    %ge3A_548 = arith.cmpf oge, %broadcast_in_dim3A_537, %neg3A_545 : vector<512x1xf32>
    %add3A_549 = arith.constant 256 : i32
    %add3A_550 = vector.broadcast %add3A_549 : i32 to vector<512x1xi32>
    %add3A_551 = arith.addi %broadcast_in_dim3A_547, %add3A_550 : vector<512x1xi32>
    %select_n3A_552 = arith.select %ge3A_548, %broadcast_in_dim3A_539, %add3A_551 : vector<512x1xi1>, vector<512x1xi32>
    %swap3A_553 = arith.constant 2 : index
    %swap3A_554 = arith.constant 0 : index
    %swap3A_555 = arith.constant 3 : index
    %swap3A_556 = arith.constant 0 : index
    %swap3A_557 = arith.constant 0 : index
    %swap3A_558 = vector.load %arg7[%swap3A_553, %swap3A_554, %swap3A_555, %swap3A_556, %swap3A_557] : memref<4x1x4x512x1xi32, #tpu.memory_space<vmem>>, vector<1x1x1x512x1xi32>
    %swap3A_559 = vector.shape_cast %swap3A_558 : vector<1x1x1x512x1xi32> to vector<512x1xi32>
    %swap3A_560 = vector.shape_cast %select_n3A_552 : vector<512x1xi32> to vector<1x1x1x512x1xi32>
    tpu.vector_store %arg7[%swap3A_553, %swap3A_554, %swap3A_555, %swap3A_556, %swap3A_557], %swap3A_560 {strides = array<i32>} : memref<4x1x4x512x1xi32, #tpu.memory_space<vmem>>, vector<1x1x1x512x1xi32>,
    %get3A_561 = arith.constant 3 : index
    %get3A_562 = arith.constant 0 : index
    %get3A_563 = arith.constant 0 : index
    %get3A_564 = vector.load %arg5[%get3A_561, %get3A_562, %get3A_563] : memref<4x192x256xf32, #tpu.memory_space<vmem>>, vector<1x192x256xf32>
    %get3A_565 = vector.shape_cast %get3A_564 : vector<1x192x256xf32> to vector<192x256xf32>
    %dot_general3A_566 = arith.constant dense<0.000000e+00> : vector<512x256xf32>
    %dot_general3A_567 = tpu.matmul %slice3A_446, %get3A_565, %dot_general3A_566 {dimension_numbers = #tpu.dot_dimension_numbers<[1], [0], [0], [1], [0, 0, 1, 1], [], []>, transpose_lhs_hint = false} : vector<512x192xf32>, vector<192x256xf32>, vector<512x256xf32> -> vector<512x256xf32>
    %reduce_max3A_568 = arith.constant dense<0xFF800000> : vector<512xf32>
    %reduce_max3A_569 = vector.multi_reduction <maximumf>, %dot_general3A_567, %reduce_max3A_568 [1] : vector<512x256xf32> to vector<512xf32>
    %broadcast_in_dim3A_570 = vector.shape_cast %reduce_max3A_569 : vector<512xf32> to vector<512x1xf32>
    %argmax3A_571 = tpu.reduce_index %dot_general3A_567 {axis = 1 : i32, kind = #tpu.reduction_kind<arg_max>} : vector<512x256xf32> -> vector<512xi32>
    %broadcast_in_dim3A_572 = vector.shape_cast %argmax3A_571 : vector<512xi32> to vector<512x1xi32>
    %reduce_min3A_573 = arith.constant dense<0x7F800000> : vector<512xf32>
    %reduce_min3A_574 = vector.multi_reduction <minimumf>, %dot_general3A_567, %reduce_min3A_573 [1] : vector<512x256xf32> to vector<512xf32>
    %broadcast_in_dim3A_575 = vector.shape_cast %reduce_min3A_574 : vector<512xf32> to vector<512x1xf32>
    %neg3A_576 = arith.constant 0.000000e+00 : f32
    %neg3A_577 = vector.broadcast %neg3A_576 : f32 to vector<512x1xf32>
    %neg3A_578 = arith.subf %neg3A_577, %broadcast_in_dim3A_575 : vector<512x1xf32>
    %argmin3A_579 = tpu.reduce_index %dot_general3A_567 {axis = 1 : i32, kind = #tpu.reduction_kind<arg_min>} : vector<512x256xf32> -> vector<512xi32>
    %broadcast_in_dim3A_580 = vector.shape_cast %argmin3A_579 : vector<512xi32> to vector<512x1xi32>
    %ge3A_581 = arith.cmpf oge, %broadcast_in_dim3A_570, %neg3A_578 : vector<512x1xf32>
    %add3A_582 = arith.constant 256 : i32
    %add3A_583 = vector.broadcast %add3A_582 : i32 to vector<512x1xi32>
    %add3A_584 = arith.addi %broadcast_in_dim3A_580, %add3A_583 : vector<512x1xi32>
    %select_n3A_585 = arith.select %ge3A_581, %broadcast_in_dim3A_572, %add3A_584 : vector<512x1xi1>, vector<512x1xi32>
    %swap3A_586 = arith.constant 3 : index
    %swap3A_587 = arith.constant 0 : index
    %swap3A_588 = arith.constant 3 : index
    %swap3A_589 = arith.constant 0 : index
    %swap3A_590 = arith.constant 0 : index
    %swap3A_591 = vector.load %arg7[%swap3A_586, %swap3A_587, %swap3A_588, %swap3A_589, %swap3A_590] : memref<4x1x4x512x1xi32, #tpu.memory_space<vmem>>, vector<1x1x1x512x1xi32>
    %swap3A_592 = vector.shape_cast %swap3A_591 : vector<1x1x1x512x1xi32> to vector<512x1xi32>
    %swap3A_593 = vector.shape_cast %select_n3A_585 : vector<512x1xi32> to vector<1x1x1x512x1xi32>
    tpu.vector_store %arg7[%swap3A_586, %swap3A_587, %swap3A_588, %swap3A_589, %swap3A_590], %swap3A_593 {strides = array<i32>} : memref<4x1x4x512x1xi32, #tpu.memory_space<vmem>>, vector<1x1x1x512x1xi32>,
    return
  }
  func.func @transform_0(%arg0: i32, %arg1: i32) -> (i32, i32, i32) {
    %c0_i32 = arith.constant 0 : i32
    %c0_i32_0 = arith.constant 0 : i32
    return %arg0, %arg1, %c0_i32 : i32, i32, i32
  }
  func.func @transform_1(%arg0: i32, %arg1: i32) -> (i32, i32) {
    %c0_i32 = arith.constant 0 : i32
    %c0_i32_0 = arith.constant 0 : i32
    %c0_i32_1 = arith.constant 0 : i32
    return %c0_i32, %c0_i32_0 : i32, i32
  }
  func.func @transform_2(%arg0: i32, %arg1: i32) -> (i32, i32) {
    %c0_i32 = arith.constant 0 : i32
    %c0_i32_0 = arith.constant 0 : i32
    %c0_i32_1 = arith.constant 0 : i32
    return %c0_i32, %c0_i32_0 : i32, i32
  }
  func.func @transform_3(%arg0: i32, %arg1: i32) -> (i32, i32, i32) {
    %c0_i32 = arith.constant 0 : i32
    %c0_i32_0 = arith.constant 0 : i32
    %c0_i32_1 = arith.constant 0 : i32
    %c0_i32_2 = arith.constant 0 : i32
    return %c0_i32, %c0_i32_0, %c0_i32_1 : i32, i32, i32
  }
  func.func @transform_4(%arg0: i32, %arg1: i32) -> (i32, i32, i32, i32) {
    %c0_i32 = arith.constant 0 : i32
    %c0_i32_0 = arith.constant 0 : i32
    %c0_i32_1 = arith.constant 0 : i32
    return %arg0, %c0_i32, %arg1, %c0_i32_0 : i32, i32, i32, i32
  }
  func.func @transform_5(%arg0: i32, %arg1: i32) -> (i32, i32, i32, i32, i32) {
    %c0_i32 = arith.constant 0 : i32
    %c0_i32_0 = arith.constant 0 : i32
    %c0_i32_1 = arith.constant 0 : i32
    %c0_i32_2 = arith.constant 0 : i32
    return %c0_i32, %arg0, %c0_i32_0, %arg1, %c0_i32_1 : i32, i32, i32, i32, i32
  }
}

module attributes {stable_mosaic.version = 14 : i64} {
  func.func @_attn_kernel(%arg0: i32, %arg1: i32, %arg2: memref<1x256x384xf32, #tpu.memory_space<vmem>>, %arg3: memref<1x4x384xf32, #tpu.memory_space<vmem>>, %arg4: memref<1x256x192xf32, #tpu.memory_space<vmem>>, %arg5: memref<1x256x1xf32, #tpu.memory_space<vmem>>) attributes {dimension_semantics = [#tpu.dimension_semantics<arbitrary>, #tpu.dimension_semantics<arbitrary>], iteration_bounds = array<i64: 32, 8>, scalar_prefetch = 0 : i64, scratch_operands = 0 : i64, tpu.core_type = #tpu.core_type<tc>, window_params = [{transform_indices = @transform_0, window_bounds = array<i64: 1, 256, 384>}, {transform_indices = @transform_1, window_bounds = array<i64: 1, 4, 384>}, {transform_indices = @transform_2, window_bounds = array<i64: 1, 256, 192>}, {transform_indices = @transform_3, window_bounds = array<i64: 1, 256, 1>}]} {
    %get3A = arith.constant 0 : index
    %get3A_0 = arith.constant 0 : index
    %get3A_1 = arith.constant 0 : index
    %get3A_2 = vector.load %arg2[%get3A, %get3A_0, %get3A_1] : memref<1x256x384xf32, #tpu.memory_space<vmem>>, vector<1x256x384xf32>
    %get3A_3 = vector.shape_cast %get3A_2 : vector<1x256x384xf32> to vector<256x384xf32>
    %slice3A = vector.extract_strided_slice %get3A_3 {offsets = [0, 0], sizes = [256, 192], strides = [1, 1]} : vector<256x384xf32> to vector<256x192xf32>
    %slice3A_4 = vector.extract_strided_slice %get3A_3 {offsets = [0, 0], sizes = [256, 192], strides = [1, 1]} : vector<256x384xf32> to vector<256x192xf32>
    %slice3A_5 = vector.extract_strided_slice %get3A_3 {offsets = [0, 192], sizes = [256, 192], strides = [1, 1]} : vector<256x384xf32> to vector<256x192xf32>
    %mul3A = arith.mulf %slice3A_4, %slice3A_4 : vector<256x192xf32>
    %reduce_sum3A = arith.constant dense<0.000000e+00> : vector<256xf32>
    %reduce_sum3A_6 = vector.multi_reduction <add>, %mul3A, %reduce_sum3A [1] : vector<256x192xf32> to vector<256xf32>
    %broadcast_in_dim3A = vector.shape_cast %reduce_sum3A_6 : vector<256xf32> to vector<256x1xf32>
    %sqrt3A = math.sqrt %broadcast_in_dim3A : vector<256x1xf32>
    %add3A = arith.constant 9.99999993E-9 : f32
    %add3A_7 = vector.broadcast %add3A : f32 to vector<256x1xf32>
    %add3A_8 = arith.addf %sqrt3A, %add3A_7 : vector<256x1xf32>
    %div3A = vector.broadcast %add3A_8 : vector<256x1xf32> to vector<256x192xf32>
    %div3A_9 = arith.divf %slice3A_4, %div3A : vector<256x192xf32>
    %get3A_10 = arith.constant 0 : index
    %get3A_11 = arith.constant 0 : index
    %get3A_12 = arith.constant 0 : index
    %get3A_13 = vector.load %arg3[%get3A_10, %get3A_11, %get3A_12] : memref<1x4x384xf32, #tpu.memory_space<vmem>>, vector<1x4x384xf32>
    %get3A_14 = vector.shape_cast %get3A_13 : vector<1x4x384xf32> to vector<4x384xf32>
    %slice3A_15 = vector.extract_strided_slice %get3A_14 {offsets = [0, 0], sizes = [4, 192], strides = [1, 1]} : vector<4x384xf32> to vector<4x192xf32>
    %slice3A_16 = vector.extract_strided_slice %get3A_14 {offsets = [0, 192], sizes = [4, 192], strides = [1, 1]} : vector<4x384xf32> to vector<4x192xf32>
    %mul3A_17 = arith.mulf %slice3A_15, %slice3A_15 : vector<4x192xf32>
    %reduce_sum3A_18 = arith.constant dense<0.000000e+00> : vector<4xf32>
    %reduce_sum3A_19 = vector.multi_reduction <add>, %mul3A_17, %reduce_sum3A_18 [1] : vector<4x192xf32> to vector<4xf32>
    %broadcast_in_dim3A_20 = vector.shape_cast %reduce_sum3A_19 : vector<4xf32> to vector<4x1xf32>
    %sqrt3A_21 = math.sqrt %broadcast_in_dim3A_20 : vector<4x1xf32>
    %add3A_22 = arith.constant 9.99999993E-9 : f32
    %add3A_23 = vector.broadcast %add3A_22 : f32 to vector<4x1xf32>
    %add3A_24 = arith.addf %sqrt3A_21, %add3A_23 : vector<4x1xf32>
    %div3A_25 = vector.broadcast %add3A_24 : vector<4x1xf32> to vector<4x192xf32>
    %div3A_26 = arith.divf %slice3A_15, %div3A_25 : vector<4x192xf32>
    %dot_general3A = arith.constant dense<0.000000e+00> : vector<256x256xf32>
    %dot_general3A_27 = tpu.matmul %slice3A, %div3A_9, %dot_general3A {dimension_numbers = #tpu.dot_dimension_numbers<[1], [1], [0], [0], [0, 0, 1, 0], [], []>, transpose_lhs_hint = false} : vector<256x192xf32>, vector<256x192xf32>, vector<256x256xf32> -> vector<256x256xf32>
    %div3A_28 = arith.constant 13.8564062 : f32
    %div3A_29 = vector.broadcast %div3A_28 : f32 to vector<256x256xf32>
    %div3A_30 = arith.divf %dot_general3A_27, %div3A_29 : vector<256x256xf32>
    %dot_general3A_31 = arith.constant dense<0.000000e+00> : vector<256x4xf32>
    %dot_general3A_32 = tpu.matmul %slice3A, %div3A_26, %dot_general3A_31 {dimension_numbers = #tpu.dot_dimension_numbers<[1], [1], [0], [0], [0, 0, 1, 0], [], []>, transpose_lhs_hint = false} : vector<256x192xf32>, vector<4x192xf32>, vector<256x4xf32> -> vector<256x4xf32>
    %div3A_33 = arith.constant 13.8564062 : f32
    %div3A_34 = vector.broadcast %div3A_33 : f32 to vector<256x4xf32>
    %div3A_35 = arith.divf %dot_general3A_32, %div3A_34 : vector<256x4xf32>
    %iota3A = tpu.iota {dimensions = array<i32: 0>} : vector<256x256xi32>
    %iota3A_36 = tpu.iota {dimensions = array<i32: 1>} : vector<256x256xi32>
    %jit3A = arith.constant 4 : i32
    %div3A_37 = vector.broadcast %jit3A : i32 to vector<256x256xi32>
    %div3A_38 = arith.divsi %iota3A, %div3A_37 : vector<256x256xi32>
    %sign3A = arith.constant 0 : i32
    %sign3A_39 = vector.broadcast %sign3A : i32 to vector<256x256xi32>
    %sign3A_40 = arith.cmpi sgt, %iota3A, %sign3A_39 : vector<256x256xi32>
    %sign3A_41 = arith.extui %sign3A_40 : vector<256x256xi1> to vector<256x256xi32>
    %sign3A_42 = arith.constant 0 : i32
    %sign3A_43 = vector.broadcast %sign3A_42 : i32 to vector<256x256xi32>
    %sign3A_44 = arith.cmpi slt, %iota3A, %sign3A_43 : vector<256x256xi32>
    %sign3A_45 = arith.extui %sign3A_44 : vector<256x256xi1> to vector<256x256xi32>
    %sign3A_46 = arith.subi %sign3A_41, %sign3A_45 : vector<256x256xi32>
    %sign3A_47 = arith.constant 0 : i32
    %sign3A_48 = arith.cmpi sgt, %jit3A, %sign3A_47 : i32
    %sign3A_49 = arith.extui %sign3A_48 : i1 to i32
    %sign3A_50 = arith.constant 0 : i32
    %sign3A_51 = arith.cmpi slt, %jit3A, %sign3A_50 : i32
    %sign3A_52 = arith.extui %sign3A_51 : i1 to i32
    %sign3A_53 = arith.subi %sign3A_49, %sign3A_52 : i32
    %ne3A = vector.broadcast %sign3A_53 : i32 to vector<256x256xi32>
    %ne3A_54 = arith.cmpi ne, %sign3A_46, %ne3A : vector<256x256xi32>
    %rem3A = vector.broadcast %jit3A : i32 to vector<256x256xi32>
    %rem3A_55 = arith.remsi %iota3A, %rem3A : vector<256x256xi32>
    %ne3A_56 = arith.constant 0 : i32
    %ne3A_57 = vector.broadcast %ne3A_56 : i32 to vector<256x256xi32>
    %ne3A_58 = arith.cmpi ne, %rem3A_55, %ne3A_57 : vector<256x256xi32>
    %and3A = arith.andi %ne3A_54, %ne3A_58 : vector<256x256xi1>
    %sub3A = arith.constant 1 : i32
    %sub3A_59 = vector.broadcast %sub3A : i32 to vector<256x256xi32>
    %sub3A_60 = arith.subi %div3A_38, %sub3A_59 : vector<256x256xi32>
    %select_n3A = arith.select %and3A, %sub3A_60, %div3A_38 : vector<256x256xi1>, vector<256x256xi32>
    %jit3A_61 = arith.constant 4 : i32
    %div3A_62 = vector.broadcast %jit3A_61 : i32 to vector<256x256xi32>
    %div3A_63 = arith.divsi %iota3A_36, %div3A_62 : vector<256x256xi32>
    %sign3A_64 = arith.constant 0 : i32
    %sign3A_65 = vector.broadcast %sign3A_64 : i32 to vector<256x256xi32>
    %sign3A_66 = arith.cmpi sgt, %iota3A_36, %sign3A_65 : vector<256x256xi32>
    %sign3A_67 = arith.extui %sign3A_66 : vector<256x256xi1> to vector<256x256xi32>
    %sign3A_68 = arith.constant 0 : i32
    %sign3A_69 = vector.broadcast %sign3A_68 : i32 to vector<256x256xi32>
    %sign3A_70 = arith.cmpi slt, %iota3A_36, %sign3A_69 : vector<256x256xi32>
    %sign3A_71 = arith.extui %sign3A_70 : vector<256x256xi1> to vector<256x256xi32>
    %sign3A_72 = arith.subi %sign3A_67, %sign3A_71 : vector<256x256xi32>
    %sign3A_73 = arith.constant 0 : i32
    %sign3A_74 = arith.cmpi sgt, %jit3A_61, %sign3A_73 : i32
    %sign3A_75 = arith.extui %sign3A_74 : i1 to i32
    %sign3A_76 = arith.constant 0 : i32
    %sign3A_77 = arith.cmpi slt, %jit3A_61, %sign3A_76 : i32
    %sign3A_78 = arith.extui %sign3A_77 : i1 to i32
    %sign3A_79 = arith.subi %sign3A_75, %sign3A_78 : i32
    %ne3A_80 = vector.broadcast %sign3A_79 : i32 to vector<256x256xi32>
    %ne3A_81 = arith.cmpi ne, %sign3A_72, %ne3A_80 : vector<256x256xi32>
    %rem3A_82 = vector.broadcast %jit3A_61 : i32 to vector<256x256xi32>
    %rem3A_83 = arith.remsi %iota3A_36, %rem3A_82 : vector<256x256xi32>
    %ne3A_84 = arith.constant 0 : i32
    %ne3A_85 = vector.broadcast %ne3A_84 : i32 to vector<256x256xi32>
    %ne3A_86 = arith.cmpi ne, %rem3A_83, %ne3A_85 : vector<256x256xi32>
    %and3A_87 = arith.andi %ne3A_81, %ne3A_86 : vector<256x256xi1>
    %sub3A_88 = arith.constant 1 : i32
    %sub3A_89 = vector.broadcast %sub3A_88 : i32 to vector<256x256xi32>
    %sub3A_90 = arith.subi %div3A_63, %sub3A_89 : vector<256x256xi32>
    %select_n3A_91 = arith.select %and3A_87, %sub3A_90, %div3A_63 : vector<256x256xi1>, vector<256x256xi32>
    %eq3A = arith.cmpi eq, %select_n3A, %select_n3A_91 : vector<256x256xi32>
    %jit3A_92 = arith.constant 4 : i32
    %div3A_93 = vector.broadcast %jit3A_92 : i32 to vector<256x256xi32>
    %div3A_94 = arith.divsi %iota3A, %div3A_93 : vector<256x256xi32>
    %sign3A_95 = arith.constant 0 : i32
    %sign3A_96 = vector.broadcast %sign3A_95 : i32 to vector<256x256xi32>
    %sign3A_97 = arith.cmpi sgt, %iota3A, %sign3A_96 : vector<256x256xi32>
    %sign3A_98 = arith.extui %sign3A_97 : vector<256x256xi1> to vector<256x256xi32>
    %sign3A_99 = arith.constant 0 : i32
    %sign3A_100 = vector.broadcast %sign3A_99 : i32 to vector<256x256xi32>
    %sign3A_101 = arith.cmpi slt, %iota3A, %sign3A_100 : vector<256x256xi32>
    %sign3A_102 = arith.extui %sign3A_101 : vector<256x256xi1> to vector<256x256xi32>
    %sign3A_103 = arith.subi %sign3A_98, %sign3A_102 : vector<256x256xi32>
    %sign3A_104 = arith.constant 0 : i32
    %sign3A_105 = arith.cmpi sgt, %jit3A_92, %sign3A_104 : i32
    %sign3A_106 = arith.extui %sign3A_105 : i1 to i32
    %sign3A_107 = arith.constant 0 : i32
    %sign3A_108 = arith.cmpi slt, %jit3A_92, %sign3A_107 : i32
    %sign3A_109 = arith.extui %sign3A_108 : i1 to i32
    %sign3A_110 = arith.subi %sign3A_106, %sign3A_109 : i32
    %ne3A_111 = vector.broadcast %sign3A_110 : i32 to vector<256x256xi32>
    %ne3A_112 = arith.cmpi ne, %sign3A_103, %ne3A_111 : vector<256x256xi32>
    %rem3A_113 = vector.broadcast %jit3A_92 : i32 to vector<256x256xi32>
    %rem3A_114 = arith.remsi %iota3A, %rem3A_113 : vector<256x256xi32>
    %ne3A_115 = arith.constant 0 : i32
    %ne3A_116 = vector.broadcast %ne3A_115 : i32 to vector<256x256xi32>
    %ne3A_117 = arith.cmpi ne, %rem3A_114, %ne3A_116 : vector<256x256xi32>
    %and3A_118 = arith.andi %ne3A_112, %ne3A_117 : vector<256x256xi1>
    %sub3A_119 = arith.constant 1 : i32
    %sub3A_120 = vector.broadcast %sub3A_119 : i32 to vector<256x256xi32>
    %sub3A_121 = arith.subi %div3A_94, %sub3A_120 : vector<256x256xi32>
    %select_n3A_122 = arith.select %and3A_118, %sub3A_121, %div3A_94 : vector<256x256xi1>, vector<256x256xi32>
    %jit3A_123 = arith.constant 4 : i32
    %div3A_124 = vector.broadcast %jit3A_123 : i32 to vector<256x256xi32>
    %div3A_125 = arith.divsi %iota3A_36, %div3A_124 : vector<256x256xi32>
    %sign3A_126 = arith.constant 0 : i32
    %sign3A_127 = vector.broadcast %sign3A_126 : i32 to vector<256x256xi32>
    %sign3A_128 = arith.cmpi sgt, %iota3A_36, %sign3A_127 : vector<256x256xi32>
    %sign3A_129 = arith.extui %sign3A_128 : vector<256x256xi1> to vector<256x256xi32>
    %sign3A_130 = arith.constant 0 : i32
    %sign3A_131 = vector.broadcast %sign3A_130 : i32 to vector<256x256xi32>
    %sign3A_132 = arith.cmpi slt, %iota3A_36, %sign3A_131 : vector<256x256xi32>
    %sign3A_133 = arith.extui %sign3A_132 : vector<256x256xi1> to vector<256x256xi32>
    %sign3A_134 = arith.subi %sign3A_129, %sign3A_133 : vector<256x256xi32>
    %sign3A_135 = arith.constant 0 : i32
    %sign3A_136 = arith.cmpi sgt, %jit3A_123, %sign3A_135 : i32
    %sign3A_137 = arith.extui %sign3A_136 : i1 to i32
    %sign3A_138 = arith.constant 0 : i32
    %sign3A_139 = arith.cmpi slt, %jit3A_123, %sign3A_138 : i32
    %sign3A_140 = arith.extui %sign3A_139 : i1 to i32
    %sign3A_141 = arith.subi %sign3A_137, %sign3A_140 : i32
    %ne3A_142 = vector.broadcast %sign3A_141 : i32 to vector<256x256xi32>
    %ne3A_143 = arith.cmpi ne, %sign3A_134, %ne3A_142 : vector<256x256xi32>
    %rem3A_144 = vector.broadcast %jit3A_123 : i32 to vector<256x256xi32>
    %rem3A_145 = arith.remsi %iota3A_36, %rem3A_144 : vector<256x256xi32>
    %ne3A_146 = arith.constant 0 : i32
    %ne3A_147 = vector.broadcast %ne3A_146 : i32 to vector<256x256xi32>
    %ne3A_148 = arith.cmpi ne, %rem3A_145, %ne3A_147 : vector<256x256xi32>
    %and3A_149 = arith.andi %ne3A_143, %ne3A_148 : vector<256x256xi1>
    %sub3A_150 = arith.constant 1 : i32
    %sub3A_151 = vector.broadcast %sub3A_150 : i32 to vector<256x256xi32>
    %sub3A_152 = arith.subi %div3A_125, %sub3A_151 : vector<256x256xi32>
    %select_n3A_153 = arith.select %and3A_149, %sub3A_152, %div3A_125 : vector<256x256xi1>, vector<256x256xi32>
    %add3A_154 = arith.constant 1 : i32
    %add3A_155 = vector.broadcast %add3A_154 : i32 to vector<256x256xi32>
    %add3A_156 = arith.addi %select_n3A_153, %add3A_155 : vector<256x256xi32>
    %eq3A_157 = arith.cmpi eq, %select_n3A_122, %add3A_156 : vector<256x256xi32>
    %or3A = arith.ori %eq3A, %eq3A_157 : vector<256x256xi1>
    %eq3A_158 = arith.cmpi eq, %iota3A, %iota3A_36 : vector<256x256xi32>
    %jit3A_159 = arith.constant -1.000000e+05 : f32
    %broadcast_in_dim3A_160 = vector.broadcast %jit3A_159 : f32 to vector<256x256xf32>
    %select_n3A_161 = arith.select %eq3A_158, %broadcast_in_dim3A_160, %div3A_30 : vector<256x256xi1>, vector<256x256xf32>
    %jit3A_162 = arith.constant -1.000000e+30 : f32
    %broadcast_in_dim3A_163 = vector.broadcast %jit3A_162 : f32 to vector<256x256xf32>
    %select_n3A_164 = arith.select %or3A, %select_n3A_161, %broadcast_in_dim3A_163 : vector<256x256xi1>, vector<256x256xf32>
    %iota3A_165 = tpu.iota {dimensions = array<i32: 0>} : vector<256x4xi32>
    %lt3A = arith.constant 4 : i32
    %lt3A_166 = vector.broadcast %lt3A : i32 to vector<256x4xi32>
    %lt3A_167 = arith.cmpi slt, %iota3A_165, %lt3A_166 : vector<256x4xi32>
    %jit3A_168 = arith.constant -1.000000e+30 : f32
    %broadcast_in_dim3A_169 = vector.broadcast %jit3A_168 : f32 to vector<256x4xf32>
    %select_n3A_170 = arith.select %lt3A_167, %div3A_35, %broadcast_in_dim3A_169 : vector<256x4xi1>, vector<256x4xf32>
    %reduce_max3A = arith.constant dense<0xFF800000> : vector<256xf32>
    %reduce_max3A_171 = vector.multi_reduction <maximumf>, %select_n3A_164, %reduce_max3A [1] : vector<256x256xf32> to vector<256xf32>
    %broadcast_in_dim3A_172 = vector.shape_cast %reduce_max3A_171 : vector<256xf32> to vector<256x1xf32>
    %reduce_max3A_173 = arith.constant dense<0xFF800000> : vector<256xf32>
    %reduce_max3A_174 = vector.multi_reduction <maximumf>, %select_n3A_170, %reduce_max3A_173 [1] : vector<256x4xf32> to vector<256xf32>
    %broadcast_in_dim3A_175 = vector.shape_cast %reduce_max3A_174 : vector<256xf32> to vector<256x1xf32>
    %max3A = arith.maximumf %broadcast_in_dim3A_172, %broadcast_in_dim3A_175 : vector<256x1xf32>
    %sub3A_176 = vector.broadcast %max3A : vector<256x1xf32> to vector<256x256xf32>
    %sub3A_177 = arith.subf %select_n3A_164, %sub3A_176 : vector<256x256xf32>
    %exp3A = math.exp %sub3A_177 : vector<256x256xf32>
    %sub3A_178 = vector.broadcast %max3A : vector<256x1xf32> to vector<256x4xf32>
    %sub3A_179 = arith.subf %select_n3A_170, %sub3A_178 : vector<256x4xf32>
    %exp3A_180 = math.exp %sub3A_179 : vector<256x4xf32>
    %reduce_sum3A_181 = arith.constant dense<0.000000e+00> : vector<256xf32>
    %reduce_sum3A_182 = vector.multi_reduction <add>, %exp3A, %reduce_sum3A_181 [1] : vector<256x256xf32> to vector<256xf32>
    %broadcast_in_dim3A_183 = vector.shape_cast %reduce_sum3A_182 : vector<256xf32> to vector<256x1xf32>
    %reduce_sum3A_184 = arith.constant dense<0.000000e+00> : vector<256xf32>
    %reduce_sum3A_185 = vector.multi_reduction <add>, %exp3A_180, %reduce_sum3A_184 [1] : vector<256x4xf32> to vector<256xf32>
    %broadcast_in_dim3A_186 = vector.shape_cast %reduce_sum3A_185 : vector<256xf32> to vector<256x1xf32>
    %add3A_187 = arith.addf %broadcast_in_dim3A_183, %broadcast_in_dim3A_186 : vector<256x1xf32>
    %log3A = math.log %add3A_187 : vector<256x1xf32>
    %add3A_188 = arith.addf %max3A, %log3A : vector<256x1xf32>
    %sub3A_189 = vector.broadcast %add3A_188 : vector<256x1xf32> to vector<256x256xf32>
    %sub3A_190 = arith.subf %select_n3A_164, %sub3A_189 : vector<256x256xf32>
    %exp3A_191 = math.exp %sub3A_190 : vector<256x256xf32>
    %sub3A_192 = vector.broadcast %add3A_188 : vector<256x1xf32> to vector<256x4xf32>
    %sub3A_193 = arith.subf %select_n3A_170, %sub3A_192 : vector<256x4xf32>
    %exp3A_194 = math.exp %sub3A_193 : vector<256x4xf32>
    %dot_general3A_195 = arith.constant dense<0.000000e+00> : vector<256x192xf32>
    %dot_general3A_196 = tpu.matmul %exp3A_191, %slice3A_5, %dot_general3A_195 {dimension_numbers = #tpu.dot_dimension_numbers<[1], [0], [0], [1], [0, 0, 1, 1], [], []>, transpose_lhs_hint = false} : vector<256x256xf32>, vector<256x192xf32>, vector<256x192xf32> -> vector<256x192xf32>
    %dot_general3A_197 = arith.constant dense<0.000000e+00> : vector<256x192xf32>
    %dot_general3A_198 = tpu.matmul %exp3A_194, %slice3A_16, %dot_general3A_197 {dimension_numbers = #tpu.dot_dimension_numbers<[1], [0], [0], [1], [0, 0, 1, 1], [], []>, transpose_lhs_hint = false} : vector<256x4xf32>, vector<4x192xf32>, vector<256x192xf32> -> vector<256x192xf32>
    %add3A_199 = arith.addf %dot_general3A_196, %dot_general3A_198 : vector<256x192xf32>
    %swap3A = arith.constant 0 : index
    %swap3A_200 = arith.constant 0 : index
    %swap3A_201 = arith.constant 0 : index
    %swap3A_202 = vector.load %arg4[%swap3A, %swap3A_200, %swap3A_201] : memref<1x256x192xf32, #tpu.memory_space<vmem>>, vector<1x256x192xf32>
    %swap3A_203 = vector.shape_cast %swap3A_202 : vector<1x256x192xf32> to vector<256x192xf32>
    %swap3A_204 = vector.shape_cast %add3A_199 : vector<256x192xf32> to vector<1x256x192xf32>
    tpu.vector_store %arg4[%swap3A, %swap3A_200, %swap3A_201], %swap3A_204 {strides = array<i32>} : memref<1x256x192xf32, #tpu.memory_space<vmem>>, vector<1x256x192xf32>,
    %swap3A_205 = arith.constant 0 : index
    %swap3A_206 = arith.constant 0 : index
    %swap3A_207 = arith.constant 0 : index
    %swap3A_208 = vector.load %arg5[%swap3A_205, %swap3A_206, %swap3A_207] : memref<1x256x1xf32, #tpu.memory_space<vmem>>, vector<1x256x1xf32>
    %swap3A_209 = vector.shape_cast %swap3A_208 : vector<1x256x1xf32> to vector<256x1xf32>
    %swap3A_210 = vector.shape_cast %add3A_188 : vector<256x1xf32> to vector<1x256x1xf32>
    tpu.vector_store %arg5[%swap3A_205, %swap3A_206, %swap3A_207], %swap3A_210 {strides = array<i32>} : memref<1x256x1xf32, #tpu.memory_space<vmem>>, vector<1x256x1xf32>,
    return
  }
  func.func @transform_0(%arg0: i32, %arg1: i32) -> (i32, i32, i32) {
    %c0_i32 = arith.constant 0 : i32
    %c0_i32_0 = arith.constant 0 : i32
    return %arg0, %arg1, %c0_i32 : i32, i32, i32
  }
  func.func @transform_1(%arg0: i32, %arg1: i32) -> (i32, i32, i32) {
    %mul3A = arith.constant 8 : i32
    %mul3A_0 = arith.muli %arg0, %mul3A : i32
    %add3A = arith.addi %mul3A_0, %arg1 : i32
    %c0_i32 = arith.constant 0 : i32
    %c0_i32_1 = arith.constant 0 : i32
    %c0_i32_2 = arith.constant 0 : i32
    return %add3A, %c0_i32, %c0_i32_1 : i32, i32, i32
  }
  func.func @transform_2(%arg0: i32, %arg1: i32) -> (i32, i32, i32) {
    %c0_i32 = arith.constant 0 : i32
    %c0_i32_0 = arith.constant 0 : i32
    return %arg0, %arg1, %c0_i32 : i32, i32, i32
  }
  func.func @transform_3(%arg0: i32, %arg1: i32) -> (i32, i32, i32) {
    %c0_i32 = arith.constant 0 : i32
    %c0_i32_0 = arith.constant 0 : i32
    return %arg0, %arg1, %c0_i32 : i32, i32, i32
  }
}

module attributes {stable_mosaic.version = 14 : i64} {
  func.func @_comb_kernel(%arg0: i32, %arg1: i32, %arg2: memref<4x1x4x512x192xf32, #tpu.memory_space<vmem>>, %arg3: memref<4x1x512x4xf32, #tpu.memory_space<vmem>>, %arg4: memref<1x512x768xf32, #tpu.memory_space<vmem>>, %arg5: memref<768x768xf32, #tpu.memory_space<vmem>>, %arg6: memref<1x1x768xf32, #tpu.memory_space<vmem>>, %arg7: memref<1x1x768xf32, #tpu.memory_space<vmem>>, %arg8: memref<1x1x768xf32, #tpu.memory_space<vmem>>, %arg9: memref<1x512x768xf32, #tpu.memory_space<vmem>>) attributes {dimension_semantics = [#tpu.dimension_semantics<arbitrary>, #tpu.dimension_semantics<arbitrary>], iteration_bounds = array<i64: 2, 4>, scalar_prefetch = 0 : i64, scratch_operands = 0 : i64, tpu.core_type = #tpu.core_type<tc>, window_params = [{transform_indices = @transform_0, window_bounds = array<i64: 4, 1, 4, 512, 192>}, {transform_indices = @transform_1, window_bounds = array<i64: 4, 1, 512, 4>}, {transform_indices = @transform_2, window_bounds = array<i64: 1, 512, 768>}, {pipeline_mode = #tpu.pipeline_mode<synchronous>, transform_indices = @transform_3, window_bounds = array<i64: 768, 768>}, {pipeline_mode = #tpu.pipeline_mode<synchronous>, transform_indices = @transform_4, window_bounds = array<i64: 1, 1, 768>}, {pipeline_mode = #tpu.pipeline_mode<synchronous>, transform_indices = @transform_5, window_bounds = array<i64: 1, 1, 768>}, {pipeline_mode = #tpu.pipeline_mode<synchronous>, transform_indices = @transform_6, window_bounds = array<i64: 1, 1, 768>}, {transform_indices = @transform_7, window_bounds = array<i64: 1, 512, 768>}]} {
    %get3A = arith.constant 0 : index
    %get3A_0 = arith.constant 0 : index
    %get3A_1 = arith.constant 0 : index
    %get3A_2 = arith.constant 0 : index
    %get3A_3 = vector.load %arg3[%get3A, %get3A_0, %get3A_1, %get3A_2] : memref<4x1x512x4xf32, #tpu.memory_space<vmem>>, vector<1x1x512x4xf32>
    %get3A_4 = vector.shape_cast %get3A_3 : vector<1x1x512x4xf32> to vector<512x4xf32>
    %get3A_5 = arith.constant 1 : index
    %get3A_6 = arith.constant 0 : index
    %get3A_7 = arith.constant 0 : index
    %get3A_8 = arith.constant 0 : index
    %get3A_9 = vector.load %arg3[%get3A_5, %get3A_6, %get3A_7, %get3A_8] : memref<4x1x512x4xf32, #tpu.memory_space<vmem>>, vector<1x1x512x4xf32>
    %get3A_10 = vector.shape_cast %get3A_9 : vector<1x1x512x4xf32> to vector<512x4xf32>
    %get3A_11 = arith.constant 2 : index
    %get3A_12 = arith.constant 0 : index
    %get3A_13 = arith.constant 0 : index
    %get3A_14 = arith.constant 0 : index
    %get3A_15 = vector.load %arg3[%get3A_11, %get3A_12, %get3A_13, %get3A_14] : memref<4x1x512x4xf32, #tpu.memory_space<vmem>>, vector<1x1x512x4xf32>
    %get3A_16 = vector.shape_cast %get3A_15 : vector<1x1x512x4xf32> to vector<512x4xf32>
    %get3A_17 = arith.constant 3 : index
    %get3A_18 = arith.constant 0 : index
    %get3A_19 = arith.constant 0 : index
    %get3A_20 = arith.constant 0 : index
    %get3A_21 = vector.load %arg3[%get3A_17, %get3A_18, %get3A_19, %get3A_20] : memref<4x1x512x4xf32, #tpu.memory_space<vmem>>, vector<1x1x512x4xf32>
    %get3A_22 = vector.shape_cast %get3A_21 : vector<1x1x512x4xf32> to vector<512x4xf32>
    %max3A = arith.maximumf %get3A_4, %get3A_10 : vector<512x4xf32>
    %max3A_23 = arith.maximumf %max3A, %get3A_16 : vector<512x4xf32>
    %max3A_24 = arith.maximumf %max3A_23, %get3A_22 : vector<512x4xf32>
    %sub3A = arith.subf %get3A_4, %max3A_24 : vector<512x4xf32>
    %exp3A = math.exp %sub3A : vector<512x4xf32>
    %sub3A_25 = arith.subf %get3A_10, %max3A_24 : vector<512x4xf32>
    %exp3A_26 = math.exp %sub3A_25 : vector<512x4xf32>
    %sub3A_27 = arith.subf %get3A_16, %max3A_24 : vector<512x4xf32>
    %exp3A_28 = math.exp %sub3A_27 : vector<512x4xf32>
    %sub3A_29 = arith.subf %get3A_22, %max3A_24 : vector<512x4xf32>
    %exp3A_30 = math.exp %sub3A_29 : vector<512x4xf32>
    %add3A = arith.addf %exp3A, %exp3A_26 : vector<512x4xf32>
    %add3A_31 = arith.addf %add3A, %exp3A_28 : vector<512x4xf32>
    %add3A_32 = arith.addf %add3A_31, %exp3A_30 : vector<512x4xf32>
    %broadcast_in_dim3A = arith.constant 0.000000e+00 : f32
    %broadcast_in_dim3A_33 = vector.broadcast %broadcast_in_dim3A : f32 to vector<512x768xf32>
    %slice3A = vector.extract_strided_slice %exp3A {offsets = [0, 0], sizes = [512, 1], strides = [1, 1]} : vector<512x4xf32> to vector<512x1xf32>
    %slice3A_34 = vector.extract_strided_slice %add3A_32 {offsets = [0, 0], sizes = [512, 1], strides = [1, 1]} : vector<512x4xf32> to vector<512x1xf32>
    %div3A = arith.divf %slice3A, %slice3A_34 : vector<512x1xf32>
    %get3A_35 = arith.constant 0 : index
    %get3A_36 = arith.constant 0 : index
    %get3A_37 = arith.constant 0 : index
    %get3A_38 = arith.constant 0 : index
    %get3A_39 = arith.constant 0 : index
    %get3A_40 = vector.load %arg2[%get3A_35, %get3A_36, %get3A_37, %get3A_38, %get3A_39] : memref<4x1x4x512x192xf32, #tpu.memory_space<vmem>>, vector<1x1x1x512x192xf32>
    %get3A_41 = vector.shape_cast %get3A_40 : vector<1x1x1x512x192xf32> to vector<512x192xf32>
    %mul3A = vector.broadcast %div3A : vector<512x1xf32> to vector<512x192xf32>
    %mul3A_42 = arith.mulf %mul3A, %get3A_41 : vector<512x192xf32>
    %slice3A_43 = vector.extract_strided_slice %exp3A_26 {offsets = [0, 0], sizes = [512, 1], strides = [1, 1]} : vector<512x4xf32> to vector<512x1xf32>
    %slice3A_44 = vector.extract_strided_slice %add3A_32 {offsets = [0, 0], sizes = [512, 1], strides = [1, 1]} : vector<512x4xf32> to vector<512x1xf32>
    %div3A_45 = arith.divf %slice3A_43, %slice3A_44 : vector<512x1xf32>
    %get3A_46 = arith.constant 1 : index
    %get3A_47 = arith.constant 0 : index
    %get3A_48 = arith.constant 0 : index
    %get3A_49 = arith.constant 0 : index
    %get3A_50 = arith.constant 0 : index
    %get3A_51 = vector.load %arg2[%get3A_46, %get3A_47, %get3A_48, %get3A_49, %get3A_50] : memref<4x1x4x512x192xf32, #tpu.memory_space<vmem>>, vector<1x1x1x512x192xf32>
    %get3A_52 = vector.shape_cast %get3A_51 : vector<1x1x1x512x192xf32> to vector<512x192xf32>
    %mul3A_53 = vector.broadcast %div3A_45 : vector<512x1xf32> to vector<512x192xf32>
    %mul3A_54 = arith.mulf %mul3A_53, %get3A_52 : vector<512x192xf32>
    %add3A_55 = arith.addf %mul3A_42, %mul3A_54 : vector<512x192xf32>
    %slice3A_56 = vector.extract_strided_slice %exp3A_28 {offsets = [0, 0], sizes = [512, 1], strides = [1, 1]} : vector<512x4xf32> to vector<512x1xf32>
    %slice3A_57 = vector.extract_strided_slice %add3A_32 {offsets = [0, 0], sizes = [512, 1], strides = [1, 1]} : vector<512x4xf32> to vector<512x1xf32>
    %div3A_58 = arith.divf %slice3A_56, %slice3A_57 : vector<512x1xf32>
    %get3A_59 = arith.constant 2 : index
    %get3A_60 = arith.constant 0 : index
    %get3A_61 = arith.constant 0 : index
    %get3A_62 = arith.constant 0 : index
    %get3A_63 = arith.constant 0 : index
    %get3A_64 = vector.load %arg2[%get3A_59, %get3A_60, %get3A_61, %get3A_62, %get3A_63] : memref<4x1x4x512x192xf32, #tpu.memory_space<vmem>>, vector<1x1x1x512x192xf32>
    %get3A_65 = vector.shape_cast %get3A_64 : vector<1x1x1x512x192xf32> to vector<512x192xf32>
    %mul3A_66 = vector.broadcast %div3A_58 : vector<512x1xf32> to vector<512x192xf32>
    %mul3A_67 = arith.mulf %mul3A_66, %get3A_65 : vector<512x192xf32>
    %add3A_68 = arith.addf %add3A_55, %mul3A_67 : vector<512x192xf32>
    %slice3A_69 = vector.extract_strided_slice %exp3A_30 {offsets = [0, 0], sizes = [512, 1], strides = [1, 1]} : vector<512x4xf32> to vector<512x1xf32>
    %slice3A_70 = vector.extract_strided_slice %add3A_32 {offsets = [0, 0], sizes = [512, 1], strides = [1, 1]} : vector<512x4xf32> to vector<512x1xf32>
    %div3A_71 = arith.divf %slice3A_69, %slice3A_70 : vector<512x1xf32>
    %get3A_72 = arith.constant 3 : index
    %get3A_73 = arith.constant 0 : index
    %get3A_74 = arith.constant 0 : index
    %get3A_75 = arith.constant 0 : index
    %get3A_76 = arith.constant 0 : index
    %get3A_77 = vector.load %arg2[%get3A_72, %get3A_73, %get3A_74, %get3A_75, %get3A_76] : memref<4x1x4x512x192xf32, #tpu.memory_space<vmem>>, vector<1x1x1x512x192xf32>
    %get3A_78 = vector.shape_cast %get3A_77 : vector<1x1x1x512x192xf32> to vector<512x192xf32>
    %mul3A_79 = vector.broadcast %div3A_71 : vector<512x1xf32> to vector<512x192xf32>
    %mul3A_80 = arith.mulf %mul3A_79, %get3A_78 : vector<512x192xf32>
    %add3A_81 = arith.addf %add3A_68, %mul3A_80 : vector<512x192xf32>
    %get3A_82 = arith.constant 0 : index
    %get3A_83 = arith.constant 0 : index
    %get3A_84 = vector.load %arg5[%get3A_82, %get3A_83] : memref<768x768xf32, #tpu.memory_space<vmem>>, vector<192x768xf32>
    %dot_general3A = arith.constant dense<0.000000e+00> : vector<512x768xf32>
    %dot_general3A_85 = tpu.matmul %add3A_81, %get3A_84, %dot_general3A {dimension_numbers = #tpu.dot_dimension_numbers<[1], [0], [0], [1], [0, 0, 1, 1], [], []>, transpose_lhs_hint = false} : vector<512x192xf32>, vector<192x768xf32>, vector<512x768xf32> -> vector<512x768xf32>
    %add3A_86 = arith.addf %broadcast_in_dim3A_33, %dot_general3A_85 : vector<512x768xf32>
    %slice3A_87 = vector.extract_strided_slice %exp3A {offsets = [0, 1], sizes = [512, 1], strides = [1, 1]} : vector<512x4xf32> to vector<512x1xf32>
    %slice3A_88 = vector.extract_strided_slice %add3A_32 {offsets = [0, 1], sizes = [512, 1], strides = [1, 1]} : vector<512x4xf32> to vector<512x1xf32>
    %div3A_89 = arith.divf %slice3A_87, %slice3A_88 : vector<512x1xf32>
    %get3A_90 = arith.constant 0 : index
    %get3A_91 = arith.constant 0 : index
    %get3A_92 = arith.constant 1 : index
    %get3A_93 = arith.constant 0 : index
    %get3A_94 = arith.constant 0 : index
    %get3A_95 = vector.load %arg2[%get3A_90, %get3A_91, %get3A_92, %get3A_93, %get3A_94] : memref<4x1x4x512x192xf32, #tpu.memory_space<vmem>>, vector<1x1x1x512x192xf32>
    %get3A_96 = vector.shape_cast %get3A_95 : vector<1x1x1x512x192xf32> to vector<512x192xf32>
    %mul3A_97 = vector.broadcast %div3A_89 : vector<512x1xf32> to vector<512x192xf32>
    %mul3A_98 = arith.mulf %mul3A_97, %get3A_96 : vector<512x192xf32>
    %slice3A_99 = vector.extract_strided_slice %exp3A_26 {offsets = [0, 1], sizes = [512, 1], strides = [1, 1]} : vector<512x4xf32> to vector<512x1xf32>
    %slice3A_100 = vector.extract_strided_slice %add3A_32 {offsets = [0, 1], sizes = [512, 1], strides = [1, 1]} : vector<512x4xf32> to vector<512x1xf32>
    %div3A_101 = arith.divf %slice3A_99, %slice3A_100 : vector<512x1xf32>
    %get3A_102 = arith.constant 1 : index
    %get3A_103 = arith.constant 0 : index
    %get3A_104 = arith.constant 1 : index
    %get3A_105 = arith.constant 0 : index
    %get3A_106 = arith.constant 0 : index
    %get3A_107 = vector.load %arg2[%get3A_102, %get3A_103, %get3A_104, %get3A_105, %get3A_106] : memref<4x1x4x512x192xf32, #tpu.memory_space<vmem>>, vector<1x1x1x512x192xf32>
    %get3A_108 = vector.shape_cast %get3A_107 : vector<1x1x1x512x192xf32> to vector<512x192xf32>
    %mul3A_109 = vector.broadcast %div3A_101 : vector<512x1xf32> to vector<512x192xf32>
    %mul3A_110 = arith.mulf %mul3A_109, %get3A_108 : vector<512x192xf32>
    %add3A_111 = arith.addf %mul3A_98, %mul3A_110 : vector<512x192xf32>
    %slice3A_112 = vector.extract_strided_slice %exp3A_28 {offsets = [0, 1], sizes = [512, 1], strides = [1, 1]} : vector<512x4xf32> to vector<512x1xf32>
    %slice3A_113 = vector.extract_strided_slice %add3A_32 {offsets = [0, 1], sizes = [512, 1], strides = [1, 1]} : vector<512x4xf32> to vector<512x1xf32>
    %div3A_114 = arith.divf %slice3A_112, %slice3A_113 : vector<512x1xf32>
    %get3A_115 = arith.constant 2 : index
    %get3A_116 = arith.constant 0 : index
    %get3A_117 = arith.constant 1 : index
    %get3A_118 = arith.constant 0 : index
    %get3A_119 = arith.constant 0 : index
    %get3A_120 = vector.load %arg2[%get3A_115, %get3A_116, %get3A_117, %get3A_118, %get3A_119] : memref<4x1x4x512x192xf32, #tpu.memory_space<vmem>>, vector<1x1x1x512x192xf32>
    %get3A_121 = vector.shape_cast %get3A_120 : vector<1x1x1x512x192xf32> to vector<512x192xf32>
    %mul3A_122 = vector.broadcast %div3A_114 : vector<512x1xf32> to vector<512x192xf32>
    %mul3A_123 = arith.mulf %mul3A_122, %get3A_121 : vector<512x192xf32>
    %add3A_124 = arith.addf %add3A_111, %mul3A_123 : vector<512x192xf32>
    %slice3A_125 = vector.extract_strided_slice %exp3A_30 {offsets = [0, 1], sizes = [512, 1], strides = [1, 1]} : vector<512x4xf32> to vector<512x1xf32>
    %slice3A_126 = vector.extract_strided_slice %add3A_32 {offsets = [0, 1], sizes = [512, 1], strides = [1, 1]} : vector<512x4xf32> to vector<512x1xf32>
    %div3A_127 = arith.divf %slice3A_125, %slice3A_126 : vector<512x1xf32>
    %get3A_128 = arith.constant 3 : index
    %get3A_129 = arith.constant 0 : index
    %get3A_130 = arith.constant 1 : index
    %get3A_131 = arith.constant 0 : index
    %get3A_132 = arith.constant 0 : index
    %get3A_133 = vector.load %arg2[%get3A_128, %get3A_129, %get3A_130, %get3A_131, %get3A_132] : memref<4x1x4x512x192xf32, #tpu.memory_space<vmem>>, vector<1x1x1x512x192xf32>
    %get3A_134 = vector.shape_cast %get3A_133 : vector<1x1x1x512x192xf32> to vector<512x192xf32>
    %mul3A_135 = vector.broadcast %div3A_127 : vector<512x1xf32> to vector<512x192xf32>
    %mul3A_136 = arith.mulf %mul3A_135, %get3A_134 : vector<512x192xf32>
    %add3A_137 = arith.addf %add3A_124, %mul3A_136 : vector<512x192xf32>
    %get3A_138 = arith.constant 192 : index
    %get3A_139 = arith.constant 0 : index
    %get3A_140 = vector.load %arg5[%get3A_138, %get3A_139] : memref<768x768xf32, #tpu.memory_space<vmem>>, vector<192x768xf32>
    %dot_general3A_141 = arith.constant dense<0.000000e+00> : vector<512x768xf32>
    %dot_general3A_142 = tpu.matmul %add3A_137, %get3A_140, %dot_general3A_141 {dimension_numbers = #tpu.dot_dimension_numbers<[1], [0], [0], [1], [0, 0, 1, 1], [], []>, transpose_lhs_hint = false} : vector<512x192xf32>, vector<192x768xf32>, vector<512x768xf32> -> vector<512x768xf32>
    %add3A_143 = arith.addf %add3A_86, %dot_general3A_142 : vector<512x768xf32>
    %slice3A_144 = vector.extract_strided_slice %exp3A {offsets = [0, 2], sizes = [512, 1], strides = [1, 1]} : vector<512x4xf32> to vector<512x1xf32>
    %slice3A_145 = vector.extract_strided_slice %add3A_32 {offsets = [0, 2], sizes = [512, 1], strides = [1, 1]} : vector<512x4xf32> to vector<512x1xf32>
    %div3A_146 = arith.divf %slice3A_144, %slice3A_145 : vector<512x1xf32>
    %get3A_147 = arith.constant 0 : index
    %get3A_148 = arith.constant 0 : index
    %get3A_149 = arith.constant 2 : index
    %get3A_150 = arith.constant 0 : index
    %get3A_151 = arith.constant 0 : index
    %get3A_152 = vector.load %arg2[%get3A_147, %get3A_148, %get3A_149, %get3A_150, %get3A_151] : memref<4x1x4x512x192xf32, #tpu.memory_space<vmem>>, vector<1x1x1x512x192xf32>
    %get3A_153 = vector.shape_cast %get3A_152 : vector<1x1x1x512x192xf32> to vector<512x192xf32>
    %mul3A_154 = vector.broadcast %div3A_146 : vector<512x1xf32> to vector<512x192xf32>
    %mul3A_155 = arith.mulf %mul3A_154, %get3A_153 : vector<512x192xf32>
    %slice3A_156 = vector.extract_strided_slice %exp3A_26 {offsets = [0, 2], sizes = [512, 1], strides = [1, 1]} : vector<512x4xf32> to vector<512x1xf32>
    %slice3A_157 = vector.extract_strided_slice %add3A_32 {offsets = [0, 2], sizes = [512, 1], strides = [1, 1]} : vector<512x4xf32> to vector<512x1xf32>
    %div3A_158 = arith.divf %slice3A_156, %slice3A_157 : vector<512x1xf32>
    %get3A_159 = arith.constant 1 : index
    %get3A_160 = arith.constant 0 : index
    %get3A_161 = arith.constant 2 : index
    %get3A_162 = arith.constant 0 : index
    %get3A_163 = arith.constant 0 : index
    %get3A_164 = vector.load %arg2[%get3A_159, %get3A_160, %get3A_161, %get3A_162, %get3A_163] : memref<4x1x4x512x192xf32, #tpu.memory_space<vmem>>, vector<1x1x1x512x192xf32>
    %get3A_165 = vector.shape_cast %get3A_164 : vector<1x1x1x512x192xf32> to vector<512x192xf32>
    %mul3A_166 = vector.broadcast %div3A_158 : vector<512x1xf32> to vector<512x192xf32>
    %mul3A_167 = arith.mulf %mul3A_166, %get3A_165 : vector<512x192xf32>
    %add3A_168 = arith.addf %mul3A_155, %mul3A_167 : vector<512x192xf32>
    %slice3A_169 = vector.extract_strided_slice %exp3A_28 {offsets = [0, 2], sizes = [512, 1], strides = [1, 1]} : vector<512x4xf32> to vector<512x1xf32>
    %slice3A_170 = vector.extract_strided_slice %add3A_32 {offsets = [0, 2], sizes = [512, 1], strides = [1, 1]} : vector<512x4xf32> to vector<512x1xf32>
    %div3A_171 = arith.divf %slice3A_169, %slice3A_170 : vector<512x1xf32>
    %get3A_172 = arith.constant 2 : index
    %get3A_173 = arith.constant 0 : index
    %get3A_174 = arith.constant 2 : index
    %get3A_175 = arith.constant 0 : index
    %get3A_176 = arith.constant 0 : index
    %get3A_177 = vector.load %arg2[%get3A_172, %get3A_173, %get3A_174, %get3A_175, %get3A_176] : memref<4x1x4x512x192xf32, #tpu.memory_space<vmem>>, vector<1x1x1x512x192xf32>
    %get3A_178 = vector.shape_cast %get3A_177 : vector<1x1x1x512x192xf32> to vector<512x192xf32>
    %mul3A_179 = vector.broadcast %div3A_171 : vector<512x1xf32> to vector<512x192xf32>
    %mul3A_180 = arith.mulf %mul3A_179, %get3A_178 : vector<512x192xf32>
    %add3A_181 = arith.addf %add3A_168, %mul3A_180 : vector<512x192xf32>
    %slice3A_182 = vector.extract_strided_slice %exp3A_30 {offsets = [0, 2], sizes = [512, 1], strides = [1, 1]} : vector<512x4xf32> to vector<512x1xf32>
    %slice3A_183 = vector.extract_strided_slice %add3A_32 {offsets = [0, 2], sizes = [512, 1], strides = [1, 1]} : vector<512x4xf32> to vector<512x1xf32>
    %div3A_184 = arith.divf %slice3A_182, %slice3A_183 : vector<512x1xf32>
    %get3A_185 = arith.constant 3 : index
    %get3A_186 = arith.constant 0 : index
    %get3A_187 = arith.constant 2 : index
    %get3A_188 = arith.constant 0 : index
    %get3A_189 = arith.constant 0 : index
    %get3A_190 = vector.load %arg2[%get3A_185, %get3A_186, %get3A_187, %get3A_188, %get3A_189] : memref<4x1x4x512x192xf32, #tpu.memory_space<vmem>>, vector<1x1x1x512x192xf32>
    %get3A_191 = vector.shape_cast %get3A_190 : vector<1x1x1x512x192xf32> to vector<512x192xf32>
    %mul3A_192 = vector.broadcast %div3A_184 : vector<512x1xf32> to vector<512x192xf32>
    %mul3A_193 = arith.mulf %mul3A_192, %get3A_191 : vector<512x192xf32>
    %add3A_194 = arith.addf %add3A_181, %mul3A_193 : vector<512x192xf32>
    %get3A_195 = arith.constant 384 : index
    %get3A_196 = arith.constant 0 : index
    %get3A_197 = vector.load %arg5[%get3A_195, %get3A_196] : memref<768x768xf32, #tpu.memory_space<vmem>>, vector<192x768xf32>
    %dot_general3A_198 = arith.constant dense<0.000000e+00> : vector<512x768xf32>
    %dot_general3A_199 = tpu.matmul %add3A_194, %get3A_197, %dot_general3A_198 {dimension_numbers = #tpu.dot_dimension_numbers<[1], [0], [0], [1], [0, 0, 1, 1], [], []>, transpose_lhs_hint = false} : vector<512x192xf32>, vector<192x768xf32>, vector<512x768xf32> -> vector<512x768xf32>
    %add3A_200 = arith.addf %add3A_143, %dot_general3A_199 : vector<512x768xf32>
    %slice3A_201 = vector.extract_strided_slice %exp3A {offsets = [0, 3], sizes = [512, 1], strides = [1, 1]} : vector<512x4xf32> to vector<512x1xf32>
    %slice3A_202 = vector.extract_strided_slice %add3A_32 {offsets = [0, 3], sizes = [512, 1], strides = [1, 1]} : vector<512x4xf32> to vector<512x1xf32>
    %div3A_203 = arith.divf %slice3A_201, %slice3A_202 : vector<512x1xf32>
    %get3A_204 = arith.constant 0 : index
    %get3A_205 = arith.constant 0 : index
    %get3A_206 = arith.constant 3 : index
    %get3A_207 = arith.constant 0 : index
    %get3A_208 = arith.constant 0 : index
    %get3A_209 = vector.load %arg2[%get3A_204, %get3A_205, %get3A_206, %get3A_207, %get3A_208] : memref<4x1x4x512x192xf32, #tpu.memory_space<vmem>>, vector<1x1x1x512x192xf32>
    %get3A_210 = vector.shape_cast %get3A_209 : vector<1x1x1x512x192xf32> to vector<512x192xf32>
    %mul3A_211 = vector.broadcast %div3A_203 : vector<512x1xf32> to vector<512x192xf32>
    %mul3A_212 = arith.mulf %mul3A_211, %get3A_210 : vector<512x192xf32>
    %slice3A_213 = vector.extract_strided_slice %exp3A_26 {offsets = [0, 3], sizes = [512, 1], strides = [1, 1]} : vector<512x4xf32> to vector<512x1xf32>
    %slice3A_214 = vector.extract_strided_slice %add3A_32 {offsets = [0, 3], sizes = [512, 1], strides = [1, 1]} : vector<512x4xf32> to vector<512x1xf32>
    %div3A_215 = arith.divf %slice3A_213, %slice3A_214 : vector<512x1xf32>
    %get3A_216 = arith.constant 1 : index
    %get3A_217 = arith.constant 0 : index
    %get3A_218 = arith.constant 3 : index
    %get3A_219 = arith.constant 0 : index
    %get3A_220 = arith.constant 0 : index
    %get3A_221 = vector.load %arg2[%get3A_216, %get3A_217, %get3A_218, %get3A_219, %get3A_220] : memref<4x1x4x512x192xf32, #tpu.memory_space<vmem>>, vector<1x1x1x512x192xf32>
    %get3A_222 = vector.shape_cast %get3A_221 : vector<1x1x1x512x192xf32> to vector<512x192xf32>
    %mul3A_223 = vector.broadcast %div3A_215 : vector<512x1xf32> to vector<512x192xf32>
    %mul3A_224 = arith.mulf %mul3A_223, %get3A_222 : vector<512x192xf32>
    %add3A_225 = arith.addf %mul3A_212, %mul3A_224 : vector<512x192xf32>
    %slice3A_226 = vector.extract_strided_slice %exp3A_28 {offsets = [0, 3], sizes = [512, 1], strides = [1, 1]} : vector<512x4xf32> to vector<512x1xf32>
    %slice3A_227 = vector.extract_strided_slice %add3A_32 {offsets = [0, 3], sizes = [512, 1], strides = [1, 1]} : vector<512x4xf32> to vector<512x1xf32>
    %div3A_228 = arith.divf %slice3A_226, %slice3A_227 : vector<512x1xf32>
    %get3A_229 = arith.constant 2 : index
    %get3A_230 = arith.constant 0 : index
    %get3A_231 = arith.constant 3 : index
    %get3A_232 = arith.constant 0 : index
    %get3A_233 = arith.constant 0 : index
    %get3A_234 = vector.load %arg2[%get3A_229, %get3A_230, %get3A_231, %get3A_232, %get3A_233] : memref<4x1x4x512x192xf32, #tpu.memory_space<vmem>>, vector<1x1x1x512x192xf32>
    %get3A_235 = vector.shape_cast %get3A_234 : vector<1x1x1x512x192xf32> to vector<512x192xf32>
    %mul3A_236 = vector.broadcast %div3A_228 : vector<512x1xf32> to vector<512x192xf32>
    %mul3A_237 = arith.mulf %mul3A_236, %get3A_235 : vector<512x192xf32>
    %add3A_238 = arith.addf %add3A_225, %mul3A_237 : vector<512x192xf32>
    %slice3A_239 = vector.extract_strided_slice %exp3A_30 {offsets = [0, 3], sizes = [512, 1], strides = [1, 1]} : vector<512x4xf32> to vector<512x1xf32>
    %slice3A_240 = vector.extract_strided_slice %add3A_32 {offsets = [0, 3], sizes = [512, 1], strides = [1, 1]} : vector<512x4xf32> to vector<512x1xf32>
    %div3A_241 = arith.divf %slice3A_239, %slice3A_240 : vector<512x1xf32>
    %get3A_242 = arith.constant 3 : index
    %get3A_243 = arith.constant 0 : index
    %get3A_244 = arith.constant 3 : index
    %get3A_245 = arith.constant 0 : index
    %get3A_246 = arith.constant 0 : index
    %get3A_247 = vector.load %arg2[%get3A_242, %get3A_243, %get3A_244, %get3A_245, %get3A_246] : memref<4x1x4x512x192xf32, #tpu.memory_space<vmem>>, vector<1x1x1x512x192xf32>
    %get3A_248 = vector.shape_cast %get3A_247 : vector<1x1x1x512x192xf32> to vector<512x192xf32>
    %mul3A_249 = vector.broadcast %div3A_241 : vector<512x1xf32> to vector<512x192xf32>
    %mul3A_250 = arith.mulf %mul3A_249, %get3A_248 : vector<512x192xf32>
    %add3A_251 = arith.addf %add3A_238, %mul3A_250 : vector<512x192xf32>
    %get3A_252 = arith.constant 576 : index
    %get3A_253 = arith.constant 0 : index
    %get3A_254 = vector.load %arg5[%get3A_252, %get3A_253] : memref<768x768xf32, #tpu.memory_space<vmem>>, vector<192x768xf32>
    %dot_general3A_255 = arith.constant dense<0.000000e+00> : vector<512x768xf32>
    %dot_general3A_256 = tpu.matmul %add3A_251, %get3A_254, %dot_general3A_255 {dimension_numbers = #tpu.dot_dimension_numbers<[1], [0], [0], [1], [0, 0, 1, 1], [], []>, transpose_lhs_hint = false} : vector<512x192xf32>, vector<192x768xf32>, vector<512x768xf32> -> vector<512x768xf32>
    %add3A_257 = arith.addf %add3A_200, %dot_general3A_256 : vector<512x768xf32>
    %get3A_258 = arith.constant 0 : index
    %get3A_259 = arith.constant 0 : index
    %get3A_260 = arith.constant 0 : index
    %get3A_261 = vector.load %arg4[%get3A_258, %get3A_259, %get3A_260] : memref<1x512x768xf32, #tpu.memory_space<vmem>>, vector<1x512x768xf32>
    %get3A_262 = vector.shape_cast %get3A_261 : vector<1x512x768xf32> to vector<512x768xf32>
    %add3A_263 = arith.addf %get3A_262, %add3A_257 : vector<512x768xf32>
    %get3A_264 = arith.constant 0 : index
    %get3A_265 = arith.constant 0 : index
    %get3A_266 = arith.constant 0 : index
    %get3A_267 = vector.load %arg6[%get3A_264, %get3A_265, %get3A_266] : memref<1x1x768xf32, #tpu.memory_space<vmem>>, vector<1x1x768xf32>
    %get3A_268 = vector.shape_cast %get3A_267 : vector<1x1x768xf32> to vector<768xf32>
    %broadcast_in_dim3A_269 = vector.shape_cast %get3A_268 : vector<768xf32> to vector<1x768xf32>
    %add3A_270 = vector.broadcast %broadcast_in_dim3A_269 : vector<1x768xf32> to vector<512x768xf32>
    %add3A_271 = arith.addf %add3A_263, %add3A_270 : vector<512x768xf32>
    %get3A_272 = arith.constant 0 : index
    %get3A_273 = arith.constant 0 : index
    %get3A_274 = arith.constant 0 : index
    %get3A_275 = vector.load %arg7[%get3A_272, %get3A_273, %get3A_274] : memref<1x1x768xf32, #tpu.memory_space<vmem>>, vector<1x1x768xf32>
    %get3A_276 = vector.shape_cast %get3A_275 : vector<1x1x768xf32> to vector<768xf32>
    %get3A_277 = arith.constant 0 : index
    %get3A_278 = arith.constant 0 : index
    %get3A_279 = arith.constant 0 : index
    %get3A_280 = vector.load %arg8[%get3A_277, %get3A_278, %get3A_279] : memref<1x1x768xf32, #tpu.memory_space<vmem>>, vector<1x1x768xf32>
    %get3A_281 = vector.shape_cast %get3A_280 : vector<1x1x768xf32> to vector<768xf32>
    %reduce_sum3A = arith.constant dense<0.000000e+00> : vector<512xf32>
    %reduce_sum3A_282 = vector.multi_reduction <add>, %add3A_271, %reduce_sum3A [1] : vector<512x768xf32> to vector<512xf32>
    %broadcast_in_dim3A_283 = vector.shape_cast %reduce_sum3A_282 : vector<512xf32> to vector<512x1xf32>
    %div3A_284 = arith.constant 7.680000e+02 : f32
    %div3A_285 = vector.broadcast %div3A_284 : f32 to vector<512x1xf32>
    %div3A_286 = arith.divf %broadcast_in_dim3A_283, %div3A_285 : vector<512x1xf32>
    %sub3A_287 = vector.broadcast %div3A_286 : vector<512x1xf32> to vector<512x768xf32>
    %sub3A_288 = arith.subf %add3A_271, %sub3A_287 : vector<512x768xf32>
    %sub3A_289 = vector.broadcast %div3A_286 : vector<512x1xf32> to vector<512x768xf32>
    %sub3A_290 = arith.subf %add3A_271, %sub3A_289 : vector<512x768xf32>
    %mul3A_291 = arith.mulf %sub3A_288, %sub3A_290 : vector<512x768xf32>
    %reduce_sum3A_292 = arith.constant dense<0.000000e+00> : vector<512xf32>
    %reduce_sum3A_293 = vector.multi_reduction <add>, %mul3A_291, %reduce_sum3A_292 [1] : vector<512x768xf32> to vector<512xf32>
    %broadcast_in_dim3A_294 = vector.shape_cast %reduce_sum3A_293 : vector<512xf32> to vector<512x1xf32>
    %div3A_295 = arith.constant 7.680000e+02 : f32
    %div3A_296 = vector.broadcast %div3A_295 : f32 to vector<512x1xf32>
    %div3A_297 = arith.divf %broadcast_in_dim3A_294, %div3A_296 : vector<512x1xf32>
    %sub3A_298 = vector.broadcast %div3A_286 : vector<512x1xf32> to vector<512x768xf32>
    %sub3A_299 = arith.subf %add3A_271, %sub3A_298 : vector<512x768xf32>
    %add3A_300 = arith.constant 9.99999974E-6 : f32
    %add3A_301 = vector.broadcast %add3A_300 : f32 to vector<512x1xf32>
    %add3A_302 = arith.addf %div3A_297, %add3A_301 : vector<512x1xf32>
    %sqrt3A = math.sqrt %add3A_302 : vector<512x1xf32>
    %div3A_303 = vector.broadcast %sqrt3A : vector<512x1xf32> to vector<512x768xf32>
    %div3A_304 = arith.divf %sub3A_299, %div3A_303 : vector<512x768xf32>
    %broadcast_in_dim3A_305 = vector.shape_cast %get3A_276 : vector<768xf32> to vector<1x768xf32>
    %mul3A_306 = vector.broadcast %broadcast_in_dim3A_305 : vector<1x768xf32> to vector<512x768xf32>
    %mul3A_307 = arith.mulf %div3A_304, %mul3A_306 : vector<512x768xf32>
    %broadcast_in_dim3A_308 = vector.shape_cast %get3A_281 : vector<768xf32> to vector<1x768xf32>
    %add3A_309 = vector.broadcast %broadcast_in_dim3A_308 : vector<1x768xf32> to vector<512x768xf32>
    %add3A_310 = arith.addf %mul3A_307, %add3A_309 : vector<512x768xf32>
    %swap3A = arith.constant 0 : index
    %swap3A_311 = arith.constant 0 : index
    %swap3A_312 = arith.constant 0 : index
    %swap3A_313 = vector.load %arg9[%swap3A, %swap3A_311, %swap3A_312] : memref<1x512x768xf32, #tpu.memory_space<vmem>>, vector<1x512x768xf32>
    %swap3A_314 = vector.shape_cast %swap3A_313 : vector<1x512x768xf32> to vector<512x768xf32>
    %swap3A_315 = vector.shape_cast %add3A_310 : vector<512x768xf32> to vector<1x512x768xf32>
    tpu.vector_store %arg9[%swap3A, %swap3A_311, %swap3A_312], %swap3A_315 {strides = array<i32>} : memref<1x512x768xf32, #tpu.memory_space<vmem>>, vector<1x512x768xf32>,
    return
  }
  func.func @transform_0(%arg0: i32, %arg1: i32) -> (i32, i32, i32, i32, i32) {
    %c0_i32 = arith.constant 0 : i32
    %c0_i32_0 = arith.constant 0 : i32
    %c0_i32_1 = arith.constant 0 : i32
    %c0_i32_2 = arith.constant 0 : i32
    return %c0_i32, %arg0, %c0_i32_0, %arg1, %c0_i32_1 : i32, i32, i32, i32, i32
  }
  func.func @transform_1(%arg0: i32, %arg1: i32) -> (i32, i32, i32, i32) {
    %c0_i32 = arith.constant 0 : i32
    %c0_i32_0 = arith.constant 0 : i32
    %c0_i32_1 = arith.constant 0 : i32
    return %c0_i32, %arg0, %arg1, %c0_i32_0 : i32, i32, i32, i32
  }
  func.func @transform_2(%arg0: i32, %arg1: i32) -> (i32, i32, i32) {
    %c0_i32 = arith.constant 0 : i32
    %c0_i32_0 = arith.constant 0 : i32
    return %arg0, %arg1, %c0_i32 : i32, i32, i32
  }
  func.func @transform_3(%arg0: i32, %arg1: i32) -> (i32, i32) {
    %c0_i32 = arith.constant 0 : i32
    %c0_i32_0 = arith.constant 0 : i32
    %c0_i32_1 = arith.constant 0 : i32
    return %c0_i32, %c0_i32_0 : i32, i32
  }
  func.func @transform_4(%arg0: i32, %arg1: i32) -> (i32, i32, i32) {
    %c0_i32 = arith.constant 0 : i32
    %c0_i32_0 = arith.constant 0 : i32
    %c0_i32_1 = arith.constant 0 : i32
    %c0_i32_2 = arith.constant 0 : i32
    return %c0_i32, %c0_i32_0, %c0_i32_1 : i32, i32, i32
  }
  func.func @transform_5(%arg0: i32, %arg1: i32) -> (i32, i32, i32) {
    %c0_i32 = arith.constant 0 : i32
    %c0_i32_0 = arith.constant 0 : i32
    %c0_i32_1 = arith.constant 0 : i32
    %c0_i32_2 = arith.constant 0 : i32
    return %c0_i32, %c0_i32_0, %c0_i32_1 : i32, i32, i32
  }
  func.func @transform_6(%arg0: i32, %arg1: i32) -> (i32, i32, i32) {
    %c0_i32 = arith.constant 0 : i32
    %c0_i32_0 = arith.constant 0 : i32
    %c0_i32_1 = arith.constant 0 : i32
    %c0_i32_2 = arith.constant 0 : i32
    return %c0_i32, %c0_i32_0, %c0_i32_1 : i32, i32, i32
  }
  func.func @transform_7(%arg0: i32, %arg1: i32) -> (i32, i32, i32) {
    %c0_i32 = arith.constant 0 : i32
    %c0_i32_0 = arith.constant 0 : i32
    return %arg0, %arg1, %c0_i32 : i32, i32, i32
  }
}

module attributes {stable_mosaic.version = 14 : i64} {
  func.func @_ffn_kernel(%arg0: i32, %arg1: i32, %arg2: memref<1x512x768xf32, #tpu.memory_space<vmem>>, %arg3: memref<768x3072xf32, #tpu.memory_space<vmem>>, %arg4: memref<1x1x3072xf32, #tpu.memory_space<vmem>>, %arg5: memref<3072x768xf32, #tpu.memory_space<vmem>>, %arg6: memref<1x1x768xf32, #tpu.memory_space<vmem>>, %arg7: memref<1x1x768xf32, #tpu.memory_space<vmem>>, %arg8: memref<1x1x768xf32, #tpu.memory_space<vmem>>, %arg9: memref<1x512x768xf32, #tpu.memory_space<vmem>>) attributes {dimension_semantics = [#tpu.dimension_semantics<arbitrary>, #tpu.dimension_semantics<arbitrary>], iteration_bounds = array<i64: 2, 4>, scalar_prefetch = 0 : i64, scratch_operands = 0 : i64, tpu.core_type = #tpu.core_type<tc>, window_params = [{transform_indices = @transform_0, window_bounds = array<i64: 1, 512, 768>}, {pipeline_mode = #tpu.pipeline_mode<synchronous>, transform_indices = @transform_1, window_bounds = array<i64: 768, 3072>}, {pipeline_mode = #tpu.pipeline_mode<synchronous>, transform_indices = @transform_2, window_bounds = array<i64: 1, 1, 3072>}, {pipeline_mode = #tpu.pipeline_mode<synchronous>, transform_indices = @transform_3, window_bounds = array<i64: 3072, 768>}, {pipeline_mode = #tpu.pipeline_mode<synchronous>, transform_indices = @transform_4, window_bounds = array<i64: 1, 1, 768>}, {pipeline_mode = #tpu.pipeline_mode<synchronous>, transform_indices = @transform_5, window_bounds = array<i64: 1, 1, 768>}, {pipeline_mode = #tpu.pipeline_mode<synchronous>, transform_indices = @transform_6, window_bounds = array<i64: 1, 1, 768>}, {transform_indices = @transform_7, window_bounds = array<i64: 1, 512, 768>}]} {
    %get3A = arith.constant 0 : index
    %get3A_0 = arith.constant 0 : index
    %get3A_1 = arith.constant 0 : index
    %get3A_2 = vector.load %arg2[%get3A, %get3A_0, %get3A_1] : memref<1x512x768xf32, #tpu.memory_space<vmem>>, vector<1x512x768xf32>
    %get3A_3 = vector.shape_cast %get3A_2 : vector<1x512x768xf32> to vector<512x768xf32>
    %get3A_4 = arith.constant 0 : index
    %get3A_5 = arith.constant 0 : index
    %get3A_6 = vector.load %arg3[%get3A_4, %get3A_5] : memref<768x3072xf32, #tpu.memory_space<vmem>>, vector<768x3072xf32>
    %dot_general3A = arith.constant dense<0.000000e+00> : vector<512x3072xf32>
    %dot_general3A_7 = tpu.matmul %get3A_3, %get3A_6, %dot_general3A {dimension_numbers = #tpu.dot_dimension_numbers<[1], [0], [0], [1], [0, 0, 1, 1], [], []>, transpose_lhs_hint = false} : vector<512x768xf32>, vector<768x3072xf32>, vector<512x3072xf32> -> vector<512x3072xf32>
    %get3A_8 = arith.constant 0 : index
    %get3A_9 = arith.constant 0 : index
    %get3A_10 = arith.constant 0 : index
    %get3A_11 = vector.load %arg4[%get3A_8, %get3A_9, %get3A_10] : memref<1x1x3072xf32, #tpu.memory_space<vmem>>, vector<1x1x3072xf32>
    %get3A_12 = vector.shape_cast %get3A_11 : vector<1x1x3072xf32> to vector<3072xf32>
    %broadcast_in_dim3A = vector.shape_cast %get3A_12 : vector<3072xf32> to vector<1x3072xf32>
    %add3A = vector.broadcast %broadcast_in_dim3A : vector<1x3072xf32> to vector<512x3072xf32>
    %add3A_13 = arith.addf %dot_general3A_7, %add3A : vector<512x3072xf32>
    %mul3A = arith.constant 5.000000e-01 : f32
    %mul3A_14 = vector.broadcast %mul3A : f32 to vector<512x3072xf32>
    %mul3A_15 = arith.mulf %mul3A_14, %add3A_13 : vector<512x3072xf32>
    %mul3A_16 = arith.constant 0.707106769 : f32
    %mul3A_17 = vector.broadcast %mul3A_16 : f32 to vector<512x3072xf32>
    %mul3A_18 = arith.mulf %add3A_13, %mul3A_17 : vector<512x3072xf32>
    %erf3A = math.erf %mul3A_18 : vector<512x3072xf32>
    %add3A_19 = arith.constant 1.000000e+00 : f32
    %add3A_20 = vector.broadcast %add3A_19 : f32 to vector<512x3072xf32>
    %add3A_21 = arith.addf %add3A_20, %erf3A : vector<512x3072xf32>
    %mul3A_22 = arith.mulf %mul3A_15, %add3A_21 : vector<512x3072xf32>
    %get3A_23 = arith.constant 0 : index
    %get3A_24 = arith.constant 0 : index
    %get3A_25 = vector.load %arg5[%get3A_23, %get3A_24] : memref<3072x768xf32, #tpu.memory_space<vmem>>, vector<3072x768xf32>
    %dot_general3A_26 = arith.constant dense<0.000000e+00> : vector<512x768xf32>
    %dot_general3A_27 = tpu.matmul %mul3A_22, %get3A_25, %dot_general3A_26 {dimension_numbers = #tpu.dot_dimension_numbers<[1], [0], [0], [1], [0, 0, 1, 1], [], []>, transpose_lhs_hint = false} : vector<512x3072xf32>, vector<3072x768xf32>, vector<512x768xf32> -> vector<512x768xf32>
    %get3A_28 = arith.constant 0 : index
    %get3A_29 = arith.constant 0 : index
    %get3A_30 = arith.constant 0 : index
    %get3A_31 = vector.load %arg6[%get3A_28, %get3A_29, %get3A_30] : memref<1x1x768xf32, #tpu.memory_space<vmem>>, vector<1x1x768xf32>
    %get3A_32 = vector.shape_cast %get3A_31 : vector<1x1x768xf32> to vector<768xf32>
    %broadcast_in_dim3A_33 = vector.shape_cast %get3A_32 : vector<768xf32> to vector<1x768xf32>
    %add3A_34 = vector.broadcast %broadcast_in_dim3A_33 : vector<1x768xf32> to vector<512x768xf32>
    %add3A_35 = arith.addf %dot_general3A_27, %add3A_34 : vector<512x768xf32>
    %add3A_36 = arith.addf %get3A_3, %add3A_35 : vector<512x768xf32>
    %get3A_37 = arith.constant 0 : index
    %get3A_38 = arith.constant 0 : index
    %get3A_39 = arith.constant 0 : index
    %get3A_40 = vector.load %arg7[%get3A_37, %get3A_38, %get3A_39] : memref<1x1x768xf32, #tpu.memory_space<vmem>>, vector<1x1x768xf32>
    %get3A_41 = vector.shape_cast %get3A_40 : vector<1x1x768xf32> to vector<768xf32>
    %get3A_42 = arith.constant 0 : index
    %get3A_43 = arith.constant 0 : index
    %get3A_44 = arith.constant 0 : index
    %get3A_45 = vector.load %arg8[%get3A_42, %get3A_43, %get3A_44] : memref<1x1x768xf32, #tpu.memory_space<vmem>>, vector<1x1x768xf32>
    %get3A_46 = vector.shape_cast %get3A_45 : vector<1x1x768xf32> to vector<768xf32>
    %reduce_sum3A = arith.constant dense<0.000000e+00> : vector<512xf32>
    %reduce_sum3A_47 = vector.multi_reduction <add>, %add3A_36, %reduce_sum3A [1] : vector<512x768xf32> to vector<512xf32>
    %broadcast_in_dim3A_48 = vector.shape_cast %reduce_sum3A_47 : vector<512xf32> to vector<512x1xf32>
    %div3A = arith.constant 7.680000e+02 : f32
    %div3A_49 = vector.broadcast %div3A : f32 to vector<512x1xf32>
    %div3A_50 = arith.divf %broadcast_in_dim3A_48, %div3A_49 : vector<512x1xf32>
    %sub3A = vector.broadcast %div3A_50 : vector<512x1xf32> to vector<512x768xf32>
    %sub3A_51 = arith.subf %add3A_36, %sub3A : vector<512x768xf32>
    %sub3A_52 = vector.broadcast %div3A_50 : vector<512x1xf32> to vector<512x768xf32>
    %sub3A_53 = arith.subf %add3A_36, %sub3A_52 : vector<512x768xf32>
    %mul3A_54 = arith.mulf %sub3A_51, %sub3A_53 : vector<512x768xf32>
    %reduce_sum3A_55 = arith.constant dense<0.000000e+00> : vector<512xf32>
    %reduce_sum3A_56 = vector.multi_reduction <add>, %mul3A_54, %reduce_sum3A_55 [1] : vector<512x768xf32> to vector<512xf32>
    %broadcast_in_dim3A_57 = vector.shape_cast %reduce_sum3A_56 : vector<512xf32> to vector<512x1xf32>
    %div3A_58 = arith.constant 7.680000e+02 : f32
    %div3A_59 = vector.broadcast %div3A_58 : f32 to vector<512x1xf32>
    %div3A_60 = arith.divf %broadcast_in_dim3A_57, %div3A_59 : vector<512x1xf32>
    %sub3A_61 = vector.broadcast %div3A_50 : vector<512x1xf32> to vector<512x768xf32>
    %sub3A_62 = arith.subf %add3A_36, %sub3A_61 : vector<512x768xf32>
    %add3A_63 = arith.constant 9.99999974E-6 : f32
    %add3A_64 = vector.broadcast %add3A_63 : f32 to vector<512x1xf32>
    %add3A_65 = arith.addf %div3A_60, %add3A_64 : vector<512x1xf32>
    %sqrt3A = math.sqrt %add3A_65 : vector<512x1xf32>
    %div3A_66 = vector.broadcast %sqrt3A : vector<512x1xf32> to vector<512x768xf32>
    %div3A_67 = arith.divf %sub3A_62, %div3A_66 : vector<512x768xf32>
    %broadcast_in_dim3A_68 = vector.shape_cast %get3A_41 : vector<768xf32> to vector<1x768xf32>
    %mul3A_69 = vector.broadcast %broadcast_in_dim3A_68 : vector<1x768xf32> to vector<512x768xf32>
    %mul3A_70 = arith.mulf %div3A_67, %mul3A_69 : vector<512x768xf32>
    %broadcast_in_dim3A_71 = vector.shape_cast %get3A_46 : vector<768xf32> to vector<1x768xf32>
    %add3A_72 = vector.broadcast %broadcast_in_dim3A_71 : vector<1x768xf32> to vector<512x768xf32>
    %add3A_73 = arith.addf %mul3A_70, %add3A_72 : vector<512x768xf32>
    %swap3A = arith.constant 0 : index
    %swap3A_74 = arith.constant 0 : index
    %swap3A_75 = arith.constant 0 : index
    %swap3A_76 = vector.load %arg9[%swap3A, %swap3A_74, %swap3A_75] : memref<1x512x768xf32, #tpu.memory_space<vmem>>, vector<1x512x768xf32>
    %swap3A_77 = vector.shape_cast %swap3A_76 : vector<1x512x768xf32> to vector<512x768xf32>
    %swap3A_78 = vector.shape_cast %add3A_73 : vector<512x768xf32> to vector<1x512x768xf32>
    tpu.vector_store %arg9[%swap3A, %swap3A_74, %swap3A_75], %swap3A_78 {strides = array<i32>} : memref<1x512x768xf32, #tpu.memory_space<vmem>>, vector<1x512x768xf32>,
    return
  }
  func.func @transform_0(%arg0: i32, %arg1: i32) -> (i32, i32, i32) {
    %c0_i32 = arith.constant 0 : i32
    %c0_i32_0 = arith.constant 0 : i32
    return %arg0, %arg1, %c0_i32 : i32, i32, i32
  }
  func.func @transform_1(%arg0: i32, %arg1: i32) -> (i32, i32) {
    %c0_i32 = arith.constant 0 : i32
    %c0_i32_0 = arith.constant 0 : i32
    %c0_i32_1 = arith.constant 0 : i32
    return %c0_i32, %c0_i32_0 : i32, i32
  }
  func.func @transform_2(%arg0: i32, %arg1: i32) -> (i32, i32, i32) {
    %c0_i32 = arith.constant 0 : i32
    %c0_i32_0 = arith.constant 0 : i32
    %c0_i32_1 = arith.constant 0 : i32
    %c0_i32_2 = arith.constant 0 : i32
    return %c0_i32, %c0_i32_0, %c0_i32_1 : i32, i32, i32
  }
  func.func @transform_3(%arg0: i32, %arg1: i32) -> (i32, i32) {
    %c0_i32 = arith.constant 0 : i32
    %c0_i32_0 = arith.constant 0 : i32
    %c0_i32_1 = arith.constant 0 : i32
    return %c0_i32, %c0_i32_0 : i32, i32
  }
  func.func @transform_4(%arg0: i32, %arg1: i32) -> (i32, i32, i32) {
    %c0_i32 = arith.constant 0 : i32
    %c0_i32_0 = arith.constant 0 : i32
    %c0_i32_1 = arith.constant 0 : i32
    %c0_i32_2 = arith.constant 0 : i32
    return %c0_i32, %c0_i32_0, %c0_i32_1 : i32, i32, i32
  }
  func.func @transform_5(%arg0: i32, %arg1: i32) -> (i32, i32, i32) {
    %c0_i32 = arith.constant 0 : i32
    %c0_i32_0 = arith.constant 0 : i32
    %c0_i32_1 = arith.constant 0 : i32
    %c0_i32_2 = arith.constant 0 : i32
    return %c0_i32, %c0_i32_0, %c0_i32_1 : i32, i32, i32
  }
  func.func @transform_6(%arg0: i32, %arg1: i32) -> (i32, i32, i32) {
    %c0_i32 = arith.constant 0 : i32
    %c0_i32_0 = arith.constant 0 : i32
    %c0_i32_1 = arith.constant 0 : i32
    %c0_i32_2 = arith.constant 0 : i32
    return %c0_i32, %c0_i32_0, %c0_i32_1 : i32, i32, i32
  }
  func.func @transform_7(%arg0: i32, %arg1: i32) -> (i32, i32, i32) {
    %c0_i32 = arith.constant 0 : i32
    %c0_i32_0 = arith.constant 0 : i32
    return %arg0, %arg1, %c0_i32 : i32, i32, i32
  }
}

module attributes {stable_mosaic.version = 14 : i64} {
  func.func @_final_kernel(%arg0: i32, %arg1: i32, %arg2: memref<1x512x768xf32, #tpu.memory_space<vmem>>, %arg3: memref<1x1x768xf32, #tpu.memory_space<vmem>>, %arg4: memref<1x1x768xf32, #tpu.memory_space<vmem>>, %arg5: memref<768x32xf32, #tpu.memory_space<vmem>>, %arg6: memref<1x1x32xf32, #tpu.memory_space<vmem>>, %arg7: memref<1x512x32xf32, #tpu.memory_space<vmem>>) attributes {dimension_semantics = [#tpu.dimension_semantics<arbitrary>, #tpu.dimension_semantics<arbitrary>], iteration_bounds = array<i64: 2, 4>, scalar_prefetch = 0 : i64, scratch_operands = 0 : i64, tpu.core_type = #tpu.core_type<tc>, window_params = [{transform_indices = @transform_0, window_bounds = array<i64: 1, 512, 768>}, {pipeline_mode = #tpu.pipeline_mode<synchronous>, transform_indices = @transform_1, window_bounds = array<i64: 1, 1, 768>}, {pipeline_mode = #tpu.pipeline_mode<synchronous>, transform_indices = @transform_2, window_bounds = array<i64: 1, 1, 768>}, {pipeline_mode = #tpu.pipeline_mode<synchronous>, transform_indices = @transform_3, window_bounds = array<i64: 768, 32>}, {pipeline_mode = #tpu.pipeline_mode<synchronous>, transform_indices = @transform_4, window_bounds = array<i64: 1, 1, 32>}, {transform_indices = @transform_5, window_bounds = array<i64: 1, 512, 32>}]} {
    %get3A = arith.constant 0 : index
    %get3A_0 = arith.constant 0 : index
    %get3A_1 = arith.constant 0 : index
    %get3A_2 = vector.load %arg2[%get3A, %get3A_0, %get3A_1] : memref<1x512x768xf32, #tpu.memory_space<vmem>>, vector<1x512x768xf32>
    %get3A_3 = vector.shape_cast %get3A_2 : vector<1x512x768xf32> to vector<512x768xf32>
    %get3A_4 = arith.constant 0 : index
    %get3A_5 = arith.constant 0 : index
    %get3A_6 = arith.constant 0 : index
    %get3A_7 = vector.load %arg3[%get3A_4, %get3A_5, %get3A_6] : memref<1x1x768xf32, #tpu.memory_space<vmem>>, vector<1x1x768xf32>
    %get3A_8 = vector.shape_cast %get3A_7 : vector<1x1x768xf32> to vector<768xf32>
    %get3A_9 = arith.constant 0 : index
    %get3A_10 = arith.constant 0 : index
    %get3A_11 = arith.constant 0 : index
    %get3A_12 = vector.load %arg4[%get3A_9, %get3A_10, %get3A_11] : memref<1x1x768xf32, #tpu.memory_space<vmem>>, vector<1x1x768xf32>
    %get3A_13 = vector.shape_cast %get3A_12 : vector<1x1x768xf32> to vector<768xf32>
    %reduce_sum3A = arith.constant dense<0.000000e+00> : vector<512xf32>
    %reduce_sum3A_14 = vector.multi_reduction <add>, %get3A_3, %reduce_sum3A [1] : vector<512x768xf32> to vector<512xf32>
    %broadcast_in_dim3A = vector.shape_cast %reduce_sum3A_14 : vector<512xf32> to vector<512x1xf32>
    %div3A = arith.constant 7.680000e+02 : f32
    %div3A_15 = vector.broadcast %div3A : f32 to vector<512x1xf32>
    %div3A_16 = arith.divf %broadcast_in_dim3A, %div3A_15 : vector<512x1xf32>
    %sub3A = vector.broadcast %div3A_16 : vector<512x1xf32> to vector<512x768xf32>
    %sub3A_17 = arith.subf %get3A_3, %sub3A : vector<512x768xf32>
    %sub3A_18 = vector.broadcast %div3A_16 : vector<512x1xf32> to vector<512x768xf32>
    %sub3A_19 = arith.subf %get3A_3, %sub3A_18 : vector<512x768xf32>
    %mul3A = arith.mulf %sub3A_17, %sub3A_19 : vector<512x768xf32>
    %reduce_sum3A_20 = arith.constant dense<0.000000e+00> : vector<512xf32>
    %reduce_sum3A_21 = vector.multi_reduction <add>, %mul3A, %reduce_sum3A_20 [1] : vector<512x768xf32> to vector<512xf32>
    %broadcast_in_dim3A_22 = vector.shape_cast %reduce_sum3A_21 : vector<512xf32> to vector<512x1xf32>
    %div3A_23 = arith.constant 7.680000e+02 : f32
    %div3A_24 = vector.broadcast %div3A_23 : f32 to vector<512x1xf32>
    %div3A_25 = arith.divf %broadcast_in_dim3A_22, %div3A_24 : vector<512x1xf32>
    %sub3A_26 = vector.broadcast %div3A_16 : vector<512x1xf32> to vector<512x768xf32>
    %sub3A_27 = arith.subf %get3A_3, %sub3A_26 : vector<512x768xf32>
    %add3A = arith.constant 9.99999974E-6 : f32
    %add3A_28 = vector.broadcast %add3A : f32 to vector<512x1xf32>
    %add3A_29 = arith.addf %div3A_25, %add3A_28 : vector<512x1xf32>
    %sqrt3A = math.sqrt %add3A_29 : vector<512x1xf32>
    %div3A_30 = vector.broadcast %sqrt3A : vector<512x1xf32> to vector<512x768xf32>
    %div3A_31 = arith.divf %sub3A_27, %div3A_30 : vector<512x768xf32>
    %broadcast_in_dim3A_32 = vector.shape_cast %get3A_8 : vector<768xf32> to vector<1x768xf32>
    %mul3A_33 = vector.broadcast %broadcast_in_dim3A_32 : vector<1x768xf32> to vector<512x768xf32>
    %mul3A_34 = arith.mulf %div3A_31, %mul3A_33 : vector<512x768xf32>
    %broadcast_in_dim3A_35 = vector.shape_cast %get3A_13 : vector<768xf32> to vector<1x768xf32>
    %add3A_36 = vector.broadcast %broadcast_in_dim3A_35 : vector<1x768xf32> to vector<512x768xf32>
    %add3A_37 = arith.addf %mul3A_34, %add3A_36 : vector<512x768xf32>
    %get3A_38 = arith.constant 0 : index
    %get3A_39 = arith.constant 0 : index
    %get3A_40 = vector.load %arg5[%get3A_38, %get3A_39] : memref<768x32xf32, #tpu.memory_space<vmem>>, vector<768x32xf32>
    %dot_general3A = arith.constant dense<0.000000e+00> : vector<512x32xf32>
    %dot_general3A_41 = tpu.matmul %add3A_37, %get3A_40, %dot_general3A {dimension_numbers = #tpu.dot_dimension_numbers<[1], [0], [0], [1], [0, 0, 1, 1], [], []>, transpose_lhs_hint = false} : vector<512x768xf32>, vector<768x32xf32>, vector<512x32xf32> -> vector<512x32xf32>
    %get3A_42 = arith.constant 0 : index
    %get3A_43 = arith.constant 0 : index
    %get3A_44 = arith.constant 0 : index
    %get3A_45 = vector.load %arg6[%get3A_42, %get3A_43, %get3A_44] : memref<1x1x32xf32, #tpu.memory_space<vmem>>, vector<1x1x32xf32>
    %get3A_46 = vector.shape_cast %get3A_45 : vector<1x1x32xf32> to vector<32xf32>
    %broadcast_in_dim3A_47 = vector.shape_cast %get3A_46 : vector<32xf32> to vector<1x32xf32>
    %add3A_48 = vector.broadcast %broadcast_in_dim3A_47 : vector<1x32xf32> to vector<512x32xf32>
    %add3A_49 = arith.addf %dot_general3A_41, %add3A_48 : vector<512x32xf32>
    %swap3A = arith.constant 0 : index
    %swap3A_50 = arith.constant 0 : index
    %swap3A_51 = arith.constant 0 : index
    %swap3A_52 = vector.load %arg7[%swap3A, %swap3A_50, %swap3A_51] : memref<1x512x32xf32, #tpu.memory_space<vmem>>, vector<1x512x32xf32>
    %swap3A_53 = vector.shape_cast %swap3A_52 : vector<1x512x32xf32> to vector<512x32xf32>
    %swap3A_54 = vector.shape_cast %add3A_49 : vector<512x32xf32> to vector<1x512x32xf32>
    tpu.vector_store %arg7[%swap3A, %swap3A_50, %swap3A_51], %swap3A_54 {strides = array<i32>} : memref<1x512x32xf32, #tpu.memory_space<vmem>>, vector<1x512x32xf32>,
    return
  }
  func.func @transform_0(%arg0: i32, %arg1: i32) -> (i32, i32, i32) {
    %c0_i32 = arith.constant 0 : i32
    %c0_i32_0 = arith.constant 0 : i32
    return %arg0, %arg1, %c0_i32 : i32, i32, i32
  }
  func.func @transform_1(%arg0: i32, %arg1: i32) -> (i32, i32, i32) {
    %c0_i32 = arith.constant 0 : i32
    %c0_i32_0 = arith.constant 0 : i32
    %c0_i32_1 = arith.constant 0 : i32
    %c0_i32_2 = arith.constant 0 : i32
    return %c0_i32, %c0_i32_0, %c0_i32_1 : i32, i32, i32
  }
  func.func @transform_2(%arg0: i32, %arg1: i32) -> (i32, i32, i32) {
    %c0_i32 = arith.constant 0 : i32
    %c0_i32_0 = arith.constant 0 : i32
    %c0_i32_1 = arith.constant 0 : i32
    %c0_i32_2 = arith.constant 0 : i32
    return %c0_i32, %c0_i32_0, %c0_i32_1 : i32, i32, i32
  }
  func.func @transform_3(%arg0: i32, %arg1: i32) -> (i32, i32) {
    %c0_i32 = arith.constant 0 : i32
    %c0_i32_0 = arith.constant 0 : i32
    %c0_i32_1 = arith.constant 0 : i32
    return %c0_i32, %c0_i32_0 : i32, i32
  }
  func.func @transform_4(%arg0: i32, %arg1: i32) -> (i32, i32, i32) {
    %c0_i32 = arith.constant 0 : i32
    %c0_i32_0 = arith.constant 0 : i32
    %c0_i32_1 = arith.constant 0 : i32
    %c0_i32_2 = arith.constant 0 : i32
    return %c0_i32, %c0_i32_0, %c0_i32_1 : i32, i32, i32
  }
  func.func @transform_5(%arg0: i32, %arg1: i32) -> (i32, i32, i32) {
    %c0_i32 = arith.constant 0 : i32
    %c0_i32_0 = arith.constant 0 : i32
    return %arg0, %arg1, %c0_i32 : i32, i32, i32
  }
}

</mosaic_0001>

<sc_bundles>
// kernel: gather_offload_async_start.1
scs
__scs_entry_jumppad:
0x0: {  	(pc) =	sbr.rel $0x88, $3  }
0x1: {  	(tag) =	ssettag $0x0;
	lr =	simm.s32 $0x1  }
0x2: {  	[smem:$0x3F8F] =	sst lr;
	_ =	strace $0xD0000000  }
0x3: {  	_ = 	snop  }
0x4: {  	_ = 	snop  }
0x5: {  	_ = 	snop  }
0x6: {  	_ = 	snop  }
0x7: {  	_ = 	snop  }
__scs_overlays_trampoline_lowered:
0x8: {  	[smem:$0x3F9E] =	sst s0  }
0x9: {  	[smem:$0x3F9F] =	sst s1  }
0xa: {  	[smem:$0x3FA0] =	sst s2  }
0xb: {  	[smem:$0x3FA1] =	sst s3  }
0xc: {  	[smem:$0x3FA2] =	sst s4  }
0xd: {  	[smem:$0x3FA3] =	sst s5  }
0xe: {  	[smem:$0x3FA4] =	sst s6  }
0xf: {  	[smem:$0x3FA5] =	sst s7  }
0x10: {  	[smem:$0x3FA6] =	sst s8  }
0x11: {  	[smem:$0x3FA7] =	sst s9;
	s0 =	simm.s32 @!p0 $0x0  }
0x12: {  	s1 =	sld [smem:$0x3F8D];
	s0 =	simm.s32 @p0 $0x1  }
0x13: {  	[smem:$0x3FA8] =	sst s0;
	s0 =	simm.s32 @!p1 $0x0  }
0x14: {  	s2 =	sld [smem:$0x3F8C];
	s0 =	simm.s32 @p1 $0x1  }
0x15: {  	[smem:$0x3FA9] =	sst s0;
	s0 =	simm.s32 @!p2 $0x0  }
0x16: {  	s3 =	sld [smem:$0x3FDB];
	s0 =	simm.s32 @p2 $0x1  }
0x17: {  	s4 =	simm.s32 $0x1BF5;
	[smem:$0x3FAB] =	sst s0  }
0x18: {  	s0 =	sld [smem:$0x3F8E];
	_ =	swait.ge [sflag:s4], $0x0  }
0x19: {  	s7 =	sld [smem:$0x3F8F]  }
0x1a: {  	s8 =	sadd.s32 $0xFFFFE003, lr  }
0x1b: {  	s9 =	sadd.s32 $0xFFFFFEF7, lr;
	s5 =	simm.s32 $0xFFFFFFFF;
	p2 =	slt.u32 s8, $0xFFFFF086  }
0x1c: {  	p1 =	slt.u32 s9, $0xF7A;
	s5 =	simm.s32 @!p2 $0x0  }
0x1d: {  	s5 =	simm.s32 @p1 $0x1;
	p0 =	seq.s32 s7, s2  }
0x1e: {  	s7 =	smul.u32 @!p0 $0xF7A, s2;
	p2 =	seq.s32 @!p0 s5, $0x0  }
0x1f: {  	s9 =	smul.u32 $0xF7A, s1;
	s8 =	simm.s32 @!p0 $0x1BF5;
	p2 =	por !p2, p0  }
0x20: {  	[sflag:s8] =	ssyncset.s32 @!p0 $0xFFFFF086;
	s6 =	sadd.s32 @!p0 s3, s7;
	s7 =	simm.s32 @!p0 $0x108  }
0x21: {  	s3 =	sadd.s32 s3, s9;
	s6 =	sadd.s32 @!p0 $0x88, s6;
	s7 =	simm.s32 @p2 $0x1082  }
0x22: {  	[simem:s7], [sflag:s8] =	dma.local @!p0 [hbm:s6], $0xF7A  }
0x23: {  	s9 =	sor.u32 $0xD0000000, s2;
	s6 =	simm.s32 $0x108;
	_ =	swait.ge @!p0 [sflag:s8], $0x0  }
0x24: {  	s3 =	sadd.s32 $0x88, s3;
	s6 =	simm.s32 @!p1 $0x1082;
	[sflag:s4] =	ssyncset.s32 $0xFFFFF086  }
0x25: {  	[simem:s6], [sflag:s4] =	dma.local [hbm:s3], $0xF7A  }
0x26: {  	[smem:$0x3F8F] =	sst s1;
	(tag) =	ssettag s2;
	_ =	strace s9  }
0x27: {  	s1 =	sld [smem:$0x3F9F]  }
0x28: {  	s2 =	sld [smem:$0x3FA0]  }
0x29: {  	s4 =	sld [smem:$0x3FA2]  }
0x2a: {  	p0 =	seq.s32 s5, $0x0;
	s5 =	sld [smem:$0x3FA3]  }
0x2b: {  	s6 =	sld [smem:$0x3FA4]  }
0x2c: {  	s7 =	sld [smem:$0x3FA5]  }
0x2d: {  	s3 =	simm.s32 $0x108;
	s8 =	sld [smem:$0x3FA6]  }
0x2e: {  	s3 =	simm.s32 @!p0 $0x1082;
	s9 =	sld [smem:$0x3FA7]  }
0x2f: {  	lr =	sadd.s32 s0, s3;
	s0 =	sld [smem:$0x3F9E]  }
0x30: {  	s3 =	sld [smem:$0x3FA1]  }
0x31: {  	[smem:$0x3FAA] =	sst s10  }
0x32: {  	s10 =	sld [smem:$0x3FA8];
	_ =	sdelay $0x3  }
0x33: {  	p0 =	seq.s32 s10, $0x1;
	s10 =	sld [smem:$0x3FAA];
	_ =	sdelay $0x3  }
0x34: {  	[smem:$0x3FAA] =	sst s10  }
0x35: {  	s10 =	sld [smem:$0x3FA9];
	_ =	sdelay $0x3  }
0x36: {  	p1 =	seq.s32 s10, $0x1;
	s10 =	sld [smem:$0x3FAA];
	_ =	sdelay $0x3  }
0x37: {  	[smem:$0x3FAA] =	sst s10  }
0x38: {  	s10 =	sld [smem:$0x3FAB]  }
0x39: {  	_ = 	snop;
	(pc) =	sbr.ind lr, $3  }
0x3a: {  	_ = 	snop  }
0x3b: {  	_ = 	snop  }
0x3c: {  	p2 =	seq.s32 s10, $0x1;
	s10 =	sld [smem:$0x3FAA]  }
0x3d: {  	_ =	shalt  }
0x3e: {  	_ =	shalt  }
0x3f: {  	_ =	shalt  }
0x40: {  	_ =	shalt  }
0x41: {  	_ =	shalt  }
0x42: {  	_ =	shalt  }
0x43: {  	_ =	shalt  }
0x44: {  	_ =	shalt  }
0x45: {  	_ =	shalt  }
0x46: {  	_ =	shalt  }
0x47: {  	_ =	shalt  }
0x48: {  	_ =	shalt  }
0x49: {  	_ =	shalt  }
0x4a: {  	_ =	shalt  }
0x4b: {  	_ =	shalt  }
0x4c: {  	_ =	shalt  }
0x4d: {  	_ =	shalt  }
0x4e: {  	_ =	shalt  }
0x4f: {  	_ =	shalt  }
0x50: {  	_ =	shalt  }
0x51: {  	_ =	shalt  }
0x52: {  	_ =	shalt  }
0x53: {  	_ =	shalt  }
0x54: {  	_ =	shalt  }
0x55: {  	_ =	shalt  }
0x56: {  	_ =	shalt  }
0x57: {  	_ =	shalt  }
0x58: {  	_ =	shalt  }
0x59: {  	_ =	shalt  }
0x5a: {  	_ =	shalt  }
0x5b: {  	_ =	shalt  }
0x5c: {  	_ =	shalt  }
0x5d: {  	_ =	shalt  }
0x5e: {  	_ =	shalt  }
0x5f: {  	_ =	shalt  }
0x60: {  	_ =	shalt  }
0x61: {  	_ =	shalt  }
0x62: {  	_ =	shalt  }
0x63: {  	_ =	shalt  }
0x64: {  	_ =	shalt  }
0x65: {  	_ =	shalt  }
0x66: {  	_ =	shalt  }
0x67: {  	_ =	shalt  }
0x68: {  	_ =	shalt  }
0x69: {  	_ =	shalt  }
0x6a: {  	_ =	shalt  }
0x6b: {  	_ =	shalt  }
0x6c: {  	_ =	shalt  }
0x6d: {  	_ =	shalt  }
0x6e: {  	_ =	shalt  }
0x6f: {  	_ =	shalt  }
0x70: {  	_ =	shalt  }
0x71: {  	_ =	shalt  }
0x72: {  	_ =	shalt  }
0x73: {  	_ =	shalt  }
0x74: {  	_ =	shalt  }
0x75: {  	_ =	shalt  }
0x76: {  	_ =	shalt  }
0x77: {  	_ =	shalt  }
0x78: {  	_ =	shalt  }
0x79: {  	_ =	shalt  }
0x7a: {  	_ =	shalt  }
0x7b: {  	_ =	shalt  }
0x7c: {  	_ =	shalt  }
0x7d: {  	_ =	shalt  }
0x7e: {  	_ =	shalt  }
0x7f: {  	_ =	shalt  }
0x80: {  	_ =	shalt  }
0x81: {  	_ =	shalt  }
0x82: {  	_ =	shalt  }
0x83: {  	_ =	shalt  }
0x84: {  	_ =	shalt  }
0x85: {  	_ =	shalt  }
0x86: {  	_ =	shalt  }
0x87: {  	_ =	shalt  }
.Lfunc_end0:
.L_simem_size_0:
called_computation.1_lowered:
.L_overlay_start_0:
0x88: {  	s2 =	sld [smem:$0x3FD9]  }
0x89: {  	s3 =	sld [smem:$0x3FFE];
	_ =	sdelay $0x1  }
0x8a: {  	s1 =	srdreg.scid  }
0x8b: {  	s0 =	sand.u32 $0x1, s1  }
0x8c: {  	s16 =	sshll.u32 s0, $0xA;
	s2 =	sadd.s32 s3, s2  }
0x8d: {  	s2 =	sadd.s32 s2, s16  }
0x8e: {  	[smem:$0x3FB6] =	sst s2  }
0x8f: {  	_ = 	snop  }
0x90: {  	(tm) =	ssettm $0x1  }
0x91: {  	s17 =	sld [smem:$0x3FFB];
	_ =	sdelay $0x3  }
0x92: {  	_ =	strace s17  }
0x93: {  	s2 =	sld [smem:$0x3FFC];
	_ =	sdelay $0x3  }
0x94: {  	_ =	strace s2  }
0x95: {  	s2 =	sld [smem:$0x3FFD];
	_ =	sdelay $0x3  }
0x96: {  	_ =	strace s2  }
0x97: {  	_ =	strace $0x8FFFFFFF  }
0x98: {  	s18 =	sld [smem:$0x3FDB];
	_ =	sdelay $0x1  }
0x99: {  	s19 =	simm.s32 $_scs_section_size  }
0x9a: {  	s4 =	simm.s32 $_size__tile_overlayer_lowered;
	s5 =	simm.s32 $_tile_overlayer_lowered  }
0x9b: {  	s22 =	simm.s32 $0x1BFF;
	s21 =	sshll.u32 s5, $0x1;
	s2 =	sadd.s32 s19, s18  }
0x9c: {  	s6 =	simm.s32 $0x0;
	s20 =	sshll.u32 s4, $0x1;
	s4 =	sadd.s32 s21, s2  }
0x9d: {  	[timem:s6], [sflag:s22] =	dma.local [hbm:s4], s20  }
0x9e: {  	_ =	swait.ge [sflag:s22], s20  }
0x9f: {  	s3 =	ssub.s32 $0x0, s20;
	[sflag:s22] =	ssyncset.done $0x0  }
0xa0: {  	[sflag:s22] =	ssyncadd.s32 s3;
	_ =	sdelay $0x1  }
0xa1: {  	s23 =	simm.s32 $0x1B8B  }
0xa2: {  	_ =	swait.ge [sflag:s23], $0x1  }
0xa3: {  	[sflag:s23] =	ssyncset.done $0x0  }
0xa4: {  	s25 =	simm.s32 $0x1B8E;
	s24 =	sld [smem:$0x3FFE];
	[sflag:s23] =	ssyncadd.s32 $0xFFFFFFFF  }
0xa5: {  	s26 =	simm.s32 $execute0_lowered;
	[smem:$0x3FD2] =	sst s25  }
0xa6: {  	s4 =	sshll.u32 s26, $0x1;
	_ =	strace $0x80000046;
	[dreg:$0x1] =	wrdreg $0xFFFFFFFF  }
0xa7: {  	s28 =	simm.s32 $_size_execute0_lowered;
	s2 =	sadd.s32 s2, s4;
	[dreg:$0x0] =	wrdreg $0x0  }
0xa8: {  	s4 =	sshll.u32 s28, $0x1;
	[dreg:$0x2] =	wrdreg s2  }
0xa9: {  	[dreg:$0x3] =	wrdreg s4  }
0xaa: {  	[dreg:$0x4] =	wrdreg $0xC0  }
0xab: {  	_ =	task [dreg:s6], $0x5FFFF  }
0xac: {  	[dreg:$0x1] =	wrdreg $0xFFFFFFFF  }
0xad: {  	[dreg:$0x0] =	wrdreg $0x60  }
0xae: {  	[dreg:$0x2] =	wrdreg s24  }
0xaf: {  	[dreg:$0x3] =	wrdreg $0xA  }
0xb0: {  	_ =	task.clear_ibuf [dreg:s6], $0x4FFFF;
	_ =	strace $0x90000046  }
0xb1: {  	s29 =	simm.s32 $0xA;
	_ =	strace $0x80000048  }
0xb2: {  	_ =	swait.ge [sflag:s29], $0x1  }
0xb3: {  	[sflag:s29] =	ssyncadd.s32 $0xFFFFFFFF  }
0xb4: {  	_ =	strace $0x90000048  }
0xb5: {  	_ =	sfence  }
0xb6: {  	s30 =	sld [smem:$0x0];
	_ =	sdelay $0x2  }
0xb7: {  	s31 =	sshll.u32 s1, $0xD;
	s1 =	sshrl.u32 s1, $0x2  }
0xb8: {  	s3 =	sand.u32 $0x4000, s31;
	s1 =	sadd.s32 s1, s30  }
0xb9: {  	s0 =	sor.u32 s3, s0;
	s1 =	sshll.u32 s1, $0x11  }
0xba: {  	s0 =	sor.u32 s1, s0  }
0xbb: {  	s0 =	sadd.s32 $0x8F2B, s0  }
0xbc: {  	[sflag:s0] =	ssyncadd.remote.s32 $0x1  }
0xbd: {  	_ =	sfence.sel $0xFFFF  }
0xbe: {  	[dreg:$0x0] =	wrdreg $0xFFFFFFFF;
	(pc) =	sbr.abs _section_cstart, $3  }
0xbf: {  	[dreg:$0x1] =	wrdreg $0xFFFFFFFF  }
0xc0: {  	_ =	task.clear_ibuf [dreg:s6], $0x2FFFF;
	_ =	strace $0x9FFFFFFF  }
0xc1: {  	(tm) =	ssettm $0x7FFFFFFF  }
tec
execute0_lowered:
.L_overlay_start_1:
0x0: {  	(tag) =	ssettag $0x1  }
0x1: {  	s0 =	srdreg.scid;
	s5 =	rddreg [dreg:$0x0]  }
0x2: {  	s1 =	stileid.u32;
	s6 =	simm.s32 $0x1;
	s9 =	simm.s32 $0x1  }
0x3: {  	s10 =	simm.s32 $0x3;
	s13 =	simm.s32 $0x0;
	s2 =	sshll.u32 s0, $0xA  }
0x4: {  	s12 =	simm.s32 $0x0;
	s3 =	sshll.u32 s1, $0xB;
	s2 =	sand.u32 $0x400, s2  }
0x5: {  	s0 =	rddreg [dreg:$0x1];
	_ =	strace $0x80000047;
	s2 =	sor.u32 s3, s2  }
0x6: {  	s4 =	sadd.s32 $0x94800, s5;
	[sflag:s6] =	ssyncpa.u1 $0x0;
	s8 =	ssub.s32 $0x10000, s2  }
.Ltmp0:
0x7: {  	s3 =	sadd.s32 $0x396800, s5;
	s7 =	sand.u32 $0x7C00, s8;
	(pc) =	sbr.rel .LBB2_1-.Ltmp0, $4  }
0x8: {  	s5 =	sadd.s32 $0x96800, s5;
	s11 =	smov.u32 s2;
	p0 =	sne.s32 s7, $0x0  }
0x9: {  	s8 =	sshrl.u32 s8, $0xF;
	s7 =	simm.s32 $0x2;
	s9 =	simm.s32 @!p0 $0x0  }
0xa: {  	[sflag:s7] =	ssyncpa.u1 $0x0;
	p0 =	por $0x0, $0x0;
	s8 =	sadd.s32 s9, s8  }
0xb: {  	vm0 =	vmmov $0xffff;
	[sflag:s10] =	ssyncpa.u1 $0x0;
	s10 =	simm.s32 $0x0;
	s9 =	sadd.s32 $0x1, s8  }
.LBB2_4:
0xc: {  	vm1 =	veq.s32 v0, $0x80000000;
	v63 =	vand.u32 $0x1F, v0;
	v2 =	vand.u32 $0x7FF, v2  }
0xd: {  	v0 =	vsel vm1, $0xFFFFFFFF, v63;
	v2 =	vsel vm1, $0xFFFFFFFF, v2  }
0xe: {  	v3 =	vshll.u32 v0, $0xB;
	v4 =	vshll.u32 v2, $0x3  }
0xf: {  	v0 =	vshll.u32 v0, $0x7;
	v3 =	vand.u32 $0xFFFFC000, v3;
	v4 =	vand.u32 $0xFFFFFC00, v4  }
0x10: {  	v0 =	vand.u32 $0x380, v0;
	v3 =	vadd.s32 v3, v4  }
0x11: {  	v2 =	vand.u32 $0x7F, v2;
	v0 =	vor.u32 v0, v3  }
0x12: {  	v0 =	vor.u32 v2, v0;
	_ =	sdelay $0x1  }
0x13: {  	(ifvalue) =	ssetifvalue $0x7FFFFFFF;
	s14 =	sadd.s32 $0x10, s14  }
0x14: {  	[tilespmem:s14], [sflag:$0x1] =	stream.indirect_vreg.gather [hbm4b:s3+s10], $0x1, v1, vm0, $0x4038;
	[tilespmem:$0x1000] =	vst v63  }
0x15: {  	(ifvalue) =	ssetifvalue $0x7FFFFFFF;
	s14 =	sadd.s32 $0x10, s14  }
0x16: {  	[tilespmem:s14], [sflag:$0x1] =	stream.indirect_vreg.gather [hbm4b:s3+s10], $0x1, v0, vm0, $0x4038;
	[tilespmem:$0x1000] =	vst v63  }
0x17: {  	_ =	swait.ge [sflag:s6], $0x400  }
0x18: {  	s30 =	sshrl.u32 s13, $0x3;
	[sflag:s6] =	ssyncset.done $0x0  }
0x19: {  	s31 =	sand.u32 $0x7, s13;
	s14 =	sadd.s32 s5, s30;
	[sflag:s6] =	ssyncadd.s32 $0xFFFFFC00  }
0x1a: {  	[hbm4b:s14+s31] =	stream.linear.scatter [tilespmem:s15], [sflag:$0x3], $0x400, $0x38;
	[tilespmem:$0x1000] =	vst v63  }
.LBB2_5:
0x1b: {  	s15 =	sadd.s32 $0x8000, s11  }
0x1c: {  	p2 =	sgt.s32 s15, $0xFFFF  }
0x1d: {  	s15 =	smov.u32 @p2 s2;
	p2 =	sne.s32 s12, s9  }
.Ltmp1:
0x1e: {  	p1 =	slt.u32 s12, $0x2;
	(pc) =	sbr.rel @!p2 .LBB2_6-.Ltmp1, $4  }
0x1f: {  	s14 =	simm.s32 @!p1 $0x3  }
0x20: {  	s16 =	sadd.s32 $0x1, s12;
	_ =	swait.ge @!p1 [sflag:s14], $0x400  }
0x21: {  	s13 =	smov.u32 s11;
	p0 =	por !p0, !p0;
	[sflag:s14] =	ssyncset.done @!p1 $0x0  }
0x22: {  	s12 =	smov.u32 s16;
	s11 =	smov.u32 s15;
	[sflag:s14] =	ssyncadd.s32 @!p1 $0xFFFFFC00  }
.LBB2_1:
0x23: {  	p1 =	sge.u32 s12, s8  }
0x24: {  	s14 =	sxor.u32 @!p1 $0xFFFFFFFF, s12  }
0x25: {  	s31 =	sadd.s32 $0xFFFFFFFF, s12;
	s15 =	sshrl.u32 @!p1 s11, $0x3;
	s14 =	sshll.u32 @!p1 s14, $0xA  }
0x26: {  	s16 =	sand.u32 @!p1 $0x7, s11;
	s15 =	sadd.s32 @!p1 s4, s15;
	s14 =	sand.u32 @!p1 $0x400, s14  }
0x27: {  	[tilespmem:s14], [sflag:$0x2] =	stream.linear.gather @!p1 [hbm4b:s15+s16], $0x400, $0x38;
	[tilespmem:$0x1000] =	vst v63  }
0x28: {  	p1 =	sge.u32 s31, s8  }
.Ltmp2:
0x29: {  	_ = 	snop;
	(pc) =	sbr.rel @p1 .LBB2_5-.Ltmp2, $1  }
0x2a: {  	_ =	sdelay $0x3  }
0x2b: {  	s14 =	simm.s32 $0x1  }
0x2c: {  	_ =	swait.ge [sflag:s7], $0x400;
	s14 =	simm.s32 @!p0 $0x0  }
0x2d: {  	[sflag:s7] =	ssyncset.done $0x0;
	s14 =	sshll.u32 s14, $0xA  }
0x2e: {  	[sflag:s7] =	ssyncadd.s32 $0xFFFFFC00;
	(ifvalue) =	ssetifvalue $0x7FFFFFFF;
	v0 =	vld.msk [tilespmem:s14+$0x0 ss:$0x1], $0xffff;
	_ =	sdelay $0x3  }
0x2f: {  	s15 =	sadd.s32 $0x10, s14  }
0x30: {  	v2 =	vld.msk [tilespmem:s15+$0x0 ss:$0x1], $0xffff;
	v1 =	vshrl.u32 v0, $0x5  }
0x31: {  	vm1 =	veq.s32 v0, $0x80000000;
	v0 =	vand.u32 $0x1F, v0;
	v1 =	vand.u32 $0x7FF, v1  }
0x32: {  	v0 =	vsel vm1, $0xFFFFFFFF, v0;
	v1 =	vsel vm1, $0xFFFFFFFF, v1  }
0x33: {  	v3 =	vshll.u32 v0, $0xB;
	v4 =	vshll.u32 v1, $0x3  }
0x34: {  	v0 =	vshll.u32 v0, $0x7;
	v3 =	vand.u32 $0xFFFFC000, v3;
	v4 =	vand.u32 $0xFFFFFC00, v4  }
0x35: {  	vm1 =	veq.s32 v2, $0x80000000;
	v0 =	vand.u32 $0x380, v0;
	v3 =	vadd.s32 v3, v4  }
0x36: {  	v1 =	vand.u32 $0x7F, v1;
	v0 =	vor.u32 v0, v3;
	v3 =	vshrl.u32 v2, $0x5  }
0x37: {  	s17 =	sadd.s32 $0x10, s15;
	v2 =	vand.u32 $0x1F, v2;
	v1 =	vor.u32 v1, v0;
	v3 =	vand.u32 $0x7FF, v3  }
0x38: {  	v0 =	vld.msk [tilespmem:s17+$0x0 ss:$0x1], $0xffff;
	v2 =	vsel vm1, $0xFFFFFFFF, v2;
	v3 =	vsel vm1, $0xFFFFFFFF, v3  }
0x39: {  	v63 =	vshll.u32 v2, $0xB;
	v5 =	vshll.u32 v3, $0x3  }
0x3a: {  	s31 =	sshll.u32 s12, $0xA;
	v2 =	vshll.u32 v2, $0x7;
	v4 =	vand.u32 $0xFFFFC000, v63;
	v5 =	vand.u32 $0xFFFFFC00, v5  }
0x3b: {  	s14 =	sor.u32 $0x800, s14;
	s15 =	sand.u32 $0x400, s31;
	(ifvalue) =	ssetifvalue $0x7FFFFFFF;
	v2 =	vand.u32 $0x380, v2;
	v4 =	vadd.s32 v4, v5  }
0x3c: {  	[tilespmem:s14], [sflag:$0x1] =	stream.indirect_vreg.gather [hbm4b:s3+s10], $0x1, v1, vm0, $0x4038;
	v1 =	vand.u32 $0x7F, v3;
	v3 =	vor.u32 v2, v4;
	[tilespmem:$0x1000] =	vst v63  }
0x3d: {  	s16 =	simm.s32 $0x20;
	s15 =	sor.u32 $0x800, s15;
	s17 =	sadd.s32 $0x10, s17;
	v2 =	vshrl.u32 v0, $0x5;
	v1 =	vor.u32 v1, v3  }
.LBB2_3:
0x3e: {  	s16 =	sadd.s32 $0x10, s16;
	vm1 =	veq.s32 v0, $0x80000000;
	v3 =	vand.u32 $0x1F, v0;
	v0 =	vld.msk [tilespmem:s17+$0x0 ss:$0x1], $0xffff;
	v2 =	vand.u32 $0x7FF, v2  }
0x3f: {  	p1 =	slt.u32 s16, $0x3F0;
	v3 =	vsel vm1, $0xFFFFFFFF, v3;
	v2 =	vsel vm1, $0xFFFFFFFF, v2  }
.Ltmp3:
0x40: {  	v4 =	vshll.u32 v3, $0xB;
	v5 =	vshll.u32 v2, $0x3;
	(pc) =	sbr.rel @p1 .LBB2_3-.Ltmp3, $4  }
0x41: {  	s14 =	sadd.s32 $0x10, s14;
	v3 =	vshll.u32 v3, $0x7;
	v4 =	vand.u32 $0xFFFFC000, v4;
	v5 =	vand.u32 $0xFFFFFC00, v5;
	(ifvalue) =	ssetifvalue $0x7FFFFFFF  }
0x42: {  	v3 =	vand.u32 $0x380, v3;
	v4 =	vadd.s32 v4, v5;
	[tilespmem:s14], [sflag:$0x1] =	stream.indirect_vreg.gather [hbm4b:s3+s10], $0x1, v1, vm0, $0x4038;
	[tilespmem:$0x1000] =	vst v63  }
0x43: {  	v1 =	vand.u32 $0x7F, v2;
	v3 =	vor.u32 v3, v4  }
0x44: {  	s17 =	sadd.s32 $0x10, s17;
	v2 =	vshrl.u32 v0, $0x5;
	v1 =	vor.u32 v1, v3  }
.Ltmp4:
0x45: {  	_ = 	snop;
	(pc) =	sbr.rel .LBB2_4-.Ltmp4, $1  }
0x46: {  	_ =	sdelay $0x3  }
.LBB2_6:
0x47: {  	_ =	sfence.sel $0x180000  }
0x48: {  	s2 =	simm.s32 $0x2;
	[bflag:$0x0] =	sbarrier.arrive $0xFFFF  }
0x49: {  	s30 =	simm.s32 $0x3;
	[sflag:s2] =	ssyncpa.u1 $0x1  }
0x4a: {  	s31 =	simm.s32 $0x1;
	[sflag:s30] =	ssyncpa.u1 $0x1  }
0x4b: {  	[sflag:s31] =	ssyncpa.u1 $0x1  }
0x4c: {  	p0 =	sne.s32 s1, $0x0;
	_ =	strace $0x90000047  }
0x4d: {  	s0 =	sadd.s32 @!p0 $0x100000, s0;
	[bflag:$0x2] =	sbarrier.arrive $0xFFFF  }
0x4e: {  	[sflag:s0] =	ssyncadd.tile.s32 @!p0 $0x1;
	_ =	shalt  }
.Lfunc_end2:
_tile_overlayer_lowered:
.L_overlay_start_2:
0x4f: {  	(tag) =	ssettag $0x2  }
0x50: {  	s0 =	rddreg [dreg:$0x0];
	s2 =	stileid.u32  }
0x51: {  	s1 =	rddreg [dreg:$0x1];
	p0 =	sne.s32 s2, $0x0  }
0x52: {  	s3 =	rddreg [dreg:$0x2];
	[bflag:$0x3] =	sbarrier.arrive $0xFFFF;
	s2 =	simm.s32 @!p0 $0x1C01  }
0x53: {  	[timem:s3], [sflag:s2] =	dma.local @!p0 [hbm:s0], s1  }
0x54: {  	s0 =	simm.s32 @!p0 $0x1  }
0x55: {  	_ =	swait.ge @!p0 [sflag:s0], s1  }
0x56: {  	s1 =	ssub.s32 @!p0 $0x0, s1;
	[sflag:s0] =	ssyncset.done @!p0 $0x0  }
0x57: {  	[sflag:s0] =	ssyncadd.s32 @!p0 s1  }
0x58: {  	[bflag:$0x3] =	sbarrier.arrive $0xFFFF  }
0x59: {  	_ =	shalt  }

// kernel: gather_offload_async_start.2
scs
__scs_entry_jumppad:
0x0: {  	(pc) =	sbr.rel $0x88, $3  }
0x1: {  	(tag) =	ssettag $0x0;
	lr =	simm.s32 $0x1  }
0x2: {  	[smem:$0x3F8F] =	sst lr;
	_ =	strace $0xD0000000  }
0x3: {  	_ = 	snop  }
0x4: {  	_ = 	snop  }
0x5: {  	_ = 	snop  }
0x6: {  	_ = 	snop  }
0x7: {  	_ = 	snop  }
__scs_overlays_trampoline_lowered:
0x8: {  	[smem:$0x3F9E] =	sst s0  }
0x9: {  	[smem:$0x3F9F] =	sst s1  }
0xa: {  	[smem:$0x3FA0] =	sst s2  }
0xb: {  	[smem:$0x3FA1] =	sst s3  }
0xc: {  	[smem:$0x3FA2] =	sst s4  }
0xd: {  	[smem:$0x3FA3] =	sst s5  }
0xe: {  	[smem:$0x3FA4] =	sst s6  }
0xf: {  	[smem:$0x3FA5] =	sst s7  }
0x10: {  	[smem:$0x3FA6] =	sst s8  }
0x11: {  	[smem:$0x3FA7] =	sst s9;
	s0 =	simm.s32 @!p0 $0x0  }
0x12: {  	s1 =	sld [smem:$0x3F8D];
	s0 =	simm.s32 @p0 $0x1  }
0x13: {  	[smem:$0x3FA8] =	sst s0;
	s0 =	simm.s32 @!p1 $0x0  }
0x14: {  	s2 =	sld [smem:$0x3F8C];
	s0 =	simm.s32 @p1 $0x1  }
0x15: {  	[smem:$0x3FA9] =	sst s0;
	s0 =	simm.s32 @!p2 $0x0  }
0x16: {  	s3 =	sld [smem:$0x3FDB];
	s0 =	simm.s32 @p2 $0x1  }
0x17: {  	s4 =	simm.s32 $0x1BF5;
	[smem:$0x3FAB] =	sst s0  }
0x18: {  	s0 =	sld [smem:$0x3F8E];
	_ =	swait.ge [sflag:s4], $0x0  }
0x19: {  	s7 =	sld [smem:$0x3F8F]  }
0x1a: {  	s8 =	sadd.s32 $0xFFFFE003, lr  }
0x1b: {  	s9 =	sadd.s32 $0xFFFFFEF7, lr;
	s5 =	simm.s32 $0xFFFFFFFF;
	p2 =	slt.u32 s8, $0xFFFFF086  }
0x1c: {  	p1 =	slt.u32 s9, $0xF7A;
	s5 =	simm.s32 @!p2 $0x0  }
0x1d: {  	s5 =	simm.s32 @p1 $0x1;
	p0 =	seq.s32 s7, s2  }
0x1e: {  	s7 =	smul.u32 @!p0 $0xF7A, s2;
	p2 =	seq.s32 @!p0 s5, $0x0  }
0x1f: {  	s9 =	smul.u32 $0xF7A, s1;
	s8 =	simm.s32 @!p0 $0x1BF5;
	p2 =	por !p2, p0  }
0x20: {  	[sflag:s8] =	ssyncset.s32 @!p0 $0xFFFFF086;
	s6 =	sadd.s32 @!p0 s3, s7;
	s7 =	simm.s32 @!p0 $0x108  }
0x21: {  	s3 =	sadd.s32 s3, s9;
	s6 =	sadd.s32 @!p0 $0x88, s6;
	s7 =	simm.s32 @p2 $0x1082  }
0x22: {  	[simem:s7], [sflag:s8] =	dma.local @!p0 [hbm:s6], $0xF7A  }
0x23: {  	s9 =	sor.u32 $0xD0000000, s2;
	s6 =	simm.s32 $0x108;
	_ =	swait.ge @!p0 [sflag:s8], $0x0  }
0x24: {  	s3 =	sadd.s32 $0x88, s3;
	s6 =	simm.s32 @!p1 $0x1082;
	[sflag:s4] =	ssyncset.s32 $0xFFFFF086  }
0x25: {  	[simem:s6], [sflag:s4] =	dma.local [hbm:s3], $0xF7A  }
0x26: {  	[smem:$0x3F8F] =	sst s1;
	(tag) =	ssettag s2;
	_ =	strace s9  }
0x27: {  	s1 =	sld [smem:$0x3F9F]  }
0x28: {  	s2 =	sld [smem:$0x3FA0]  }
0x29: {  	s4 =	sld [smem:$0x3FA2]  }
0x2a: {  	p0 =	seq.s32 s5, $0x0;
	s5 =	sld [smem:$0x3FA3]  }
0x2b: {  	s6 =	sld [smem:$0x3FA4]  }
0x2c: {  	s7 =	sld [smem:$0x3FA5]  }
0x2d: {  	s3 =	simm.s32 $0x108;
	s8 =	sld [smem:$0x3FA6]  }
0x2e: {  	s3 =	simm.s32 @!p0 $0x1082;
	s9 =	sld [smem:$0x3FA7]  }
0x2f: {  	lr =	sadd.s32 s0, s3;
	s0 =	sld [smem:$0x3F9E]  }
0x30: {  	s3 =	sld [smem:$0x3FA1]  }
0x31: {  	[smem:$0x3FAA] =	sst s10  }
0x32: {  	s10 =	sld [smem:$0x3FA8];
	_ =	sdelay $0x3  }
0x33: {  	p0 =	seq.s32 s10, $0x1;
	s10 =	sld [smem:$0x3FAA];
	_ =	sdelay $0x3  }
0x34: {  	[smem:$0x3FAA] =	sst s10  }
0x35: {  	s10 =	sld [smem:$0x3FA9];
	_ =	sdelay $0x3  }
0x36: {  	p1 =	seq.s32 s10, $0x1;
	s10 =	sld [smem:$0x3FAA];
	_ =	sdelay $0x3  }
0x37: {  	[smem:$0x3FAA] =	sst s10  }
0x38: {  	s10 =	sld [smem:$0x3FAB]  }
0x39: {  	_ = 	snop;
	(pc) =	sbr.ind lr, $3  }
0x3a: {  	_ = 	snop  }
0x3b: {  	_ = 	snop  }
0x3c: {  	p2 =	seq.s32 s10, $0x1;
	s10 =	sld [smem:$0x3FAA]  }
0x3d: {  	_ =	shalt  }
0x3e: {  	_ =	shalt  }
0x3f: {  	_ =	shalt  }
0x40: {  	_ =	shalt  }
0x41: {  	_ =	shalt  }
0x42: {  	_ =	shalt  }
0x43: {  	_ =	shalt  }
0x44: {  	_ =	shalt  }
0x45: {  	_ =	shalt  }
0x46: {  	_ =	shalt  }
0x47: {  	_ =	shalt  }
0x48: {  	_ =	shalt  }
0x49: {  	_ =	shalt  }
0x4a: {  	_ =	shalt  }
0x4b: {  	_ =	shalt  }
0x4c: {  	_ =	shalt  }
0x4d: {  	_ =	shalt  }
0x4e: {  	_ =	shalt  }
0x4f: {  	_ =	shalt  }
0x50: {  	_ =	shalt  }
0x51: {  	_ =	shalt  }
0x52: {  	_ =	shalt  }
0x53: {  	_ =	shalt  }
0x54: {  	_ =	shalt  }
0x55: {  	_ =	shalt  }
0x56: {  	_ =	shalt  }
0x57: {  	_ =	shalt  }
0x58: {  	_ =	shalt  }
0x59: {  	_ =	shalt  }
0x5a: {  	_ =	shalt  }
0x5b: {  	_ =	shalt  }
0x5c: {  	_ =	shalt  }
0x5d: {  	_ =	shalt  }
0x5e: {  	_ =	shalt  }
0x5f: {  	_ =	shalt  }
0x60: {  	_ =	shalt  }
0x61: {  	_ =	shalt  }
0x62: {  	_ =	shalt  }
0x63: {  	_ =	shalt  }
0x64: {  	_ =	shalt  }
0x65: {  	_ =	shalt  }
0x66: {  	_ =	shalt  }
0x67: {  	_ =	shalt  }
0x68: {  	_ =	shalt  }
0x69: {  	_ =	shalt  }
0x6a: {  	_ =	shalt  }
0x6b: {  	_ =	shalt  }
0x6c: {  	_ =	shalt  }
0x6d: {  	_ =	shalt  }
0x6e: {  	_ =	shalt  }
0x6f: {  	_ =	shalt  }
0x70: {  	_ =	shalt  }
0x71: {  	_ =	shalt  }
0x72: {  	_ =	shalt  }
0x73: {  	_ =	shalt  }
0x74: {  	_ =	shalt  }
0x75: {  	_ =	shalt  }
0x76: {  	_ =	shalt  }
0x77: {  	_ =	shalt  }
0x78: {  	_ =	shalt  }
0x79: {  	_ =	shalt  }
0x7a: {  	_ =	shalt  }
0x7b: {  	_ =	shalt  }
0x7c: {  	_ =	shalt  }
0x7d: {  	_ =	shalt  }
0x7e: {  	_ =	shalt  }
0x7f: {  	_ =	shalt  }
0x80: {  	_ =	shalt  }
0x81: {  	_ =	shalt  }
0x82: {  	_ =	shalt  }
0x83: {  	_ =	shalt  }
0x84: {  	_ =	shalt  }
0x85: {  	_ =	shalt  }
0x86: {  	_ =	shalt  }
0x87: {  	_ =	shalt  }
.Lfunc_end0:
.L_simem_size_0:
called_computation.2_lowered:
.L_overlay_start_0:
0x88: {  	s2 =	sld [smem:$0x3FD9]  }
0x89: {  	s3 =	sld [smem:$0x3FFE];
	_ =	sdelay $0x1  }
0x8a: {  	s1 =	srdreg.scid  }
0x8b: {  	s0 =	sand.u32 $0x1, s1  }
0x8c: {  	s17 =	sshll.u32 s0, $0xA;
	s2 =	sadd.s32 s3, s2  }
0x8d: {  	s2 =	sadd.s32 s2, s17  }
0x8e: {  	[smem:$0x3FB6] =	sst s2  }
0x8f: {  	_ = 	snop  }
0x90: {  	s18 =	sld [smem:$0x3FD0];
	(tm) =	ssettm $0x1  }
0x91: {  	s19 =	sld [smem:$0x3FFB];
	_ =	sdelay $0x3  }
0x92: {  	_ =	strace s19  }
0x93: {  	s2 =	sld [smem:$0x3FFC];
	_ =	sdelay $0x3  }
0x94: {  	_ =	strace s2  }
0x95: {  	s2 =	sld [smem:$0x3FFD];
	_ =	sdelay $0x3  }
0x96: {  	_ =	strace s2  }
0x97: {  	_ =	strace $0x8FFFFFFF  }
0x98: {  	s20 =	sld [smem:$0x3FDB];
	_ =	sdelay $0x1  }
0x99: {  	s4 =	simm.s32 $_scs_section_size  }
0x9a: {  	s5 =	simm.s32 $_size__tile_overlayer_lowered;
	s6 =	simm.s32 $_tile_overlayer_lowered  }
0x9b: {  	s7 =	simm.s32 $0x1BFF;
	s21 =	sshll.u32 s6, $0x1;
	s4 =	sadd.s32 s4, s20  }
0x9c: {  	s22 =	simm.s32 $0x0;
	s5 =	sshll.u32 s5, $0x1;
	s6 =	sadd.s32 s21, s4  }
0x9d: {  	[timem:s22], [sflag:s7] =	dma.local [hbm:s6], s5  }
0x9e: {  	_ =	swait.ge [sflag:s7], s5  }
0x9f: {  	s5 =	ssub.s32 $0x0, s5;
	[sflag:s7] =	ssyncset.done $0x0  }
0xa0: {  	[sflag:s7] =	ssyncadd.s32 s5;
	_ =	sdelay $0x1  }
0xa1: {  	s23 =	simm.s32 $0x1B8B  }
0xa2: {  	_ =	swait.ge [sflag:s23], $0x1  }
0xa3: {  	[sflag:s23] =	ssyncset.done $0x0  }
0xa4: {  	[sflag:s23] =	ssyncadd.s32 $0xFFFFFFFF  }
0xa5: {  	s5 =	sld [smem:$0x0]  }
0xa6: {  	s6 =	sand.u32 $0xFFFFFFFE, s1  }
0xa7: {  	p0 =	sne.s32 s1, s6  }
0xa8: {  	s6 =	sshll.u32 @p0 s6, $0xE  }
0xa9: {  	s6 =	sadd.s32 @p0 $0x11B8D, s6;
	s7 =	sshll.u32 @p0 s5, $0x11  }
0xaa: {  	s6 =	sor.u32 @p0 s7, s6  }
0xab: {  	[sflag:s6] =	ssyncadd.remote.s32 @p0 $0x1;
	_ =	sdelay $0x1  }
0xac: {  	s6 =	simm.s32 @p0 $0x1B8D  }
0xad: {  	_ =	swait.eq @p0 [sflag:s6], $0x1  }
0xae: {  	[sflag:s6] =	ssyncadd.s32 @p0 $0xFFFFFFFF  }
0xaf: {  	s7 =	sshll.u32 @!p0 s1, $0xE  }
0xb0: {  	s7 =	sor.u32 @!p0 $0x4000, s7;
	s6 =	simm.s32 @!p0 $0x1B8D  }
0xb1: {  	s5 =	sshll.u32 @!p0 s5, $0x11;
	s7 =	sadd.s32 @!p0 $0x11B8D, s7;
	_ =	swait.eq @!p0 [sflag:s6], $0x1  }
0xb2: {  	s5 =	sor.u32 @!p0 s5, s7;
	[sflag:s6] =	ssyncadd.s32 @!p0 $0xFFFFFFFF  }
0xb3: {  	s25 =	simm.s32 $0x1B8E;
	s24 =	sld [smem:$0x3FFE];
	[sflag:s5] =	ssyncadd.remote.s32 @!p0 $0x1  }
0xb4: {  	s26 =	simm.s32 $execute0_lowered;
	[smem:$0x3FD2] =	sst s25  }
0xb5: {  	s6 =	sshll.u32 s26, $0x1;
	_ =	strace $0x8000004F;
	[dreg:$0x1] =	wrdreg $0xFFFFFFFF  }
0xb6: {  	s28 =	simm.s32 $_size_execute0_lowered;
	s4 =	sadd.s32 s4, s6;
	[dreg:$0x0] =	wrdreg $0x0  }
0xb7: {  	s6 =	sshll.u32 s28, $0x1;
	[dreg:$0x2] =	wrdreg s4  }
0xb8: {  	[dreg:$0x3] =	wrdreg s6  }
0xb9: {  	[dreg:$0x4] =	wrdreg $0xC0  }
0xba: {  	_ =	task [dreg:s22], $0x5FFFF  }
0xbb: {  	[dreg:$0x1] =	wrdreg $0xFFFFFFFF  }
0xbc: {  	[dreg:$0x0] =	wrdreg $0x60  }
0xbd: {  	[dreg:$0x2] =	wrdreg s24  }
0xbe: {  	[dreg:$0x3] =	wrdreg s18  }
0xbf: {  	[dreg:$0x4] =	wrdreg $0x9  }
0xc0: {  	_ =	task.clear_ibuf [dreg:s22], $0x5FFFF;
	_ =	strace $0x9000004F  }
0xc1: {  	s29 =	simm.s32 $0x9;
	_ =	strace $0x80000051  }
0xc2: {  	_ =	swait.ge [sflag:s29], $0x1  }
0xc3: {  	[sflag:s29] =	ssyncadd.s32 $0xFFFFFFFF  }
0xc4: {  	_ =	strace $0x90000051  }
0xc5: {  	_ =	sfence  }
0xc6: {  	s30 =	sld [smem:$0x0];
	_ =	sdelay $0x2  }
0xc7: {  	s31 =	sshll.u32 s1, $0xD;
	s1 =	sshrl.u32 s1, $0x2  }
0xc8: {  	s4 =	sand.u32 $0x4000, s31;
	s1 =	sadd.s32 s1, s30  }
0xc9: {  	s0 =	sor.u32 s4, s0;
	s1 =	sshll.u32 s1, $0x11  }
0xca: {  	s0 =	sor.u32 s1, s0  }
0xcb: {  	s0 =	sadd.s32 $0x8F2B, s0  }
0xcc: {  	[sflag:s0] =	ssyncadd.remote.s32 $0x1  }
0xcd: {  	_ =	sfence.sel $0xFFFF  }
0xce: {  	[dreg:$0x0] =	wrdreg $0xFFFFFFFF;
	(pc) =	sbr.abs _section_cstart, $3  }
0xcf: {  	[dreg:$0x1] =	wrdreg $0xFFFFFFFF  }
0xd0: {  	_ =	task.clear_ibuf [dreg:s22], $0x2FFFF;
	_ =	strace $0x9FFFFFFF  }
0xd1: {  	(tm) =	ssettm $0x7FFFFFFF  }
tec
execute0_lowered:
.L_overlay_start_1:
0x0: {  	(tag) =	ssettag $0x1  }
0x1: {  	s7 =	rddreg [dreg:$0x0]  }
0x2: {  	s2 =	rddreg [dreg:$0x1]  }
0x3: {  	s0 =	rddreg [dreg:$0x2]  }
0x4: {  	s1 =	srdreg.scid;
	_ =	strace $0x80000050;
	s4 =	simm.s32 $0x1  }
0x5: {  	s9 =	simm.s32 $0x3;
	s11 =	simm.s32 $0x0;
	s5 =	sshll.u32 s1, $0x4  }
.Ltmp0:
0x6: {  	s1 =	stileid.u32;
	s5 =	sand.u32 $0x10, s5;
	(pc) =	sbr.rel .LBB2_1-.Ltmp0, $4  }
0x7: {  	p0 =	por $0x0, $0x0;
	s3 =	sadd.s32 $0x283400, s7;
	s6 =	sor.u32 s1, s5  }
0x8: {  	[sflag:s4] =	ssyncpa.u1 $0x0;
	s5 =	simm.s32 $0x2;
	s6 =	sshll.u32 s6, $0xB  }
0x9: {  	s7 =	sadd.s32 $0x483400, s7;
	[sflag:s5] =	ssyncpa.u1 $0x0;
	s8 =	sadd.s32 $0x800, s6  }
0xa: {  	vm0 =	vmmov $0xff;
	vm1 =	vcmask $0x3F20;
	[sflag:s9] =	ssyncpa.u1 $0x0;
	s10 =	smov.u32 s6;
	s9 =	simm.s32 $0x0  }
.LBB2_8:
0xb: {  	[hbm:s15] =	stream.linear.scatter [tilespmem:s12], [sflag:$0x3], $0x800, $0x38;
	[tilespmem:$0x10100] =	vst v63  }
.LBB2_9:
0xc: {  	p1 =	slt.u32 s9, $0x2;
	s11 =	sadd.s32 $0x80, s10  }
0xd: {  	s13 =	smov.u32 s6;
	s9 =	sadd.s32 $0x1, s9;
	p2 =	slt.s32 s11, s8  }
0xe: {  	s13 =	smov.u32 @p2 s11;
	p2 =	sne.s32 s9, $0x12  }
.Ltmp1:
0xf: {  	_ = 	snop;
	(pc) =	sbr.rel @!p2 .LBB2_10-.Ltmp1, $4  }
0x10: {  	s12 =	simm.s32 @!p1 $0x3  }
0x11: {  	_ =	swait.ge @!p1 [sflag:s12], $0x8000  }
0x12: {  	p0 =	por !p0, !p0;
	[sflag:s12] =	ssyncset.done @!p1 $0x0  }
0x13: {  	s11 =	smov.u32 s10;
	s10 =	smov.u32 s13;
	[sflag:s12] =	ssyncadd.s32 @!p1 $0xFFFF8000  }
.LBB2_1:
0x14: {  	p1 =	sgt.u32 s9, $0xF  }
0x15: {  	s12 =	sxor.u32 @!p1 $0xFFFFFFFF, s9  }
0x16: {  	s13 =	sshrl.u32 @!p1 s10, $0x3;
	s12 =	sshll.u32 @!p1 s12, $0x7  }
0x17: {  	s14 =	sand.u32 @!p1 $0x7, s10;
	s13 =	sadd.s32 @!p1 s2, s13;
	s12 =	sand.u32 @!p1 $0x80, s12  }
0x18: {  	[tilespmem:s12], [sflag:$0x2] =	stream.linear.gather @!p1 [hbm4b:s13+s14], $0x80, $0x38;
	[tilespmem:$0x10100] =	vst v63  }
0x19: {  	p1 =	seq.s32 s9, $0x0  }
0x1a: {  	p2 =	seq.s32 @!p1 s9, $0x11  }
0x1b: {  	p1 =	por p1, p2  }
.Ltmp2:
0x1c: {  	_ = 	snop;
	(pc) =	sbr.rel @p1 .LBB2_9-.Ltmp2, $1  }
0x1d: {  	_ =	sdelay $0x3  }
0x1e: {  	s12 =	simm.s32 $0x1;
	_ =	swait.ge [sflag:s5], $0x80;
	s13 =	sand.u32 $0x1, s9  }
0x1f: {  	s15 =	simm.s32 $0x0;
	s12 =	simm.s32 @!p0 $0x0;
	[sflag:s5] =	ssyncset.done $0x0  }
0x20: {  	s14 =	sshll.u32 s13, $0xF;
	s13 =	sshll.u32 s13, $0x7;
	s12 =	sshll.u32 s12, $0xF  }
0x21: {  	[sflag:s5] =	ssyncadd.s32 $0xFFFFFF80;
	s14 =	sor.u32 $0x100, s14;
	s12 =	sor.u32 $0x100, s12  }
.LBB2_3:
0x22: {  	s16 =	sshll.u32 s15, $0x4  }
0x23: {  	s16 =	sand.u32 $0x3FFFFFF0, s16  }
0x24: {  	s16 =	sadd.s32 s16, s13  }
0x25: {  	v0 =	vld.msk [tilespmem:s16+$0x0 ss:$0x1], $0xffff;
	_ =	sdelay $0x4  }
0x26: {  	v1 =	vshrl.u32 v0, $0x5  }
0x27: {  	vm2 =	veq.s32 v0, $0x80000000;
	v1 =	vand.u32 $0x7FF, v1  }
0x28: {  	v0 =	vshll.u32 v0, $0x13;
	v1 =	vsel vm2, $0xFFFFFFFF, v1  }
0x29: {  	v0 =	vand.u32 $0xF80000, v0;
	v2 =	vshll.u32 v1, $0x8  }
0x2a: {  	v0 =	vsel vm2, $0xFFF80000, v0;
	v1 =	vshll.u32 v1, $0x7;
	v2 =	vand.u32 $0xFFFFF800, v2  }
0x2b: {  	s31 =	sshll.u32 s15, $0xC;
	v1 =	vand.u32 $0x380, v1;
	v0 =	vadd.s32 v0, v2  }
0x2c: {  	s16 =	sand.u32 $0x3FFFF000, s31;
	v0 =	vor.u32 v1, v0  }
0x2d: {  	p1 =	por $0x1, $0x1;
	s17 =	simm.s32 $0x0;
	s16 =	sadd.s32 s16, s14;
	v0 =	vshrl.u32 v0, $0x3  }
.LBB2_4:
0x2e: {  	_ =	sdelay $0x1  }
0x2f: {  	s17 =	sshra.s32 s17, $0x2;
	p2 =	por p1, p1  }
.Ltmp3:
0x30: {  	s17 =	sadd.s32 s17, s16;
	(pc) =	sbr.rel @p2 .LBB2_4-.Ltmp3, $4  }
0x31: {  	[tilespmem:s17], [sflag:$0x1] =	stream.indirect_vreg.gather [hbm:s3], $0x80, v0, vm0, $0x38;
	[tilespmem:$0x10100] =	vst v63  }
0x32: {  	s17 =	sadd.s32 $0x800, s17  }
0x33: {  	[tilespmem:s17], [sflag:$0x1] =	stream.indirect_vreg.gather [hbm:s3], $0x80, v0, vm1, $0x38;
	[tilespmem:$0x10100] =	vst v63  }
0x34: {  	p1 =	por $0x0, $0x0;
	v0 =	vadd.s32 $0x80, v0;
	s17 =	simm.s32 $0x1000  }
0x35: {  	s15 =	sadd.s32 $0x1, s15  }
0x36: {  	p1 =	sne.s32 s15, $0x8  }
.Ltmp4:
0x37: {  	_ = 	snop;
	(pc) =	sbr.rel @p1 .LBB2_3-.Ltmp4, $1  }
0x38: {  	_ =	sdelay $0x3  }
0x39: {  	s13 =	sshll.u32 s11, $0x5  }
0x3a: {  	s31 =	sshll.u32 s11, $0x4;
	s13 =	sand.u32 $0xFFFFFF00, s13  }
0x3b: {  	_ =	swait.ge [sflag:s4], $0x8000;
	s11 =	sand.u32 $0x70, s31;
	s13 =	sadd.s32 s13, s7  }
0x3c: {  	s14 =	sadd.s32 $0x800, s12;
	[sflag:s4] =	ssyncset.done $0x0;
	s11 =	sadd.s32 s11, s13  }
0x3d: {  	[sflag:s4] =	ssyncadd.s32 $0xFFFF8000;
	s13 =	simm.s32 $0x100;
	s15 =	sadd.s32 $0x0, s11  }
.LBB2_7:
0x3e: {  	[hbm:s15] =	stream.linear.scatter [tilespmem:s12], [sflag:$0x3], $0x800, $0x38;
	[tilespmem:$0x10100] =	vst v63  }
0x3f: {  	s15 =	smov.u32 s13;
	s12 =	smov.u32 s14;
	p1 =	sne.s32 s13, $0xF00  }
.Ltmp5:
0x40: {  	s13 =	sadd.s32 $0x100, s13;
	(pc) =	sbr.rel @p1 .LBB2_7-.Ltmp5, $2  }
0x41: {  	_ =	sdelay $0x2  }
0x42: {  	s14 =	sadd.s32 $0x800, s14;
	s15 =	sadd.s32 s15, s11  }
.Ltmp6:
0x43: {  	_ = 	snop;
	(pc) =	sbr.rel .LBB2_8-.Ltmp6, $1  }
0x44: {  	_ =	sdelay $0x3  }
.LBB2_10:
0x45: {  	_ =	sfence.sel $0x180000  }
0x46: {  	s2 =	simm.s32 $0x2;
	[bflag:$0x0] =	sbarrier.arrive $0xFFFF  }
0x47: {  	s30 =	simm.s32 $0x3;
	[sflag:s2] =	ssyncpa.u1 $0x1  }
0x48: {  	s31 =	simm.s32 $0x1;
	[sflag:s30] =	ssyncpa.u1 $0x1  }
0x49: {  	[sflag:s31] =	ssyncpa.u1 $0x1  }
0x4a: {  	p0 =	sne.s32 s1, $0x0;
	_ =	strace $0x90000050  }
0x4b: {  	s0 =	sadd.s32 @!p0 $0x100000, s0;
	[bflag:$0x2] =	sbarrier.arrive $0xFFFF  }
0x4c: {  	[sflag:s0] =	ssyncadd.tile.s32 @!p0 $0x1;
	_ =	shalt  }
.Lfunc_end2:
_tile_overlayer_lowered:
.L_overlay_start_2:
0x4d: {  	(tag) =	ssettag $0x2  }
0x4e: {  	s0 =	rddreg [dreg:$0x0];
	s2 =	stileid.u32  }
0x4f: {  	s1 =	rddreg [dreg:$0x1];
	p0 =	sne.s32 s2, $0x0  }
0x50: {  	s3 =	rddreg [dreg:$0x2];
	[bflag:$0x3] =	sbarrier.arrive $0xFFFF;
	s2 =	simm.s32 @!p0 $0x1C01  }
0x51: {  	[timem:s3], [sflag:s2] =	dma.local @!p0 [hbm:s0], s1  }
0x52: {  	s0 =	simm.s32 @!p0 $0x1  }
0x53: {  	_ =	swait.ge @!p0 [sflag:s0], s1  }
0x54: {  	s1 =	ssub.s32 @!p0 $0x0, s1;
	[sflag:s0] =	ssyncset.done @!p0 $0x0  }
0x55: {  	[sflag:s0] =	ssyncadd.s32 @!p0 s1  }
0x56: {  	[bflag:$0x3] =	sbarrier.arrive $0xFFFF  }
0x57: {  	_ =	shalt  }

// kernel: gather_offload_async_start.3
scs
__scs_entry_jumppad:
0x0: {  	(pc) =	sbr.rel $0x88, $3  }
0x1: {  	(tag) =	ssettag $0x0;
	lr =	simm.s32 $0x1  }
0x2: {  	[smem:$0x3F8F] =	sst lr;
	_ =	strace $0xD0000000  }
0x3: {  	_ = 	snop  }
0x4: {  	_ = 	snop  }
0x5: {  	_ = 	snop  }
0x6: {  	_ = 	snop  }
0x7: {  	_ = 	snop  }
__scs_overlays_trampoline_lowered:
0x8: {  	[smem:$0x3F9E] =	sst s0  }
0x9: {  	[smem:$0x3F9F] =	sst s1  }
0xa: {  	[smem:$0x3FA0] =	sst s2  }
0xb: {  	[smem:$0x3FA1] =	sst s3  }
0xc: {  	[smem:$0x3FA2] =	sst s4  }
0xd: {  	[smem:$0x3FA3] =	sst s5  }
0xe: {  	[smem:$0x3FA4] =	sst s6  }
0xf: {  	[smem:$0x3FA5] =	sst s7  }
0x10: {  	[smem:$0x3FA6] =	sst s8  }
0x11: {  	[smem:$0x3FA7] =	sst s9;
	s0 =	simm.s32 @!p0 $0x0  }
0x12: {  	s1 =	sld [smem:$0x3F8D];
	s0 =	simm.s32 @p0 $0x1  }
0x13: {  	[smem:$0x3FA8] =	sst s0;
	s0 =	simm.s32 @!p1 $0x0  }
0x14: {  	s2 =	sld [smem:$0x3F8C];
	s0 =	simm.s32 @p1 $0x1  }
0x15: {  	[smem:$0x3FA9] =	sst s0;
	s0 =	simm.s32 @!p2 $0x0  }
0x16: {  	s3 =	sld [smem:$0x3FDB];
	s0 =	simm.s32 @p2 $0x1  }
0x17: {  	s4 =	simm.s32 $0x1BF5;
	[smem:$0x3FAB] =	sst s0  }
0x18: {  	s0 =	sld [smem:$0x3F8E];
	_ =	swait.ge [sflag:s4], $0x0  }
0x19: {  	s7 =	sld [smem:$0x3F8F]  }
0x1a: {  	s8 =	sadd.s32 $0xFFFFE003, lr  }
0x1b: {  	s9 =	sadd.s32 $0xFFFFFEF7, lr;
	s5 =	simm.s32 $0xFFFFFFFF;
	p2 =	slt.u32 s8, $0xFFFFF086  }
0x1c: {  	p1 =	slt.u32 s9, $0xF7A;
	s5 =	simm.s32 @!p2 $0x0  }
0x1d: {  	s5 =	simm.s32 @p1 $0x1;
	p0 =	seq.s32 s7, s2  }
0x1e: {  	s7 =	smul.u32 @!p0 $0xF7A, s2;
	p2 =	seq.s32 @!p0 s5, $0x0  }
0x1f: {  	s9 =	smul.u32 $0xF7A, s1;
	s8 =	simm.s32 @!p0 $0x1BF5;
	p2 =	por !p2, p0  }
0x20: {  	[sflag:s8] =	ssyncset.s32 @!p0 $0xFFFFF086;
	s6 =	sadd.s32 @!p0 s3, s7;
	s7 =	simm.s32 @!p0 $0x108  }
0x21: {  	s3 =	sadd.s32 s3, s9;
	s6 =	sadd.s32 @!p0 $0x88, s6;
	s7 =	simm.s32 @p2 $0x1082  }
0x22: {  	[simem:s7], [sflag:s8] =	dma.local @!p0 [hbm:s6], $0xF7A  }
0x23: {  	s9 =	sor.u32 $0xD0000000, s2;
	s6 =	simm.s32 $0x108;
	_ =	swait.ge @!p0 [sflag:s8], $0x0  }
0x24: {  	s3 =	sadd.s32 $0x88, s3;
	s6 =	simm.s32 @!p1 $0x1082;
	[sflag:s4] =	ssyncset.s32 $0xFFFFF086  }
0x25: {  	[simem:s6], [sflag:s4] =	dma.local [hbm:s3], $0xF7A  }
0x26: {  	[smem:$0x3F8F] =	sst s1;
	(tag) =	ssettag s2;
	_ =	strace s9  }
0x27: {  	s1 =	sld [smem:$0x3F9F]  }
0x28: {  	s2 =	sld [smem:$0x3FA0]  }
0x29: {  	s4 =	sld [smem:$0x3FA2]  }
0x2a: {  	p0 =	seq.s32 s5, $0x0;
	s5 =	sld [smem:$0x3FA3]  }
0x2b: {  	s6 =	sld [smem:$0x3FA4]  }
0x2c: {  	s7 =	sld [smem:$0x3FA5]  }
0x2d: {  	s3 =	simm.s32 $0x108;
	s8 =	sld [smem:$0x3FA6]  }
0x2e: {  	s3 =	simm.s32 @!p0 $0x1082;
	s9 =	sld [smem:$0x3FA7]  }
0x2f: {  	lr =	sadd.s32 s0, s3;
	s0 =	sld [smem:$0x3F9E]  }
0x30: {  	s3 =	sld [smem:$0x3FA1]  }
0x31: {  	[smem:$0x3FAA] =	sst s10  }
0x32: {  	s10 =	sld [smem:$0x3FA8];
	_ =	sdelay $0x3  }
0x33: {  	p0 =	seq.s32 s10, $0x1;
	s10 =	sld [smem:$0x3FAA];
	_ =	sdelay $0x3  }
0x34: {  	[smem:$0x3FAA] =	sst s10  }
0x35: {  	s10 =	sld [smem:$0x3FA9];
	_ =	sdelay $0x3  }
0x36: {  	p1 =	seq.s32 s10, $0x1;
	s10 =	sld [smem:$0x3FAA];
	_ =	sdelay $0x3  }
0x37: {  	[smem:$0x3FAA] =	sst s10  }
0x38: {  	s10 =	sld [smem:$0x3FAB]  }
0x39: {  	_ = 	snop;
	(pc) =	sbr.ind lr, $3  }
0x3a: {  	_ = 	snop  }
0x3b: {  	_ = 	snop  }
0x3c: {  	p2 =	seq.s32 s10, $0x1;
	s10 =	sld [smem:$0x3FAA]  }
0x3d: {  	_ =	shalt  }
0x3e: {  	_ =	shalt  }
0x3f: {  	_ =	shalt  }
0x40: {  	_ =	shalt  }
0x41: {  	_ =	shalt  }
0x42: {  	_ =	shalt  }
0x43: {  	_ =	shalt  }
0x44: {  	_ =	shalt  }
0x45: {  	_ =	shalt  }
0x46: {  	_ =	shalt  }
0x47: {  	_ =	shalt  }
0x48: {  	_ =	shalt  }
0x49: {  	_ =	shalt  }
0x4a: {  	_ =	shalt  }
0x4b: {  	_ =	shalt  }
0x4c: {  	_ =	shalt  }
0x4d: {  	_ =	shalt  }
0x4e: {  	_ =	shalt  }
0x4f: {  	_ =	shalt  }
0x50: {  	_ =	shalt  }
0x51: {  	_ =	shalt  }
0x52: {  	_ =	shalt  }
0x53: {  	_ =	shalt  }
0x54: {  	_ =	shalt  }
0x55: {  	_ =	shalt  }
0x56: {  	_ =	shalt  }
0x57: {  	_ =	shalt  }
0x58: {  	_ =	shalt  }
0x59: {  	_ =	shalt  }
0x5a: {  	_ =	shalt  }
0x5b: {  	_ =	shalt  }
0x5c: {  	_ =	shalt  }
0x5d: {  	_ =	shalt  }
0x5e: {  	_ =	shalt  }
0x5f: {  	_ =	shalt  }
0x60: {  	_ =	shalt  }
0x61: {  	_ =	shalt  }
0x62: {  	_ =	shalt  }
0x63: {  	_ =	shalt  }
0x64: {  	_ =	shalt  }
0x65: {  	_ =	shalt  }
0x66: {  	_ =	shalt  }
0x67: {  	_ =	shalt  }
0x68: {  	_ =	shalt  }
0x69: {  	_ =	shalt  }
0x6a: {  	_ =	shalt  }
0x6b: {  	_ =	shalt  }
0x6c: {  	_ =	shalt  }
0x6d: {  	_ =	shalt  }
0x6e: {  	_ =	shalt  }
0x6f: {  	_ =	shalt  }
0x70: {  	_ =	shalt  }
0x71: {  	_ =	shalt  }
0x72: {  	_ =	shalt  }
0x73: {  	_ =	shalt  }
0x74: {  	_ =	shalt  }
0x75: {  	_ =	shalt  }
0x76: {  	_ =	shalt  }
0x77: {  	_ =	shalt  }
0x78: {  	_ =	shalt  }
0x79: {  	_ =	shalt  }
0x7a: {  	_ =	shalt  }
0x7b: {  	_ =	shalt  }
0x7c: {  	_ =	shalt  }
0x7d: {  	_ =	shalt  }
0x7e: {  	_ =	shalt  }
0x7f: {  	_ =	shalt  }
0x80: {  	_ =	shalt  }
0x81: {  	_ =	shalt  }
0x82: {  	_ =	shalt  }
0x83: {  	_ =	shalt  }
0x84: {  	_ =	shalt  }
0x85: {  	_ =	shalt  }
0x86: {  	_ =	shalt  }
0x87: {  	_ =	shalt  }
.Lfunc_end0:
.L_simem_size_0:
called_computation.3_lowered:
.L_overlay_start_0:
0x88: {  	s2 =	sld [smem:$0x3FD9]  }
0x89: {  	s3 =	sld [smem:$0x3FFE];
	_ =	sdelay $0x1  }
0x8a: {  	s1 =	srdreg.scid  }
0x8b: {  	s0 =	sand.u32 $0x1, s1  }
0x8c: {  	s16 =	sshll.u32 s0, $0xA;
	s2 =	sadd.s32 s3, s2  }
0x8d: {  	s2 =	sadd.s32 s2, s16  }
0x8e: {  	[smem:$0x3FB6] =	sst s2  }
0x8f: {  	_ = 	snop  }
0x90: {  	(tm) =	ssettm $0x1  }
0x91: {  	s17 =	sld [smem:$0x3FFB];
	_ =	sdelay $0x3  }
0x92: {  	_ =	strace s17  }
0x93: {  	s2 =	sld [smem:$0x3FFC];
	_ =	sdelay $0x3  }
0x94: {  	_ =	strace s2  }
0x95: {  	s2 =	sld [smem:$0x3FFD];
	_ =	sdelay $0x3  }
0x96: {  	_ =	strace s2  }
0x97: {  	_ =	strace $0x8FFFFFFF  }
0x98: {  	s18 =	sld [smem:$0x3FDB];
	_ =	sdelay $0x1  }
0x99: {  	s19 =	simm.s32 $_scs_section_size  }
0x9a: {  	s4 =	simm.s32 $_size__tile_overlayer_lowered;
	s5 =	simm.s32 $_tile_overlayer_lowered  }
0x9b: {  	s22 =	simm.s32 $0x1BFF;
	s21 =	sshll.u32 s5, $0x1;
	s2 =	sadd.s32 s19, s18  }
0x9c: {  	s6 =	simm.s32 $0x0;
	s20 =	sshll.u32 s4, $0x1;
	s4 =	sadd.s32 s21, s2  }
0x9d: {  	[timem:s6], [sflag:s22] =	dma.local [hbm:s4], s20  }
0x9e: {  	_ =	swait.ge [sflag:s22], s20  }
0x9f: {  	s3 =	ssub.s32 $0x0, s20;
	[sflag:s22] =	ssyncset.done $0x0  }
0xa0: {  	[sflag:s22] =	ssyncadd.s32 s3;
	_ =	sdelay $0x1  }
0xa1: {  	s23 =	simm.s32 $0x1B8B  }
0xa2: {  	_ =	swait.ge [sflag:s23], $0x1  }
0xa3: {  	[sflag:s23] =	ssyncset.done $0x0  }
0xa4: {  	s25 =	simm.s32 $0x1B8E;
	s24 =	sld [smem:$0x3FFE];
	[sflag:s23] =	ssyncadd.s32 $0xFFFFFFFF  }
0xa5: {  	s26 =	simm.s32 $execute0_lowered;
	[smem:$0x3FD2] =	sst s25  }
0xa6: {  	s4 =	sshll.u32 s26, $0x1;
	_ =	strace $0x8000004C;
	[dreg:$0x1] =	wrdreg $0xFFFFFFFF  }
0xa7: {  	s28 =	simm.s32 $_size_execute0_lowered;
	s2 =	sadd.s32 s2, s4;
	[dreg:$0x0] =	wrdreg $0x0  }
0xa8: {  	s4 =	sshll.u32 s28, $0x1;
	[dreg:$0x2] =	wrdreg s2  }
0xa9: {  	[dreg:$0x3] =	wrdreg s4  }
0xaa: {  	[dreg:$0x4] =	wrdreg $0xC0  }
0xab: {  	_ =	task [dreg:s6], $0x5FFFF  }
0xac: {  	[dreg:$0x1] =	wrdreg $0xFFFFFFFF  }
0xad: {  	[dreg:$0x0] =	wrdreg $0x60  }
0xae: {  	[dreg:$0x2] =	wrdreg s24  }
0xaf: {  	[dreg:$0x3] =	wrdreg $0xA  }
0xb0: {  	_ =	task.clear_ibuf [dreg:s6], $0x4FFFF;
	_ =	strace $0x9000004C  }
0xb1: {  	s29 =	simm.s32 $0xA;
	_ =	strace $0x8000004E  }
0xb2: {  	_ =	swait.ge [sflag:s29], $0x1  }
0xb3: {  	[sflag:s29] =	ssyncadd.s32 $0xFFFFFFFF  }
0xb4: {  	_ =	strace $0x9000004E  }
0xb5: {  	_ =	sfence  }
0xb6: {  	s30 =	sld [smem:$0x0];
	_ =	sdelay $0x2  }
0xb7: {  	s31 =	sshll.u32 s1, $0xD;
	s1 =	sshrl.u32 s1, $0x2  }
0xb8: {  	s3 =	sand.u32 $0x4000, s31;
	s1 =	sadd.s32 s1, s30  }
0xb9: {  	s0 =	sor.u32 s3, s0;
	s1 =	sshll.u32 s1, $0x11  }
0xba: {  	s0 =	sor.u32 s1, s0  }
0xbb: {  	s0 =	sadd.s32 $0x8F2B, s0  }
0xbc: {  	[sflag:s0] =	ssyncadd.remote.s32 $0x1  }
0xbd: {  	_ =	sfence.sel $0xFFFF  }
0xbe: {  	[dreg:$0x0] =	wrdreg $0xFFFFFFFF;
	(pc) =	sbr.abs _section_cstart, $3  }
0xbf: {  	[dreg:$0x1] =	wrdreg $0xFFFFFFFF  }
0xc0: {  	_ =	task.clear_ibuf [dreg:s6], $0x2FFFF;
	_ =	strace $0x9FFFFFFF  }
0xc1: {  	(tm) =	ssettm $0x7FFFFFFF  }
tec
execute0_lowered:
.L_overlay_start_1:
0x0: {  	(tag) =	ssettag $0x1  }
0x1: {  	s0 =	srdreg.scid;
	s5 =	rddreg [dreg:$0x0]  }
0x2: {  	s1 =	stileid.u32;
	s6 =	simm.s32 $0x1;
	s9 =	simm.s32 $0x1  }
0x3: {  	s10 =	simm.s32 $0x3;
	s13 =	simm.s32 $0x0;
	s2 =	sshll.u32 s0, $0xA  }
0x4: {  	s12 =	simm.s32 $0x0;
	s3 =	sshll.u32 s1, $0xB;
	s2 =	sand.u32 $0x400, s2  }
0x5: {  	s0 =	rddreg [dreg:$0x1];
	_ =	strace $0x8000004D;
	s2 =	sor.u32 s3, s2  }
0x6: {  	s4 =	sadd.s32 $0x88800, s5;
	[sflag:s6] =	ssyncpa.u1 $0x0;
	s8 =	ssub.s32 $0x10000, s2  }
.Ltmp0:
0x7: {  	s3 =	sadd.s32 $0x92A00, s5;
	s7 =	sand.u32 $0x7C00, s8;
	(pc) =	sbr.rel .LBB2_1-.Ltmp0, $4  }
0x8: {  	s5 =	sadd.s32 $0x8A800, s5;
	s11 =	smov.u32 s2;
	p0 =	sne.s32 s7, $0x0  }
0x9: {  	s8 =	sshrl.u32 s8, $0xF;
	s7 =	simm.s32 $0x2;
	s9 =	simm.s32 @!p0 $0x0  }
0xa: {  	[sflag:s7] =	ssyncpa.u1 $0x0;
	p0 =	por $0x0, $0x0;
	s8 =	sadd.s32 s9, s8  }
0xb: {  	vm0 =	vmmov $0xffff;
	[sflag:s10] =	ssyncpa.u1 $0x0;
	s10 =	simm.s32 $0x0;
	s9 =	sadd.s32 $0x1, s8  }
.LBB2_4:
0xc: {  	vm1 =	veq.s32 v0, $0x80000000;
	v63 =	vand.u32 $0x1F, v0;
	v2 =	vand.u32 $0x7FF, v2  }
0xd: {  	v0 =	vsel vm1, $0xFFFFFFFF, v63;
	v2 =	vsel vm1, $0xFFFFFFFF, v2  }
0xe: {  	v3 =	vshll.u32 v0, $0xB;
	v4 =	vshll.u32 v2, $0x3  }
0xf: {  	v0 =	vshll.u32 v0, $0x7;
	v3 =	vand.u32 $0xFFFFC000, v3;
	v4 =	vand.u32 $0xFFFFFC00, v4  }
0x10: {  	v0 =	vand.u32 $0x380, v0;
	v3 =	vadd.s32 v3, v4  }
0x11: {  	v2 =	vand.u32 $0x7F, v2;
	v0 =	vor.u32 v0, v3  }
0x12: {  	v0 =	vor.u32 v2, v0;
	_ =	sdelay $0x1  }
0x13: {  	(ifvalue) =	ssetifvalue $0x7FFFFFFF;
	s14 =	sadd.s32 $0x10, s14  }
0x14: {  	[tilespmem:s14], [sflag:$0x1] =	stream.indirect_vreg.gather [hbm4b:s3+s10], $0x1, v1, vm0, $0x4038;
	[tilespmem:$0x1000] =	vst v63  }
0x15: {  	(ifvalue) =	ssetifvalue $0x7FFFFFFF;
	s14 =	sadd.s32 $0x10, s14  }
0x16: {  	[tilespmem:s14], [sflag:$0x1] =	stream.indirect_vreg.gather [hbm4b:s3+s10], $0x1, v0, vm0, $0x4038;
	[tilespmem:$0x1000] =	vst v63  }
0x17: {  	_ =	swait.ge [sflag:s6], $0x400  }
0x18: {  	s30 =	sshrl.u32 s13, $0x3;
	[sflag:s6] =	ssyncset.done $0x0  }
0x19: {  	s31 =	sand.u32 $0x7, s13;
	s14 =	sadd.s32 s5, s30;
	[sflag:s6] =	ssyncadd.s32 $0xFFFFFC00  }
0x1a: {  	[hbm4b:s14+s31] =	stream.linear.scatter [tilespmem:s15], [sflag:$0x3], $0x400, $0x38;
	[tilespmem:$0x1000] =	vst v63  }
.LBB2_5:
0x1b: {  	s15 =	sadd.s32 $0x8000, s11  }
0x1c: {  	p2 =	sgt.s32 s15, $0xFFFF  }
0x1d: {  	s15 =	smov.u32 @p2 s2;
	p2 =	sne.s32 s12, s9  }
.Ltmp1:
0x1e: {  	p1 =	slt.u32 s12, $0x2;
	(pc) =	sbr.rel @!p2 .LBB2_6-.Ltmp1, $4  }
0x1f: {  	s14 =	simm.s32 @!p1 $0x3  }
0x20: {  	s16 =	sadd.s32 $0x1, s12;
	_ =	swait.ge @!p1 [sflag:s14], $0x400  }
0x21: {  	s13 =	smov.u32 s11;
	p0 =	por !p0, !p0;
	[sflag:s14] =	ssyncset.done @!p1 $0x0  }
0x22: {  	s12 =	smov.u32 s16;
	s11 =	smov.u32 s15;
	[sflag:s14] =	ssyncadd.s32 @!p1 $0xFFFFFC00  }
.LBB2_1:
0x23: {  	p1 =	sge.u32 s12, s8  }
0x24: {  	s14 =	sxor.u32 @!p1 $0xFFFFFFFF, s12  }
0x25: {  	s31 =	sadd.s32 $0xFFFFFFFF, s12;
	s15 =	sshrl.u32 @!p1 s11, $0x3;
	s14 =	sshll.u32 @!p1 s14, $0xA  }
0x26: {  	s16 =	sand.u32 @!p1 $0x7, s11;
	s15 =	sadd.s32 @!p1 s4, s15;
	s14 =	sand.u32 @!p1 $0x400, s14  }
0x27: {  	[tilespmem:s14], [sflag:$0x2] =	stream.linear.gather @!p1 [hbm4b:s15+s16], $0x400, $0x38;
	[tilespmem:$0x1000] =	vst v63  }
0x28: {  	p1 =	sge.u32 s31, s8  }
.Ltmp2:
0x29: {  	_ = 	snop;
	(pc) =	sbr.rel @p1 .LBB2_5-.Ltmp2, $1  }
0x2a: {  	_ =	sdelay $0x3  }
0x2b: {  	s14 =	simm.s32 $0x1  }
0x2c: {  	_ =	swait.ge [sflag:s7], $0x400;
	s14 =	simm.s32 @!p0 $0x0  }
0x2d: {  	[sflag:s7] =	ssyncset.done $0x0;
	s14 =	sshll.u32 s14, $0xA  }
0x2e: {  	[sflag:s7] =	ssyncadd.s32 $0xFFFFFC00;
	(ifvalue) =	ssetifvalue $0x7FFFFFFF;
	v0 =	vld.msk [tilespmem:s14+$0x0 ss:$0x1], $0xffff;
	_ =	sdelay $0x3  }
0x2f: {  	s15 =	sadd.s32 $0x10, s14  }
0x30: {  	v2 =	vld.msk [tilespmem:s15+$0x0 ss:$0x1], $0xffff;
	v1 =	vshrl.u32 v0, $0x5  }
0x31: {  	vm1 =	veq.s32 v0, $0x80000000;
	v0 =	vand.u32 $0x1F, v0;
	v1 =	vand.u32 $0x7FF, v1  }
0x32: {  	v0 =	vsel vm1, $0xFFFFFFFF, v0;
	v1 =	vsel vm1, $0xFFFFFFFF, v1  }
0x33: {  	v3 =	vshll.u32 v0, $0xB;
	v4 =	vshll.u32 v1, $0x3  }
0x34: {  	v0 =	vshll.u32 v0, $0x7;
	v3 =	vand.u32 $0xFFFFC000, v3;
	v4 =	vand.u32 $0xFFFFFC00, v4  }
0x35: {  	vm1 =	veq.s32 v2, $0x80000000;
	v0 =	vand.u32 $0x380, v0;
	v3 =	vadd.s32 v3, v4  }
0x36: {  	v1 =	vand.u32 $0x7F, v1;
	v0 =	vor.u32 v0, v3;
	v3 =	vshrl.u32 v2, $0x5  }
0x37: {  	s17 =	sadd.s32 $0x10, s15;
	v2 =	vand.u32 $0x1F, v2;
	v1 =	vor.u32 v1, v0;
	v3 =	vand.u32 $0x7FF, v3  }
0x38: {  	v0 =	vld.msk [tilespmem:s17+$0x0 ss:$0x1], $0xffff;
	v2 =	vsel vm1, $0xFFFFFFFF, v2;
	v3 =	vsel vm1, $0xFFFFFFFF, v3  }
0x39: {  	v63 =	vshll.u32 v2, $0xB;
	v5 =	vshll.u32 v3, $0x3  }
0x3a: {  	s31 =	sshll.u32 s12, $0xA;
	v2 =	vshll.u32 v2, $0x7;
	v4 =	vand.u32 $0xFFFFC000, v63;
	v5 =	vand.u32 $0xFFFFFC00, v5  }
0x3b: {  	s14 =	sor.u32 $0x800, s14;
	s15 =	sand.u32 $0x400, s31;
	(ifvalue) =	ssetifvalue $0x7FFFFFFF;
	v2 =	vand.u32 $0x380, v2;
	v4 =	vadd.s32 v4, v5  }
0x3c: {  	[tilespmem:s14], [sflag:$0x1] =	stream.indirect_vreg.gather [hbm4b:s3+s10], $0x1, v1, vm0, $0x4038;
	v1 =	vand.u32 $0x7F, v3;
	v3 =	vor.u32 v2, v4;
	[tilespmem:$0x1000] =	vst v63  }
0x3d: {  	s16 =	simm.s32 $0x20;
	s15 =	sor.u32 $0x800, s15;
	s17 =	sadd.s32 $0x10, s17;
	v2 =	vshrl.u32 v0, $0x5;
	v1 =	vor.u32 v1, v3  }
.LBB2_3:
0x3e: {  	s16 =	sadd.s32 $0x10, s16;
	vm1 =	veq.s32 v0, $0x80000000;
	v3 =	vand.u32 $0x1F, v0;
	v0 =	vld.msk [tilespmem:s17+$0x0 ss:$0x1], $0xffff;
	v2 =	vand.u32 $0x7FF, v2  }
0x3f: {  	p1 =	slt.u32 s16, $0x3F0;
	v3 =	vsel vm1, $0xFFFFFFFF, v3;
	v2 =	vsel vm1, $0xFFFFFFFF, v2  }
.Ltmp3:
0x40: {  	v4 =	vshll.u32 v3, $0xB;
	v5 =	vshll.u32 v2, $0x3;
	(pc) =	sbr.rel @p1 .LBB2_3-.Ltmp3, $4  }
0x41: {  	s14 =	sadd.s32 $0x10, s14;
	v3 =	vshll.u32 v3, $0x7;
	v4 =	vand.u32 $0xFFFFC000, v4;
	v5 =	vand.u32 $0xFFFFFC00, v5;
	(ifvalue) =	ssetifvalue $0x7FFFFFFF  }
0x42: {  	v3 =	vand.u32 $0x380, v3;
	v4 =	vadd.s32 v4, v5;
	[tilespmem:s14], [sflag:$0x1] =	stream.indirect_vreg.gather [hbm4b:s3+s10], $0x1, v1, vm0, $0x4038;
	[tilespmem:$0x1000] =	vst v63  }
0x43: {  	v1 =	vand.u32 $0x7F, v2;
	v3 =	vor.u32 v3, v4  }
0x44: {  	s17 =	sadd.s32 $0x10, s17;
	v2 =	vshrl.u32 v0, $0x5;
	v1 =	vor.u32 v1, v3  }
.Ltmp4:
0x45: {  	_ = 	snop;
	(pc) =	sbr.rel .LBB2_4-.Ltmp4, $1  }
0x46: {  	_ =	sdelay $0x3  }
.LBB2_6:
0x47: {  	_ =	sfence.sel $0x180000  }
0x48: {  	s2 =	simm.s32 $0x2;
	[bflag:$0x0] =	sbarrier.arrive $0xFFFF  }
0x49: {  	s30 =	simm.s32 $0x3;
	[sflag:s2] =	ssyncpa.u1 $0x1  }
0x4a: {  	s31 =	simm.s32 $0x1;
	[sflag:s30] =	ssyncpa.u1 $0x1  }
0x4b: {  	[sflag:s31] =	ssyncpa.u1 $0x1  }
0x4c: {  	p0 =	sne.s32 s1, $0x0;
	_ =	strace $0x9000004D  }
0x4d: {  	s0 =	sadd.s32 @!p0 $0x100000, s0;
	[bflag:$0x2] =	sbarrier.arrive $0xFFFF  }
0x4e: {  	[sflag:s0] =	ssyncadd.tile.s32 @!p0 $0x1;
	_ =	shalt  }
.Lfunc_end2:
_tile_overlayer_lowered:
.L_overlay_start_2:
0x4f: {  	(tag) =	ssettag $0x2  }
0x50: {  	s0 =	rddreg [dreg:$0x0];
	s2 =	stileid.u32  }
0x51: {  	s1 =	rddreg [dreg:$0x1];
	p0 =	sne.s32 s2, $0x0  }
0x52: {  	s3 =	rddreg [dreg:$0x2];
	[bflag:$0x3] =	sbarrier.arrive $0xFFFF;
	s2 =	simm.s32 @!p0 $0x1C01  }
0x53: {  	[timem:s3], [sflag:s2] =	dma.local @!p0 [hbm:s0], s1  }
0x54: {  	s0 =	simm.s32 @!p0 $0x1  }
0x55: {  	_ =	swait.ge @!p0 [sflag:s0], s1  }
0x56: {  	s1 =	ssub.s32 @!p0 $0x0, s1;
	[sflag:s0] =	ssyncset.done @!p0 $0x0  }
0x57: {  	[sflag:s0] =	ssyncadd.s32 @!p0 s1  }
0x58: {  	[bflag:$0x3] =	sbarrier.arrive $0xFFFF  }
0x59: {  	_ =	shalt  }

// kernel: gather_offload_async_start
scs
__scs_entry_jumppad:
0x0: {  	(pc) =	sbr.rel $0x88, $3  }
0x1: {  	(tag) =	ssettag $0x0;
	lr =	simm.s32 $0x1  }
0x2: {  	[smem:$0x3F8F] =	sst lr;
	_ =	strace $0xD0000000  }
0x3: {  	_ = 	snop  }
0x4: {  	_ = 	snop  }
0x5: {  	_ = 	snop  }
0x6: {  	_ = 	snop  }
0x7: {  	_ = 	snop  }
__scs_overlays_trampoline_lowered:
0x8: {  	[smem:$0x3F9E] =	sst s0  }
0x9: {  	[smem:$0x3F9F] =	sst s1  }
0xa: {  	[smem:$0x3FA0] =	sst s2  }
0xb: {  	[smem:$0x3FA1] =	sst s3  }
0xc: {  	[smem:$0x3FA2] =	sst s4  }
0xd: {  	[smem:$0x3FA3] =	sst s5  }
0xe: {  	[smem:$0x3FA4] =	sst s6  }
0xf: {  	[smem:$0x3FA5] =	sst s7  }
0x10: {  	[smem:$0x3FA6] =	sst s8  }
0x11: {  	[smem:$0x3FA7] =	sst s9;
	s0 =	simm.s32 @!p0 $0x0  }
0x12: {  	s1 =	sld [smem:$0x3F8D];
	s0 =	simm.s32 @p0 $0x1  }
0x13: {  	[smem:$0x3FA8] =	sst s0;
	s0 =	simm.s32 @!p1 $0x0  }
0x14: {  	s2 =	sld [smem:$0x3F8C];
	s0 =	simm.s32 @p1 $0x1  }
0x15: {  	[smem:$0x3FA9] =	sst s0;
	s0 =	simm.s32 @!p2 $0x0  }
0x16: {  	s3 =	sld [smem:$0x3FDB];
	s0 =	simm.s32 @p2 $0x1  }
0x17: {  	s4 =	simm.s32 $0x1BF5;
	[smem:$0x3FAB] =	sst s0  }
0x18: {  	s0 =	sld [smem:$0x3F8E];
	_ =	swait.ge [sflag:s4], $0x0  }
0x19: {  	s7 =	sld [smem:$0x3F8F]  }
0x1a: {  	s8 =	sadd.s32 $0xFFFFE003, lr  }
0x1b: {  	s9 =	sadd.s32 $0xFFFFFEF7, lr;
	s5 =	simm.s32 $0xFFFFFFFF;
	p2 =	slt.u32 s8, $0xFFFFF086  }
0x1c: {  	p1 =	slt.u32 s9, $0xF7A;
	s5 =	simm.s32 @!p2 $0x0  }
0x1d: {  	s5 =	simm.s32 @p1 $0x1;
	p0 =	seq.s32 s7, s2  }
0x1e: {  	s7 =	smul.u32 @!p0 $0xF7A, s2;
	p2 =	seq.s32 @!p0 s5, $0x0  }
0x1f: {  	s9 =	smul.u32 $0xF7A, s1;
	s8 =	simm.s32 @!p0 $0x1BF5;
	p2 =	por !p2, p0  }
0x20: {  	[sflag:s8] =	ssyncset.s32 @!p0 $0xFFFFF086;
	s6 =	sadd.s32 @!p0 s3, s7;
	s7 =	simm.s32 @!p0 $0x108  }
0x21: {  	s3 =	sadd.s32 s3, s9;
	s6 =	sadd.s32 @!p0 $0x88, s6;
	s7 =	simm.s32 @p2 $0x1082  }
0x22: {  	[simem:s7], [sflag:s8] =	dma.local @!p0 [hbm:s6], $0xF7A  }
0x23: {  	s9 =	sor.u32 $0xD0000000, s2;
	s6 =	simm.s32 $0x108;
	_ =	swait.ge @!p0 [sflag:s8], $0x0  }
0x24: {  	s3 =	sadd.s32 $0x88, s3;
	s6 =	simm.s32 @!p1 $0x1082;
	[sflag:s4] =	ssyncset.s32 $0xFFFFF086  }
0x25: {  	[simem:s6], [sflag:s4] =	dma.local [hbm:s3], $0xF7A  }
0x26: {  	[smem:$0x3F8F] =	sst s1;
	(tag) =	ssettag s2;
	_ =	strace s9  }
0x27: {  	s1 =	sld [smem:$0x3F9F]  }
0x28: {  	s2 =	sld [smem:$0x3FA0]  }
0x29: {  	s4 =	sld [smem:$0x3FA2]  }
0x2a: {  	p0 =	seq.s32 s5, $0x0;
	s5 =	sld [smem:$0x3FA3]  }
0x2b: {  	s6 =	sld [smem:$0x3FA4]  }
0x2c: {  	s7 =	sld [smem:$0x3FA5]  }
0x2d: {  	s3 =	simm.s32 $0x108;
	s8 =	sld [smem:$0x3FA6]  }
0x2e: {  	s3 =	simm.s32 @!p0 $0x1082;
	s9 =	sld [smem:$0x3FA7]  }
0x2f: {  	lr =	sadd.s32 s0, s3;
	s0 =	sld [smem:$0x3F9E]  }
0x30: {  	s3 =	sld [smem:$0x3FA1]  }
0x31: {  	[smem:$0x3FAA] =	sst s10  }
0x32: {  	s10 =	sld [smem:$0x3FA8];
	_ =	sdelay $0x3  }
0x33: {  	p0 =	seq.s32 s10, $0x1;
	s10 =	sld [smem:$0x3FAA];
	_ =	sdelay $0x3  }
0x34: {  	[smem:$0x3FAA] =	sst s10  }
0x35: {  	s10 =	sld [smem:$0x3FA9];
	_ =	sdelay $0x3  }
0x36: {  	p1 =	seq.s32 s10, $0x1;
	s10 =	sld [smem:$0x3FAA];
	_ =	sdelay $0x3  }
0x37: {  	[smem:$0x3FAA] =	sst s10  }
0x38: {  	s10 =	sld [smem:$0x3FAB]  }
0x39: {  	_ = 	snop;
	(pc) =	sbr.ind lr, $3  }
0x3a: {  	_ = 	snop  }
0x3b: {  	_ = 	snop  }
0x3c: {  	p2 =	seq.s32 s10, $0x1;
	s10 =	sld [smem:$0x3FAA]  }
0x3d: {  	_ =	shalt  }
0x3e: {  	_ =	shalt  }
0x3f: {  	_ =	shalt  }
0x40: {  	_ =	shalt  }
0x41: {  	_ =	shalt  }
0x42: {  	_ =	shalt  }
0x43: {  	_ =	shalt  }
0x44: {  	_ =	shalt  }
0x45: {  	_ =	shalt  }
0x46: {  	_ =	shalt  }
0x47: {  	_ =	shalt  }
0x48: {  	_ =	shalt  }
0x49: {  	_ =	shalt  }
0x4a: {  	_ =	shalt  }
0x4b: {  	_ =	shalt  }
0x4c: {  	_ =	shalt  }
0x4d: {  	_ =	shalt  }
0x4e: {  	_ =	shalt  }
0x4f: {  	_ =	shalt  }
0x50: {  	_ =	shalt  }
0x51: {  	_ =	shalt  }
0x52: {  	_ =	shalt  }
0x53: {  	_ =	shalt  }
0x54: {  	_ =	shalt  }
0x55: {  	_ =	shalt  }
0x56: {  	_ =	shalt  }
0x57: {  	_ =	shalt  }
0x58: {  	_ =	shalt  }
0x59: {  	_ =	shalt  }
0x5a: {  	_ =	shalt  }
0x5b: {  	_ =	shalt  }
0x5c: {  	_ =	shalt  }
0x5d: {  	_ =	shalt  }
0x5e: {  	_ =	shalt  }
0x5f: {  	_ =	shalt  }
0x60: {  	_ =	shalt  }
0x61: {  	_ =	shalt  }
0x62: {  	_ =	shalt  }
0x63: {  	_ =	shalt  }
0x64: {  	_ =	shalt  }
0x65: {  	_ =	shalt  }
0x66: {  	_ =	shalt  }
0x67: {  	_ =	shalt  }
0x68: {  	_ =	shalt  }
0x69: {  	_ =	shalt  }
0x6a: {  	_ =	shalt  }
0x6b: {  	_ =	shalt  }
0x6c: {  	_ =	shalt  }
0x6d: {  	_ =	shalt  }
0x6e: {  	_ =	shalt  }
0x6f: {  	_ =	shalt  }
0x70: {  	_ =	shalt  }
0x71: {  	_ =	shalt  }
0x72: {  	_ =	shalt  }
0x73: {  	_ =	shalt  }
0x74: {  	_ =	shalt  }
0x75: {  	_ =	shalt  }
0x76: {  	_ =	shalt  }
0x77: {  	_ =	shalt  }
0x78: {  	_ =	shalt  }
0x79: {  	_ =	shalt  }
0x7a: {  	_ =	shalt  }
0x7b: {  	_ =	shalt  }
0x7c: {  	_ =	shalt  }
0x7d: {  	_ =	shalt  }
0x7e: {  	_ =	shalt  }
0x7f: {  	_ =	shalt  }
0x80: {  	_ =	shalt  }
0x81: {  	_ =	shalt  }
0x82: {  	_ =	shalt  }
0x83: {  	_ =	shalt  }
0x84: {  	_ =	shalt  }
0x85: {  	_ =	shalt  }
0x86: {  	_ =	shalt  }
0x87: {  	_ =	shalt  }
.Lfunc_end0:
.L_simem_size_0:
called_computation_lowered:
.L_overlay_start_0:
0x88: {  	s2 =	sld [smem:$0x3FD9]  }
0x89: {  	s3 =	sld [smem:$0x3FFE];
	_ =	sdelay $0x1  }
0x8a: {  	s1 =	srdreg.scid  }
0x8b: {  	s0 =	sand.u32 $0x1, s1  }
0x8c: {  	s17 =	sshll.u32 s0, $0xA;
	s2 =	sadd.s32 s3, s2  }
0x8d: {  	s2 =	sadd.s32 s2, s17  }
0x8e: {  	[smem:$0x3FB6] =	sst s2  }
0x8f: {  	_ = 	snop  }
0x90: {  	s18 =	sld [smem:$0x3FD0];
	(tm) =	ssettm $0x1  }
0x91: {  	s19 =	sld [smem:$0x3FFB];
	_ =	sdelay $0x3  }
0x92: {  	_ =	strace s19  }
0x93: {  	s2 =	sld [smem:$0x3FFC];
	_ =	sdelay $0x3  }
0x94: {  	_ =	strace s2  }
0x95: {  	s2 =	sld [smem:$0x3FFD];
	_ =	sdelay $0x3  }
0x96: {  	_ =	strace s2  }
0x97: {  	_ =	strace $0x8FFFFFFF  }
0x98: {  	s20 =	sld [smem:$0x3FDB];
	_ =	sdelay $0x1  }
0x99: {  	s4 =	simm.s32 $_scs_section_size  }
0x9a: {  	s5 =	simm.s32 $_size__tile_overlayer_lowered;
	s6 =	simm.s32 $_tile_overlayer_lowered  }
0x9b: {  	s7 =	simm.s32 $0x1BFF;
	s21 =	sshll.u32 s6, $0x1;
	s4 =	sadd.s32 s4, s20  }
0x9c: {  	s22 =	simm.s32 $0x0;
	s5 =	sshll.u32 s5, $0x1;
	s6 =	sadd.s32 s21, s4  }
0x9d: {  	[timem:s22], [sflag:s7] =	dma.local [hbm:s6], s5  }
0x9e: {  	_ =	swait.ge [sflag:s7], s5  }
0x9f: {  	s5 =	ssub.s32 $0x0, s5;
	[sflag:s7] =	ssyncset.done $0x0  }
0xa0: {  	[sflag:s7] =	ssyncadd.s32 s5;
	_ =	sdelay $0x1  }
0xa1: {  	s23 =	simm.s32 $0x1B8B  }
0xa2: {  	_ =	swait.ge [sflag:s23], $0x1  }
0xa3: {  	[sflag:s23] =	ssyncset.done $0x0  }
0xa4: {  	[sflag:s23] =	ssyncadd.s32 $0xFFFFFFFF  }
0xa5: {  	s5 =	sld [smem:$0x0]  }
0xa6: {  	s6 =	sand.u32 $0xFFFFFFFE, s1  }
0xa7: {  	p0 =	sne.s32 s1, s6  }
0xa8: {  	s6 =	sshll.u32 @p0 s6, $0xE  }
0xa9: {  	s6 =	sadd.s32 @p0 $0x11B8D, s6;
	s7 =	sshll.u32 @p0 s5, $0x11  }
0xaa: {  	s6 =	sor.u32 @p0 s7, s6  }
0xab: {  	[sflag:s6] =	ssyncadd.remote.s32 @p0 $0x1;
	_ =	sdelay $0x1  }
0xac: {  	s6 =	simm.s32 @p0 $0x1B8D  }
0xad: {  	_ =	swait.eq @p0 [sflag:s6], $0x1  }
0xae: {  	[sflag:s6] =	ssyncadd.s32 @p0 $0xFFFFFFFF  }
0xaf: {  	s7 =	sshll.u32 @!p0 s1, $0xE  }
0xb0: {  	s7 =	sor.u32 @!p0 $0x4000, s7;
	s6 =	simm.s32 @!p0 $0x1B8D  }
0xb1: {  	s5 =	sshll.u32 @!p0 s5, $0x11;
	s7 =	sadd.s32 @!p0 $0x11B8D, s7;
	_ =	swait.eq @!p0 [sflag:s6], $0x1  }
0xb2: {  	s5 =	sor.u32 @!p0 s5, s7;
	[sflag:s6] =	ssyncadd.s32 @!p0 $0xFFFFFFFF  }
0xb3: {  	s25 =	simm.s32 $0x1B8E;
	s24 =	sld [smem:$0x3FFE];
	[sflag:s5] =	ssyncadd.remote.s32 @!p0 $0x1  }
0xb4: {  	s26 =	simm.s32 $execute0_lowered;
	[smem:$0x3FD2] =	sst s25  }
0xb5: {  	s6 =	sshll.u32 s26, $0x1;
	_ =	strace $0x80000049;
	[dreg:$0x1] =	wrdreg $0xFFFFFFFF  }
0xb6: {  	s28 =	simm.s32 $_size_execute0_lowered;
	s4 =	sadd.s32 s4, s6;
	[dreg:$0x0] =	wrdreg $0x0  }
0xb7: {  	s6 =	sshll.u32 s28, $0x1;
	[dreg:$0x2] =	wrdreg s4  }
0xb8: {  	[dreg:$0x3] =	wrdreg s6  }
0xb9: {  	[dreg:$0x4] =	wrdreg $0xC0  }
0xba: {  	_ =	task [dreg:s22], $0x5FFFF  }
0xbb: {  	[dreg:$0x1] =	wrdreg $0xFFFFFFFF  }
0xbc: {  	[dreg:$0x0] =	wrdreg $0x60  }
0xbd: {  	[dreg:$0x2] =	wrdreg s24  }
0xbe: {  	[dreg:$0x3] =	wrdreg s18  }
0xbf: {  	[dreg:$0x4] =	wrdreg $0x9  }
0xc0: {  	_ =	task.clear_ibuf [dreg:s22], $0x5FFFF;
	_ =	strace $0x90000049  }
0xc1: {  	s29 =	simm.s32 $0x9;
	_ =	strace $0x8000004B  }
0xc2: {  	_ =	swait.ge [sflag:s29], $0x1  }
0xc3: {  	[sflag:s29] =	ssyncadd.s32 $0xFFFFFFFF  }
0xc4: {  	_ =	strace $0x9000004B  }
0xc5: {  	_ =	sfence  }
0xc6: {  	s30 =	sld [smem:$0x0];
	_ =	sdelay $0x2  }
0xc7: {  	s31 =	sshll.u32 s1, $0xD;
	s1 =	sshrl.u32 s1, $0x2  }
0xc8: {  	s4 =	sand.u32 $0x4000, s31;
	s1 =	sadd.s32 s1, s30  }
0xc9: {  	s0 =	sor.u32 s4, s0;
	s1 =	sshll.u32 s1, $0x11  }
0xca: {  	s0 =	sor.u32 s1, s0  }
0xcb: {  	s0 =	sadd.s32 $0x8F2B, s0  }
0xcc: {  	[sflag:s0] =	ssyncadd.remote.s32 $0x1  }
0xcd: {  	_ =	sfence.sel $0xFFFF  }
0xce: {  	[dreg:$0x0] =	wrdreg $0xFFFFFFFF;
	(pc) =	sbr.abs _section_cstart, $3  }
0xcf: {  	[dreg:$0x1] =	wrdreg $0xFFFFFFFF  }
0xd0: {  	_ =	task.clear_ibuf [dreg:s22], $0x2FFFF;
	_ =	strace $0x9FFFFFFF  }
0xd1: {  	(tm) =	ssettm $0x7FFFFFFF  }
tec
execute0_lowered:
.L_overlay_start_1:
0x0: {  	(tag) =	ssettag $0x1  }
0x1: {  	s7 =	rddreg [dreg:$0x0]  }
0x2: {  	s2 =	rddreg [dreg:$0x1]  }
0x3: {  	s0 =	rddreg [dreg:$0x2]  }
0x4: {  	s1 =	srdreg.scid;
	_ =	strace $0x8000004A;
	s4 =	simm.s32 $0x1  }
0x5: {  	s9 =	simm.s32 $0x3;
	s11 =	simm.s32 $0x0;
	s5 =	sshll.u32 s1, $0x4  }
.Ltmp0:
0x6: {  	s1 =	stileid.u32;
	s5 =	sand.u32 $0x10, s5;
	(pc) =	sbr.rel .LBB2_1-.Ltmp0, $4  }
0x7: {  	p0 =	por $0x0, $0x0;
	s3 =	sadd.s32 $0x196800, s7;
	s6 =	sor.u32 s1, s5  }
0x8: {  	[sflag:s4] =	ssyncpa.u1 $0x0;
	s5 =	simm.s32 $0x2;
	s6 =	sshll.u32 s6, $0xB  }
0x9: {  	s7 =	sadd.s32 $0x398800, s7;
	[sflag:s5] =	ssyncpa.u1 $0x0;
	s8 =	sadd.s32 $0x800, s6  }
0xa: {  	vm0 =	vmmov $0xff;
	vm1 =	vcmask $0x3F20;
	[sflag:s9] =	ssyncpa.u1 $0x0;
	s10 =	smov.u32 s6;
	s9 =	simm.s32 $0x0  }
.LBB2_8:
0xb: {  	[hbm:s15] =	stream.linear.scatter [tilespmem:s12], [sflag:$0x3], $0x800, $0x38;
	[tilespmem:$0x10100] =	vst v63  }
.LBB2_9:
0xc: {  	p1 =	slt.u32 s9, $0x2;
	s11 =	sadd.s32 $0x80, s10  }
0xd: {  	s13 =	smov.u32 s6;
	s9 =	sadd.s32 $0x1, s9;
	p2 =	slt.s32 s11, s8  }
0xe: {  	s13 =	smov.u32 @p2 s11;
	p2 =	sne.s32 s9, $0x12  }
.Ltmp1:
0xf: {  	_ = 	snop;
	(pc) =	sbr.rel @!p2 .LBB2_10-.Ltmp1, $4  }
0x10: {  	s12 =	simm.s32 @!p1 $0x3  }
0x11: {  	_ =	swait.ge @!p1 [sflag:s12], $0x8000  }
0x12: {  	p0 =	por !p0, !p0;
	[sflag:s12] =	ssyncset.done @!p1 $0x0  }
0x13: {  	s11 =	smov.u32 s10;
	s10 =	smov.u32 s13;
	[sflag:s12] =	ssyncadd.s32 @!p1 $0xFFFF8000  }
.LBB2_1:
0x14: {  	p1 =	sgt.u32 s9, $0xF  }
0x15: {  	s12 =	sxor.u32 @!p1 $0xFFFFFFFF, s9  }
0x16: {  	s13 =	sshrl.u32 @!p1 s10, $0x3;
	s12 =	sshll.u32 @!p1 s12, $0x7  }
0x17: {  	s14 =	sand.u32 @!p1 $0x7, s10;
	s13 =	sadd.s32 @!p1 s2, s13;
	s12 =	sand.u32 @!p1 $0x80, s12  }
0x18: {  	[tilespmem:s12], [sflag:$0x2] =	stream.linear.gather @!p1 [hbm4b:s13+s14], $0x80, $0x38;
	[tilespmem:$0x10100] =	vst v63  }
0x19: {  	p1 =	seq.s32 s9, $0x0  }
0x1a: {  	p2 =	seq.s32 @!p1 s9, $0x11  }
0x1b: {  	p1 =	por p1, p2  }
.Ltmp2:
0x1c: {  	_ = 	snop;
	(pc) =	sbr.rel @p1 .LBB2_9-.Ltmp2, $1  }
0x1d: {  	_ =	sdelay $0x3  }
0x1e: {  	s12 =	simm.s32 $0x1;
	_ =	swait.ge [sflag:s5], $0x80;
	s13 =	sand.u32 $0x1, s9  }
0x1f: {  	s15 =	simm.s32 $0x0;
	s12 =	simm.s32 @!p0 $0x0;
	[sflag:s5] =	ssyncset.done $0x0  }
0x20: {  	s14 =	sshll.u32 s13, $0xF;
	s13 =	sshll.u32 s13, $0x7;
	s12 =	sshll.u32 s12, $0xF  }
0x21: {  	[sflag:s5] =	ssyncadd.s32 $0xFFFFFF80;
	s14 =	sor.u32 $0x100, s14;
	s12 =	sor.u32 $0x100, s12  }
.LBB2_3:
0x22: {  	s16 =	sshll.u32 s15, $0x4  }
0x23: {  	s16 =	sand.u32 $0x3FFFFFF0, s16  }
0x24: {  	s16 =	sadd.s32 s16, s13  }
0x25: {  	v0 =	vld.msk [tilespmem:s16+$0x0 ss:$0x1], $0xffff;
	_ =	sdelay $0x4  }
0x26: {  	v1 =	vshrl.u32 v0, $0x5  }
0x27: {  	vm2 =	veq.s32 v0, $0x80000000;
	v1 =	vand.u32 $0x7FF, v1  }
0x28: {  	v0 =	vshll.u32 v0, $0x13;
	v1 =	vsel vm2, $0xFFFFFFFF, v1  }
0x29: {  	v0 =	vand.u32 $0xF80000, v0;
	v2 =	vshll.u32 v1, $0x8  }
0x2a: {  	v0 =	vsel vm2, $0xFFF80000, v0;
	v1 =	vshll.u32 v1, $0x7;
	v2 =	vand.u32 $0xFFFFF800, v2  }
0x2b: {  	s31 =	sshll.u32 s15, $0xC;
	v1 =	vand.u32 $0x380, v1;
	v0 =	vadd.s32 v0, v2  }
0x2c: {  	s16 =	sand.u32 $0x3FFFF000, s31;
	v0 =	vor.u32 v1, v0  }
0x2d: {  	p1 =	por $0x1, $0x1;
	s17 =	simm.s32 $0x0;
	s16 =	sadd.s32 s16, s14;
	v0 =	vshrl.u32 v0, $0x3  }
.LBB2_4:
0x2e: {  	_ =	sdelay $0x1  }
0x2f: {  	s17 =	sshra.s32 s17, $0x2;
	p2 =	por p1, p1  }
.Ltmp3:
0x30: {  	s17 =	sadd.s32 s17, s16;
	(pc) =	sbr.rel @p2 .LBB2_4-.Ltmp3, $4  }
0x31: {  	[tilespmem:s17], [sflag:$0x1] =	stream.indirect_vreg.gather [hbm:s3], $0x80, v0, vm0, $0x38;
	[tilespmem:$0x10100] =	vst v63  }
0x32: {  	s17 =	sadd.s32 $0x800, s17  }
0x33: {  	[tilespmem:s17], [sflag:$0x1] =	stream.indirect_vreg.gather [hbm:s3], $0x80, v0, vm1, $0x38;
	[tilespmem:$0x10100] =	vst v63  }
0x34: {  	p1 =	por $0x0, $0x0;
	v0 =	vadd.s32 $0x80, v0;
	s17 =	simm.s32 $0x1000  }
0x35: {  	s15 =	sadd.s32 $0x1, s15  }
0x36: {  	p1 =	sne.s32 s15, $0x8  }
.Ltmp4:
0x37: {  	_ = 	snop;
	(pc) =	sbr.rel @p1 .LBB2_3-.Ltmp4, $1  }
0x38: {  	_ =	sdelay $0x3  }
0x39: {  	s13 =	sshll.u32 s11, $0x5  }
0x3a: {  	s31 =	sshll.u32 s11, $0x4;
	s13 =	sand.u32 $0xFFFFFF00, s13  }
0x3b: {  	_ =	swait.ge [sflag:s4], $0x8000;
	s11 =	sand.u32 $0x70, s31;
	s13 =	sadd.s32 s13, s7  }
0x3c: {  	s14 =	sadd.s32 $0x800, s12;
	[sflag:s4] =	ssyncset.done $0x0;
	s11 =	sadd.s32 s11, s13  }
0x3d: {  	[sflag:s4] =	ssyncadd.s32 $0xFFFF8000;
	s13 =	simm.s32 $0x100;
	s15 =	sadd.s32 $0x0, s11  }
.LBB2_7:
0x3e: {  	[hbm:s15] =	stream.linear.scatter [tilespmem:s12], [sflag:$0x3], $0x800, $0x38;
	[tilespmem:$0x10100] =	vst v63  }
0x3f: {  	s15 =	smov.u32 s13;
	s12 =	smov.u32 s14;
	p1 =	sne.s32 s13, $0xF00  }
.Ltmp5:
0x40: {  	s13 =	sadd.s32 $0x100, s13;
	(pc) =	sbr.rel @p1 .LBB2_7-.Ltmp5, $2  }
0x41: {  	_ =	sdelay $0x2  }
0x42: {  	s14 =	sadd.s32 $0x800, s14;
	s15 =	sadd.s32 s15, s11  }
.Ltmp6:
0x43: {  	_ = 	snop;
	(pc) =	sbr.rel .LBB2_8-.Ltmp6, $1  }
0x44: {  	_ =	sdelay $0x3  }
.LBB2_10:
0x45: {  	_ =	sfence.sel $0x180000  }
0x46: {  	s2 =	simm.s32 $0x2;
	[bflag:$0x0] =	sbarrier.arrive $0xFFFF  }
0x47: {  	s30 =	simm.s32 $0x3;
	[sflag:s2] =	ssyncpa.u1 $0x1  }
0x48: {  	s31 =	simm.s32 $0x1;
	[sflag:s30] =	ssyncpa.u1 $0x1  }
0x49: {  	[sflag:s31] =	ssyncpa.u1 $0x1  }
0x4a: {  	p0 =	sne.s32 s1, $0x0;
	_ =	strace $0x9000004A  }
0x4b: {  	s0 =	sadd.s32 @!p0 $0x100000, s0;
	[bflag:$0x2] =	sbarrier.arrive $0xFFFF  }
0x4c: {  	[sflag:s0] =	ssyncadd.tile.s32 @!p0 $0x1;
	_ =	shalt  }
.Lfunc_end2:
_tile_overlayer_lowered:
.L_overlay_start_2:
0x4d: {  	(tag) =	ssettag $0x2  }
0x4e: {  	s0 =	rddreg [dreg:$0x0];
	s2 =	stileid.u32  }
0x4f: {  	s1 =	rddreg [dreg:$0x1];
	p0 =	sne.s32 s2, $0x0  }
0x50: {  	s3 =	rddreg [dreg:$0x2];
	[bflag:$0x3] =	sbarrier.arrive $0xFFFF;
	s2 =	simm.s32 @!p0 $0x1C01  }
0x51: {  	[timem:s3], [sflag:s2] =	dma.local @!p0 [hbm:s0], s1  }
0x52: {  	s0 =	simm.s32 @!p0 $0x1  }
0x53: {  	_ =	swait.ge @!p0 [sflag:s0], s1  }
0x54: {  	s1 =	ssub.s32 @!p0 $0x0, s1;
	[sflag:s0] =	ssyncset.done @!p0 $0x0  }
0x55: {  	[sflag:s0] =	ssyncadd.s32 @!p0 s1  }
0x56: {  	[bflag:$0x3] =	sbarrier.arrive $0xFFFF  }
0x57: {  	_ =	shalt  }

</sc_bundles>
